<compile_context>
chip_gen: v7x
topology: tpu7x:2x2x1
jax: 0.10.2.dev20260603
libtpu: 0.0.44.dev20260713+nightly
codegen_flags: <defaults>
</compile_context>

<pallas_src>
import functools

import jax
import jax.numpy as jnp
from jax import lax
from jax.experimental import pallas as pl
from jax.experimental.pallas import tpu as pltpu
from jax.experimental.pallas import tpu_sc as plsc

D = 128
NC, NS = 2, 16
NW = NC * NS
CH = 128
HCH = 64
NBUF = 10


@functools.partial(jax.jit, static_argnames=("batch", "hist"))
def _lookup(idx3, table, *, batch, hist):
    mesh = plsc.VectorSubcoreMesh(core_axis_name="c", subcore_axis_name="s")

    @functools.partial(
        pl.kernel,
        out_type=jax.ShapeDtypeStruct((hist, batch, D), jnp.float32),
        mesh=mesh,
        scratch_types=[
            pltpu.VMEM((hist, CH), jnp.int32),
            pltpu.VMEM((NBUF, HCH, D), jnp.float32),
            pltpu.SemaphoreType.DMA((NBUF,)),
            pltpu.SemaphoreType.DMA((NBUF,)),
        ],
    )
    def body(table_hbm, idx_hbm, out_hbm, idx_v, rows_v, gsem, wsem):
        wid = lax.axis_index("s") * NC + lax.axis_index("c")
        pltpu.sync_copy(idx_hbm.at[wid], idx_v)
        bbase = wid * CH

        def fire_gather(h, half, b):
            pltpu.async_copy(
                table_hbm.at[idx_v.at[h].at[pl.ds(half * HCH, HCH)]],
                rows_v.at[b], gsem.at[b])

        def wait_gather(b):
            pltpu.make_async_copy(
                table_hbm.at[idx_v.at[0].at[pl.ds(0, HCH)]], rows_v.at[b],
                gsem.at[b]).wait()

        def fire_write(h, half, b):
            pltpu.async_copy(
                rows_v.at[b],
                out_hbm.at[h].at[pl.ds(bbase + half * HCH, HCH)], wsem.at[b])

        def wait_write(b):
            pltpu.make_async_copy(rows_v.at[b],
                                  out_hbm.at[0].at[pl.ds(bbase, HCH)],
                                  wsem.at[b]).wait()

        hb = NBUF // 2

        for j in range(NBUF):
            fire_gather(j // 2, j % 2, j)

        @pl.loop(0, hist - hb, step=hb)
        def _(h0):
            for j in range(NBUF):
                wait_gather(j)
                fire_write(h0 + j // 2, j % 2, j)
            for j in range(NBUF):
                wait_write(j)
                fire_gather(h0 + hb + j // 2, j % 2, j)

        for j in range(NBUF):
            wait_gather(j)
            fire_write(hist - hb + j // 2, j % 2, j)
        for j in range(NBUF):
            wait_write(j)

    return body(table, idx3)


def kernel(input_ids, word_embeddings):
    batch, hist = input_ids.shape
    idx3 = input_ids.astype(jnp.int32).reshape(NW, CH, hist)
    idx3 = idx3.transpose(0, 2, 1)
    out = _lookup(idx3, word_embeddings, batch=batch, hist=hist)
    return out.transpose(1, 0, 2)

# --- scband reference (transcript-rebuilt; emitter-appended) ---
"""Pipeline reference for scband-pre-embeddings-9904194584812 (READ-ONLY COPY).

The authoritative reference and input builder live on the scoring server;
editing this copy changes nothing except your own understanding.
"""

import jax, jax.numpy as jnp
import numpy as np

VOCAB = 100000
EMBED_DIM = 128
BATCH = 4096
HIST = 50

def setup_inputs(seed: int = 0) -> dict:
    key = jax.random.key(seed)
    k1, k2 = jax.random.split(key)
    input_ids = jax.random.randint(k1, (BATCH, HIST), 0, VOCAB, dtype=jnp.int64 if jax.config.read('jax_enable_x64') else jnp.int32)
    word_embeddings = jax.random.normal(k2, (VOCAB, EMBED_DIM), dtype=jnp.float32)
    return {"input_ids": input_ids, "word_embeddings": word_embeddings}

def reference(input_ids, word_embeddings):
    # PreEmbeddings.forward: embedding lookup from pretrained (frozen) table,
    # followed by dropout (identity in eval mode).
    embeddings = jnp.take(word_embeddings, input_ids, axis=0)
    return embeddings

if __name__ == "__main__":
    import jax
    _d = setup_inputs()
    print(jax.jit(kernel)(*tuple(_d.values())))

</pallas_src>

<mosaic_0001>
#map = affine_map<(d0, d1) -> (0, 0)>
#map1 = affine_map<(d0, d1) -> (0, 0, 0)>
module attributes {stable_mosaic.version = 14 : i64} {
  func.func @body(%arg0: i32, %arg1: i32, %arg2: memref<100000x128xf32, #tpu.memory_space<hbm>>, %arg3: memref<32x50x128xi32, #tpu.memory_space<hbm>>, %arg4: memref<50x4096x128xf32, #tpu.memory_space<hbm>>, %arg5: memref<50x128xi32, #tpu.memory_space<vmem>>, %arg6: memref<10x64x128xf32, #tpu.memory_space<vmem>>, %arg7: memref<10x!tpu.dma_semaphore, #tpu.memory_space<semaphore_mem>>, %arg8: memref<10x!tpu.dma_semaphore, #tpu.memory_space<semaphore_mem>>) attributes {dimension_semantics = [#tpu.dimension_semantics<core_parallel>, #tpu.dimension_semantics<subcore_parallel>], iteration_bounds = array<i64: 2, 16>, scalar_prefetch = 0 : i64, scratch_operands = 4 : i64, tpu.core_type = #tpu.core_type<sc_vector_subcore>, window_params = [{transform_indices = #map}, {transform_indices = #map1}, {transform_indices = #map1}]} {
    %mul3A = arith.constant 2 : i32
    %mul3A_0 = arith.muli %arg1, %mul3A : i32
    %add3A = arith.addi %mul3A_0, %arg0 : i32
    "tpu.region"() ({
      %run_scoped3A = tpu.sem_alloc : memref<!tpu.dma_semaphore, #tpu.memory_space<semaphore_mem>>
      %dma_start3A_865 = arith.constant 0 : i32
      %dma_start3A_866 = arith.constant 0 : i32
      %dma_start3A_867 = tpu.memref_slice %arg3[%add3A, %dma_start3A_865, %dma_start3A_866] : memref<32x50x128xi32, #tpu.memory_space<hbm>> -> memref<1x50x128xi32, #tpu.memory_space<hbm>>
      %dma_start3A_868 = tpu.memref_squeeze %dma_start3A_867 : memref<1x50x128xi32, #tpu.memory_space<hbm>> -> memref<50x128xi32, #tpu.memory_space<hbm>>
      %dma_start3A_869 = arith.constant 0 : i32
      %dma_start3A_870 = arith.constant 0 : i32
      %dma_start3A_871 = tpu.memref_slice %arg3[%add3A, %dma_start3A_869, %dma_start3A_870] : memref<32x50x128xi32, #tpu.memory_space<hbm>> -> memref<1x50x128xi32, #tpu.memory_space<hbm>>
      %dma_start3A_872 = tpu.memref_squeeze %dma_start3A_871 : memref<1x50x128xi32, #tpu.memory_space<hbm>> -> memref<50x128xi32, #tpu.memory_space<hbm>>
      tpu.enqueue_dma source(%dma_start3A_872 : memref<50x128xi32, #tpu.memory_space<hbm>>) target(%arg5 : memref<50x128xi32, #tpu.memory_space<vmem>>) target_semaphore(%run_scoped3A : memref<!tpu.dma_semaphore, #tpu.memory_space<semaphore_mem>>)
      %dma_wait3A_873 = arith.constant 0 : i32
      %dma_wait3A_874 = arith.constant 0 : i32
      %dma_wait3A_875 = tpu.memref_slice %arg3[%add3A, %dma_wait3A_873, %dma_wait3A_874] : memref<32x50x128xi32, #tpu.memory_space<hbm>> -> memref<1x50x128xi32, #tpu.memory_space<hbm>>
      %dma_wait3A_876 = tpu.memref_squeeze %dma_wait3A_875 : memref<1x50x128xi32, #tpu.memory_space<hbm>> -> memref<50x128xi32, #tpu.memory_space<hbm>>
      %dma_wait3A_877 = arith.constant 0 : i32
      %dma_wait3A_878 = arith.constant 0 : i32
      %dma_wait3A_879 = tpu.memref_slice %arg3[%add3A, %dma_wait3A_877, %dma_wait3A_878] : memref<32x50x128xi32, #tpu.memory_space<hbm>> -> memref<1x50x128xi32, #tpu.memory_space<hbm>>
      %dma_wait3A_880 = tpu.memref_squeeze %dma_wait3A_879 : memref<1x50x128xi32, #tpu.memory_space<hbm>> -> memref<50x128xi32, #tpu.memory_space<hbm>>
      tpu.wait_dma2 semaphore(%run_scoped3A : memref<!tpu.dma_semaphore, #tpu.memory_space<semaphore_mem>>) src(%dma_wait3A_880 : memref<50x128xi32, #tpu.memory_space<hbm>>) dst(%arg5 : memref<50x128xi32, #tpu.memory_space<vmem>>)
      tpu.yield
    }) : () -> ()
    %mul3A_1 = arith.constant 128 : i32
    %mul3A_2 = arith.muli %add3A, %mul3A_1 : i32
    %dma_start3A = arith.constant 0 : i32
    %dma_start3A_3 = arith.constant 0 : i32
    %dma_start3A_4 = arith.constant 0 : i32
    %dma_start3A_5 = arith.constant 0 : i32
    %dma_start3A_6 = arith.constant 0 : i32
    %dma_start3A_7 = tpu.memref_slice %arg6[%dma_start3A_3, %dma_start3A_5, %dma_start3A_6] : memref<10x64x128xf32, #tpu.memory_space<vmem>> -> memref<1x64x128xf32, #tpu.memory_space<vmem>>
    %dma_start3A_8 = tpu.memref_squeeze %dma_start3A_7 : memref<1x64x128xf32, #tpu.memory_space<vmem>> -> memref<64x128xf32, #tpu.memory_space<vmem>>
    %dma_start3A_9 = arith.constant 0 : i32
    %dma_start3A_10 = tpu.memref_slice %arg5[%dma_start3A, %dma_start3A_9] : memref<50x128xi32, #tpu.memory_space<vmem>> -> memref<1x128xi32, #tpu.memory_space<vmem>>
    %dma_start3A_11 = tpu.memref_squeeze %dma_start3A_10 : memref<1x128xi32, #tpu.memory_space<vmem>> -> memref<128xi32, #tpu.memory_space<vmem>>
    %dma_start3A_12 = arith.constant 0 : i32
    %dma_start3A_13 = tpu.memref_slice %dma_start3A_11[%dma_start3A_12] : memref<128xi32, #tpu.memory_space<vmem>> -> memref<64xi32, #tpu.memory_space<vmem>>
    %dma_start3A_14 = arith.constant 0 : i32
    %dma_start3A_15 = arith.constant 0 : i32
    %dma_start3A_16 = tpu.memref_slice %arg2[%dma_start3A_14, %dma_start3A_15] : memref<100000x128xf32, #tpu.memory_space<hbm>> -> memref<100000x128xf32, #tpu.memory_space<hbm>>
    %dma_start3A_17 = tpu.memref_slice %arg7[%dma_start3A_4] : memref<10x!tpu.dma_semaphore, #tpu.memory_space<semaphore_mem>> -> memref<1x!tpu.dma_semaphore, #tpu.memory_space<semaphore_mem>>
    %dma_start3A_18 = tpu.memref_squeeze %dma_start3A_17 : memref<1x!tpu.dma_semaphore, #tpu.memory_space<semaphore_mem>> -> memref<!tpu.dma_semaphore, #tpu.memory_space<semaphore_mem>>
    tpu.enqueue_indirect_dma source(%dma_start3A_16 : memref<100000x128xf32, #tpu.memory_space<hbm>>) target(%dma_start3A_8 : memref<64x128xf32, #tpu.memory_space<vmem>>) offsets(%dma_start3A_13 : memref<64xi32, #tpu.memory_space<vmem>>) semaphore(%dma_start3A_18 : memref<!tpu.dma_semaphore, #tpu.memory_space<semaphore_mem>>)
    %dma_start3A_19 = arith.constant 0 : i32
    %dma_start3A_20 = arith.constant 1 : i32
    %dma_start3A_21 = arith.constant 1 : i32
    %dma_start3A_22 = arith.constant 0 : i32
    %dma_start3A_23 = arith.constant 0 : i32
    %dma_start3A_24 = tpu.memref_slice %arg6[%dma_start3A_20, %dma_start3A_22, %dma_start3A_23] : memref<10x64x128xf32, #tpu.memory_space<vmem>> -> memref<1x64x128xf32, #tpu.memory_space<vmem>>
    %dma_start3A_25 = tpu.memref_squeeze %dma_start3A_24 : memref<1x64x128xf32, #tpu.memory_space<vmem>> -> memref<64x128xf32, #tpu.memory_space<vmem>>
    %dma_start3A_26 = arith.constant 0 : i32
    %dma_start3A_27 = tpu.memref_slice %arg5[%dma_start3A_19, %dma_start3A_26] : memref<50x128xi32, #tpu.memory_space<vmem>> -> memref<1x128xi32, #tpu.memory_space<vmem>>
    %dma_start3A_28 = tpu.memref_squeeze %dma_start3A_27 : memref<1x128xi32, #tpu.memory_space<vmem>> -> memref<128xi32, #tpu.memory_space<vmem>>
    %dma_start3A_29 = arith.constant 64 : i32
    %dma_start3A_30 = tpu.memref_slice %dma_start3A_28[%dma_start3A_29] : memref<128xi32, #tpu.memory_space<vmem>> -> memref<64xi32, #tpu.memory_space<vmem>>
    %dma_start3A_31 = arith.constant 0 : i32
    %dma_start3A_32 = arith.constant 0 : i32
    %dma_start3A_33 = tpu.memref_slice %arg2[%dma_start3A_31, %dma_start3A_32] : memref<100000x128xf32, #tpu.memory_space<hbm>> -> memref<100000x128xf32, #tpu.memory_space<hbm>>
    %dma_start3A_34 = tpu.memref_slice %arg7[%dma_start3A_21] : memref<10x!tpu.dma_semaphore, #tpu.memory_space<semaphore_mem>> -> memref<1x!tpu.dma_semaphore, #tpu.memory_space<semaphore_mem>>
    %dma_start3A_35 = tpu.memref_squeeze %dma_start3A_34 : memref<1x!tpu.dma_semaphore, #tpu.memory_space<semaphore_mem>> -> memref<!tpu.dma_semaphore, #tpu.memory_space<semaphore_mem>>
    tpu.enqueue_indirect_dma source(%dma_start3A_33 : memref<100000x128xf32, #tpu.memory_space<hbm>>) target(%dma_start3A_25 : memref<64x128xf32, #tpu.memory_space<vmem>>) offsets(%dma_start3A_30 : memref<64xi32, #tpu.memory_space<vmem>>) semaphore(%dma_start3A_35 : memref<!tpu.dma_semaphore, #tpu.memory_space<semaphore_mem>>)
    %dma_start3A_36 = arith.constant 1 : i32
    %dma_start3A_37 = arith.constant 2 : i32
    %dma_start3A_38 = arith.constant 2 : i32
    %dma_start3A_39 = arith.constant 0 : i32
    %dma_start3A_40 = arith.constant 0 : i32
    %dma_start3A_41 = tpu.memref_slice %arg6[%dma_start3A_37, %dma_start3A_39, %dma_start3A_40] : memref<10x64x128xf32, #tpu.memory_space<vmem>> -> memref<1x64x128xf32, #tpu.memory_space<vmem>>
    %dma_start3A_42 = tpu.memref_squeeze %dma_start3A_41 : memref<1x64x128xf32, #tpu.memory_space<vmem>> -> memref<64x128xf32, #tpu.memory_space<vmem>>
    %dma_start3A_43 = arith.constant 0 : i32
    %dma_start3A_44 = tpu.memref_slice %arg5[%dma_start3A_36, %dma_start3A_43] : memref<50x128xi32, #tpu.memory_space<vmem>> -> memref<1x128xi32, #tpu.memory_space<vmem>>
    %dma_start3A_45 = tpu.memref_squeeze %dma_start3A_44 : memref<1x128xi32, #tpu.memory_space<vmem>> -> memref<128xi32, #tpu.memory_space<vmem>>
    %dma_start3A_46 = arith.constant 0 : i32
    %dma_start3A_47 = tpu.memref_slice %dma_start3A_45[%dma_start3A_46] : memref<128xi32, #tpu.memory_space<vmem>> -> memref<64xi32, #tpu.memory_space<vmem>>
    %dma_start3A_48 = arith.constant 0 : i32
    %dma_start3A_49 = arith.constant 0 : i32
    %dma_start3A_50 = tpu.memref_slice %arg2[%dma_start3A_48, %dma_start3A_49] : memref<100000x128xf32, #tpu.memory_space<hbm>> -> memref<100000x128xf32, #tpu.memory_space<hbm>>
    %dma_start3A_51 = tpu.memref_slice %arg7[%dma_start3A_38] : memref<10x!tpu.dma_semaphore, #tpu.memory_space<semaphore_mem>> -> memref<1x!tpu.dma_semaphore, #tpu.memory_space<semaphore_mem>>
    %dma_start3A_52 = tpu.memref_squeeze %dma_start3A_51 : memref<1x!tpu.dma_semaphore, #tpu.memory_space<semaphore_mem>> -> memref<!tpu.dma_semaphore, #tpu.memory_space<semaphore_mem>>
    tpu.enqueue_indirect_dma source(%dma_start3A_50 : memref<100000x128xf32, #tpu.memory_space<hbm>>) target(%dma_start3A_42 : memref<64x128xf32, #tpu.memory_space<vmem>>) offsets(%dma_start3A_47 : memref<64xi32, #tpu.memory_space<vmem>>) semaphore(%dma_start3A_52 : memref<!tpu.dma_semaphore, #tpu.memory_space<semaphore_mem>>)
    %dma_start3A_53 = arith.constant 1 : i32
    %dma_start3A_54 = arith.constant 3 : i32
    %dma_start3A_55 = arith.constant 3 : i32
    %dma_start3A_56 = arith.constant 0 : i32
    %dma_start3A_57 = arith.constant 0 : i32
    %dma_start3A_58 = tpu.memref_slice %arg6[%dma_start3A_54, %dma_start3A_56, %dma_start3A_57] : memref<10x64x128xf32, #tpu.memory_space<vmem>> -> memref<1x64x128xf32, #tpu.memory_space<vmem>>
    %dma_start3A_59 = tpu.memref_squeeze %dma_start3A_58 : memref<1x64x128xf32, #tpu.memory_space<vmem>> -> memref<64x128xf32, #tpu.memory_space<vmem>>
    %dma_start3A_60 = arith.constant 0 : i32
    %dma_start3A_61 = tpu.memref_slice %arg5[%dma_start3A_53, %dma_start3A_60] : memref<50x128xi32, #tpu.memory_space<vmem>> -> memref<1x128xi32, #tpu.memory_space<vmem>>
    %dma_start3A_62 = tpu.memref_squeeze %dma_start3A_61 : memref<1x128xi32, #tpu.memory_space<vmem>> -> memref<128xi32, #tpu.memory_space<vmem>>
    %dma_start3A_63 = arith.constant 64 : i32
    %dma_start3A_64 = tpu.memref_slice %dma_start3A_62[%dma_start3A_63] : memref<128xi32, #tpu.memory_space<vmem>> -> memref<64xi32, #tpu.memory_space<vmem>>
    %dma_start3A_65 = arith.constant 0 : i32
    %dma_start3A_66 = arith.constant 0 : i32
    %dma_start3A_67 = tpu.memref_slice %arg2[%dma_start3A_65, %dma_start3A_66] : memref<100000x128xf32, #tpu.memory_space<hbm>> -> memref<100000x128xf32, #tpu.memory_space<hbm>>
    %dma_start3A_68 = tpu.memref_slice %arg7[%dma_start3A_55] : memref<10x!tpu.dma_semaphore, #tpu.memory_space<semaphore_mem>> -> memref<1x!tpu.dma_semaphore, #tpu.memory_space<semaphore_mem>>
    %dma_start3A_69 = tpu.memref_squeeze %dma_start3A_68 : memref<1x!tpu.dma_semaphore, #tpu.memory_space<semaphore_mem>> -> memref<!tpu.dma_semaphore, #tpu.memory_space<semaphore_mem>>
    tpu.enqueue_indirect_dma source(%dma_start3A_67 : memref<100000x128xf32, #tpu.memory_space<hbm>>) target(%dma_start3A_59 : memref<64x128xf32, #tpu.memory_space<vmem>>) offsets(%dma_start3A_64 : memref<64xi32, #tpu.memory_space<vmem>>) semaphore(%dma_start3A_69 : memref<!tpu.dma_semaphore, #tpu.memory_space<semaphore_mem>>)
    %dma_start3A_70 = arith.constant 2 : i32
    %dma_start3A_71 = arith.constant 4 : i32
    %dma_start3A_72 = arith.constant 4 : i32
    %dma_start3A_73 = arith.constant 0 : i32
    %dma_start3A_74 = arith.constant 0 : i32
    %dma_start3A_75 = tpu.memref_slice %arg6[%dma_start3A_71, %dma_start3A_73, %dma_start3A_74] : memref<10x64x128xf32, #tpu.memory_space<vmem>> -> memref<1x64x128xf32, #tpu.memory_space<vmem>>
    %dma_start3A_76 = tpu.memref_squeeze %dma_start3A_75 : memref<1x64x128xf32, #tpu.memory_space<vmem>> -> memref<64x128xf32, #tpu.memory_space<vmem>>
    %dma_start3A_77 = arith.constant 0 : i32
    %dma_start3A_78 = tpu.memref_slice %arg5[%dma_start3A_70, %dma_start3A_77] : memref<50x128xi32, #tpu.memory_space<vmem>> -> memref<1x128xi32, #tpu.memory_space<vmem>>
    %dma_start3A_79 = tpu.memref_squeeze %dma_start3A_78 : memref<1x128xi32, #tpu.memory_space<vmem>> -> memref<128xi32, #tpu.memory_space<vmem>>
    %dma_start3A_80 = arith.constant 0 : i32
    %dma_start3A_81 = tpu.memref_slice %dma_start3A_79[%dma_start3A_80] : memref<128xi32, #tpu.memory_space<vmem>> -> memref<64xi32, #tpu.memory_space<vmem>>
    %dma_start3A_82 = arith.constant 0 : i32
    %dma_start3A_83 = arith.constant 0 : i32
    %dma_start3A_84 = tpu.memref_slice %arg2[%dma_start3A_82, %dma_start3A_83] : memref<100000x128xf32, #tpu.memory_space<hbm>> -> memref<100000x128xf32, #tpu.memory_space<hbm>>
    %dma_start3A_85 = tpu.memref_slice %arg7[%dma_start3A_72] : memref<10x!tpu.dma_semaphore, #tpu.memory_space<semaphore_mem>> -> memref<1x!tpu.dma_semaphore, #tpu.memory_space<semaphore_mem>>
    %dma_start3A_86 = tpu.memref_squeeze %dma_start3A_85 : memref<1x!tpu.dma_semaphore, #tpu.memory_space<semaphore_mem>> -> memref<!tpu.dma_semaphore, #tpu.memory_space<semaphore_mem>>
    tpu.enqueue_indirect_dma source(%dma_start3A_84 : memref<100000x128xf32, #tpu.memory_space<hbm>>) target(%dma_start3A_76 : memref<64x128xf32, #tpu.memory_space<vmem>>) offsets(%dma_start3A_81 : memref<64xi32, #tpu.memory_space<vmem>>) semaphore(%dma_start3A_86 : memref<!tpu.dma_semaphore, #tpu.memory_space<semaphore_mem>>)
    %dma_start3A_87 = arith.constant 2 : i32
    %dma_start3A_88 = arith.constant 5 : i32
    %dma_start3A_89 = arith.constant 5 : i32
    %dma_start3A_90 = arith.constant 0 : i32
    %dma_start3A_91 = arith.constant 0 : i32
    %dma_start3A_92 = tpu.memref_slice %arg6[%dma_start3A_88, %dma_start3A_90, %dma_start3A_91] : memref<10x64x128xf32, #tpu.memory_space<vmem>> -> memref<1x64x128xf32, #tpu.memory_space<vmem>>
    %dma_start3A_93 = tpu.memref_squeeze %dma_start3A_92 : memref<1x64x128xf32, #tpu.memory_space<vmem>> -> memref<64x128xf32, #tpu.memory_space<vmem>>
    %dma_start3A_94 = arith.constant 0 : i32
    %dma_start3A_95 = tpu.memref_slice %arg5[%dma_start3A_87, %dma_start3A_94] : memref<50x128xi32, #tpu.memory_space<vmem>> -> memref<1x128xi32, #tpu.memory_space<vmem>>
    %dma_start3A_96 = tpu.memref_squeeze %dma_start3A_95 : memref<1x128xi32, #tpu.memory_space<vmem>> -> memref<128xi32, #tpu.memory_space<vmem>>
    %dma_start3A_97 = arith.constant 64 : i32
    %dma_start3A_98 = tpu.memref_slice %dma_start3A_96[%dma_start3A_97] : memref<128xi32, #tpu.memory_space<vmem>> -> memref<64xi32, #tpu.memory_space<vmem>>
    %dma_start3A_99 = arith.constant 0 : i32
    %dma_start3A_100 = arith.constant 0 : i32
    %dma_start3A_101 = tpu.memref_slice %arg2[%dma_start3A_99, %dma_start3A_100] : memref<100000x128xf32, #tpu.memory_space<hbm>> -> memref<100000x128xf32, #tpu.memory_space<hbm>>
    %dma_start3A_102 = tpu.memref_slice %arg7[%dma_start3A_89] : memref<10x!tpu.dma_semaphore, #tpu.memory_space<semaphore_mem>> -> memref<1x!tpu.dma_semaphore, #tpu.memory_space<semaphore_mem>>
    %dma_start3A_103 = tpu.memref_squeeze %dma_start3A_102 : memref<1x!tpu.dma_semaphore, #tpu.memory_space<semaphore_mem>> -> memref<!tpu.dma_semaphore, #tpu.memory_space<semaphore_mem>>
    tpu.enqueue_indirect_dma source(%dma_start3A_101 : memref<100000x128xf32, #tpu.memory_space<hbm>>) target(%dma_start3A_93 : memref<64x128xf32, #tpu.memory_space<vmem>>) offsets(%dma_start3A_98 : memref<64xi32, #tpu.memory_space<vmem>>) semaphore(%dma_start3A_103 : memref<!tpu.dma_semaphore, #tpu.memory_space<semaphore_mem>>)
    %dma_start3A_104 = arith.constant 3 : i32
    %dma_start3A_105 = arith.constant 6 : i32
    %dma_start3A_106 = arith.constant 6 : i32
    %dma_start3A_107 = arith.constant 0 : i32
    %dma_start3A_108 = arith.constant 0 : i32
    %dma_start3A_109 = tpu.memref_slice %arg6[%dma_start3A_105, %dma_start3A_107, %dma_start3A_108] : memref<10x64x128xf32, #tpu.memory_space<vmem>> -> memref<1x64x128xf32, #tpu.memory_space<vmem>>
    %dma_start3A_110 = tpu.memref_squeeze %dma_start3A_109 : memref<1x64x128xf32, #tpu.memory_space<vmem>> -> memref<64x128xf32, #tpu.memory_space<vmem>>
    %dma_start3A_111 = arith.constant 0 : i32
    %dma_start3A_112 = tpu.memref_slice %arg5[%dma_start3A_104, %dma_start3A_111] : memref<50x128xi32, #tpu.memory_space<vmem>> -> memref<1x128xi32, #tpu.memory_space<vmem>>
    %dma_start3A_113 = tpu.memref_squeeze %dma_start3A_112 : memref<1x128xi32, #tpu.memory_space<vmem>> -> memref<128xi32, #tpu.memory_space<vmem>>
    %dma_start3A_114 = arith.constant 0 : i32
    %dma_start3A_115 = tpu.memref_slice %dma_start3A_113[%dma_start3A_114] : memref<128xi32, #tpu.memory_space<vmem>> -> memref<64xi32, #tpu.memory_space<vmem>>
    %dma_start3A_116 = arith.constant 0 : i32
    %dma_start3A_117 = arith.constant 0 : i32
    %dma_start3A_118 = tpu.memref_slice %arg2[%dma_start3A_116, %dma_start3A_117] : memref<100000x128xf32, #tpu.memory_space<hbm>> -> memref<100000x128xf32, #tpu.memory_space<hbm>>
    %dma_start3A_119 = tpu.memref_slice %arg7[%dma_start3A_106] : memref<10x!tpu.dma_semaphore, #tpu.memory_space<semaphore_mem>> -> memref<1x!tpu.dma_semaphore, #tpu.memory_space<semaphore_mem>>
    %dma_start3A_120 = tpu.memref_squeeze %dma_start3A_119 : memref<1x!tpu.dma_semaphore, #tpu.memory_space<semaphore_mem>> -> memref<!tpu.dma_semaphore, #tpu.memory_space<semaphore_mem>>
    tpu.enqueue_indirect_dma source(%dma_start3A_118 : memref<100000x128xf32, #tpu.memory_space<hbm>>) target(%dma_start3A_110 : memref<64x128xf32, #tpu.memory_space<vmem>>) offsets(%dma_start3A_115 : memref<64xi32, #tpu.memory_space<vmem>>) semaphore(%dma_start3A_120 : memref<!tpu.dma_semaphore, #tpu.memory_space<semaphore_mem>>)
    %dma_start3A_121 = arith.constant 3 : i32
    %dma_start3A_122 = arith.constant 7 : i32
    %dma_start3A_123 = arith.constant 7 : i32
    %dma_start3A_124 = arith.constant 0 : i32
    %dma_start3A_125 = arith.constant 0 : i32
    %dma_start3A_126 = tpu.memref_slice %arg6[%dma_start3A_122, %dma_start3A_124, %dma_start3A_125] : memref<10x64x128xf32, #tpu.memory_space<vmem>> -> memref<1x64x128xf32, #tpu.memory_space<vmem>>
    %dma_start3A_127 = tpu.memref_squeeze %dma_start3A_126 : memref<1x64x128xf32, #tpu.memory_space<vmem>> -> memref<64x128xf32, #tpu.memory_space<vmem>>
    %dma_start3A_128 = arith.constant 0 : i32
    %dma_start3A_129 = tpu.memref_slice %arg5[%dma_start3A_121, %dma_start3A_128] : memref<50x128xi32, #tpu.memory_space<vmem>> -> memref<1x128xi32, #tpu.memory_space<vmem>>
    %dma_start3A_130 = tpu.memref_squeeze %dma_start3A_129 : memref<1x128xi32, #tpu.memory_space<vmem>> -> memref<128xi32, #tpu.memory_space<vmem>>
    %dma_start3A_131 = arith.constant 64 : i32
    %dma_start3A_132 = tpu.memref_slice %dma_start3A_130[%dma_start3A_131] : memref<128xi32, #tpu.memory_space<vmem>> -> memref<64xi32, #tpu.memory_space<vmem>>
    %dma_start3A_133 = arith.constant 0 : i32
    %dma_start3A_134 = arith.constant 0 : i32
    %dma_start3A_135 = tpu.memref_slice %arg2[%dma_start3A_133, %dma_start3A_134] : memref<100000x128xf32, #tpu.memory_space<hbm>> -> memref<100000x128xf32, #tpu.memory_space<hbm>>
    %dma_start3A_136 = tpu.memref_slice %arg7[%dma_start3A_123] : memref<10x!tpu.dma_semaphore, #tpu.memory_space<semaphore_mem>> -> memref<1x!tpu.dma_semaphore, #tpu.memory_space<semaphore_mem>>
    %dma_start3A_137 = tpu.memref_squeeze %dma_start3A_136 : memref<1x!tpu.dma_semaphore, #tpu.memory_space<semaphore_mem>> -> memref<!tpu.dma_semaphore, #tpu.memory_space<semaphore_mem>>
    tpu.enqueue_indirect_dma source(%dma_start3A_135 : memref<100000x128xf32, #tpu.memory_space<hbm>>) target(%dma_start3A_127 : memref<64x128xf32, #tpu.memory_space<vmem>>) offsets(%dma_start3A_132 : memref<64xi32, #tpu.memory_space<vmem>>) semaphore(%dma_start3A_137 : memref<!tpu.dma_semaphore, #tpu.memory_space<semaphore_mem>>)
    %dma_start3A_138 = arith.constant 4 : i32
    %dma_start3A_139 = arith.constant 8 : i32
    %dma_start3A_140 = arith.constant 8 : i32
    %dma_start3A_141 = arith.constant 0 : i32
    %dma_start3A_142 = arith.constant 0 : i32
    %dma_start3A_143 = tpu.memref_slice %arg6[%dma_start3A_139, %dma_start3A_141, %dma_start3A_142] : memref<10x64x128xf32, #tpu.memory_space<vmem>> -> memref<1x64x128xf32, #tpu.memory_space<vmem>>
    %dma_start3A_144 = tpu.memref_squeeze %dma_start3A_143 : memref<1x64x128xf32, #tpu.memory_space<vmem>> -> memref<64x128xf32, #tpu.memory_space<vmem>>
    %dma_start3A_145 = arith.constant 0 : i32
    %dma_start3A_146 = tpu.memref_slice %arg5[%dma_start3A_138, %dma_start3A_145] : memref<50x128xi32, #tpu.memory_space<vmem>> -> memref<1x128xi32, #tpu.memory_space<vmem>>
    %dma_start3A_147 = tpu.memref_squeeze %dma_start3A_146 : memref<1x128xi32, #tpu.memory_space<vmem>> -> memref<128xi32, #tpu.memory_space<vmem>>
    %dma_start3A_148 = arith.constant 0 : i32
    %dma_start3A_149 = tpu.memref_slice %dma_start3A_147[%dma_start3A_148] : memref<128xi32, #tpu.memory_space<vmem>> -> memref<64xi32, #tpu.memory_space<vmem>>
    %dma_start3A_150 = arith.constant 0 : i32
    %dma_start3A_151 = arith.constant 0 : i32
    %dma_start3A_152 = tpu.memref_slice %arg2[%dma_start3A_150, %dma_start3A_151] : memref<100000x128xf32, #tpu.memory_space<hbm>> -> memref<100000x128xf32, #tpu.memory_space<hbm>>
    %dma_start3A_153 = tpu.memref_slice %arg7[%dma_start3A_140] : memref<10x!tpu.dma_semaphore, #tpu.memory_space<semaphore_mem>> -> memref<1x!tpu.dma_semaphore, #tpu.memory_space<semaphore_mem>>
    %dma_start3A_154 = tpu.memref_squeeze %dma_start3A_153 : memref<1x!tpu.dma_semaphore, #tpu.memory_space<semaphore_mem>> -> memref<!tpu.dma_semaphore, #tpu.memory_space<semaphore_mem>>
    tpu.enqueue_indirect_dma source(%dma_start3A_152 : memref<100000x128xf32, #tpu.memory_space<hbm>>) target(%dma_start3A_144 : memref<64x128xf32, #tpu.memory_space<vmem>>) offsets(%dma_start3A_149 : memref<64xi32, #tpu.memory_space<vmem>>) semaphore(%dma_start3A_154 : memref<!tpu.dma_semaphore, #tpu.memory_space<semaphore_mem>>)
    %dma_start3A_155 = arith.constant 4 : i32
    %dma_start3A_156 = arith.constant 9 : i32
    %dma_start3A_157 = arith.constant 9 : i32
    %dma_start3A_158 = arith.constant 0 : i32
    %dma_start3A_159 = arith.constant 0 : i32
    %dma_start3A_160 = tpu.memref_slice %arg6[%dma_start3A_156, %dma_start3A_158, %dma_start3A_159] : memref<10x64x128xf32, #tpu.memory_space<vmem>> -> memref<1x64x128xf32, #tpu.memory_space<vmem>>
    %dma_start3A_161 = tpu.memref_squeeze %dma_start3A_160 : memref<1x64x128xf32, #tpu.memory_space<vmem>> -> memref<64x128xf32, #tpu.memory_space<vmem>>
    %dma_start3A_162 = arith.constant 0 : i32
    %dma_start3A_163 = tpu.memref_slice %arg5[%dma_start3A_155, %dma_start3A_162] : memref<50x128xi32, #tpu.memory_space<vmem>> -> memref<1x128xi32, #tpu.memory_space<vmem>>
    %dma_start3A_164 = tpu.memref_squeeze %dma_start3A_163 : memref<1x128xi32, #tpu.memory_space<vmem>> -> memref<128xi32, #tpu.memory_space<vmem>>
    %dma_start3A_165 = arith.constant 64 : i32
    %dma_start3A_166 = tpu.memref_slice %dma_start3A_164[%dma_start3A_165] : memref<128xi32, #tpu.memory_space<vmem>> -> memref<64xi32, #tpu.memory_space<vmem>>
    %dma_start3A_167 = arith.constant 0 : i32
    %dma_start3A_168 = arith.constant 0 : i32
    %dma_start3A_169 = tpu.memref_slice %arg2[%dma_start3A_167, %dma_start3A_168] : memref<100000x128xf32, #tpu.memory_space<hbm>> -> memref<100000x128xf32, #tpu.memory_space<hbm>>
    %dma_start3A_170 = tpu.memref_slice %arg7[%dma_start3A_157] : memref<10x!tpu.dma_semaphore, #tpu.memory_space<semaphore_mem>> -> memref<1x!tpu.dma_semaphore, #tpu.memory_space<semaphore_mem>>
    %dma_start3A_171 = tpu.memref_squeeze %dma_start3A_170 : memref<1x!tpu.dma_semaphore, #tpu.memory_space<semaphore_mem>> -> memref<!tpu.dma_semaphore, #tpu.memory_space<semaphore_mem>>
    tpu.enqueue_indirect_dma source(%dma_start3A_169 : memref<100000x128xf32, #tpu.memory_space<hbm>>) target(%dma_start3A_161 : memref<64x128xf32, #tpu.memory_space<vmem>>) offsets(%dma_start3A_166 : memref<64xi32, #tpu.memory_space<vmem>>) semaphore(%dma_start3A_171 : memref<!tpu.dma_semaphore, #tpu.memory_space<semaphore_mem>>)
    %scan3A = arith.constant 0 : i32
    %scan3A_172 = arith.constant 9 : i32
    %scan3A_173 = arith.addi %scan3A, %scan3A_172 : i32
    %scan3A_174 = arith.constant 1 : i32
    scf.for %scan3A_865 = %scan3A to %scan3A_173 step %scan3A_174  : i32 {
      %mul3A_866 = arith.constant 5 : i32
      %mul3A_867 = arith.muli %scan3A_865, %mul3A_866 : i32
      %add3A_868 = arith.constant 0 : i32
      %add3A_869 = arith.addi %add3A_868, %mul3A_867 : i32
      %dma_wait3A_870 = arith.constant 0 : i32
      %dma_wait3A_871 = arith.constant 0 : i32
      %dma_wait3A_872 = arith.constant 0 : i32
      %dma_wait3A_873 = arith.constant 0 : i32
      %dma_wait3A_874 = arith.constant 0 : i32
      %dma_wait3A_875 = tpu.memref_slice %arg6[%dma_wait3A_871, %dma_wait3A_873, %dma_wait3A_874] : memref<10x64x128xf32, #tpu.memory_space<vmem>> -> memref<1x64x128xf32, #tpu.memory_space<vmem>>
      %dma_wait3A_876 = tpu.memref_squeeze %dma_wait3A_875 : memref<1x64x128xf32, #tpu.memory_space<vmem>> -> memref<64x128xf32, #tpu.memory_space<vmem>>
      %dma_wait3A_877 = arith.constant 0 : i32
      %dma_wait3A_878 = tpu.memref_slice %arg5[%dma_wait3A_870, %dma_wait3A_877] : memref<50x128xi32, #tpu.memory_space<vmem>> -> memref<1x128xi32, #tpu.memory_space<vmem>>
      %dma_wait3A_879 = tpu.memref_squeeze %dma_wait3A_878 : memref<1x128xi32, #tpu.memory_space<vmem>> -> memref<128xi32, #tpu.memory_space<vmem>>
      %dma_wait3A_880 = arith.constant 0 : i32
      %dma_wait3A_881 = tpu.memref_slice %dma_wait3A_879[%dma_wait3A_880] : memref<128xi32, #tpu.memory_space<vmem>> -> memref<64xi32, #tpu.memory_space<vmem>>
      %dma_wait3A_882 = arith.constant 0 : i32
      %dma_wait3A_883 = arith.constant 0 : i32
      %dma_wait3A_884 = tpu.memref_slice %arg2[%dma_wait3A_882, %dma_wait3A_883] : memref<100000x128xf32, #tpu.memory_space<hbm>> -> memref<100000x128xf32, #tpu.memory_space<hbm>>
      %dma_wait3A_885 = tpu.memref_slice %arg7[%dma_wait3A_872] : memref<10x!tpu.dma_semaphore, #tpu.memory_space<semaphore_mem>> -> memref<1x!tpu.dma_semaphore, #tpu.memory_space<semaphore_mem>>
      %dma_wait3A_886 = tpu.memref_squeeze %dma_wait3A_885 : memref<1x!tpu.dma_semaphore, #tpu.memory_space<semaphore_mem>> -> memref<!tpu.dma_semaphore, #tpu.memory_space<semaphore_mem>>
      tpu.wait_indirect_dma semaphore(%dma_wait3A_886 : memref<!tpu.dma_semaphore, #tpu.memory_space<semaphore_mem>>) src(%dma_wait3A_884 : memref<100000x128xf32, #tpu.memory_space<hbm>>) dst(%dma_wait3A_876 : memref<64x128xf32, #tpu.memory_space<vmem>>)
      %add3A_887 = arith.constant 0 : i32
      %add3A_888 = arith.addi %add3A_869, %add3A_887 : i32
      %add3A_889 = arith.constant 0 : i32
      %add3A_890 = arith.addi %mul3A_2, %add3A_889 : i32
      %dma_start3A_891 = arith.constant 0 : i32
      %dma_start3A_892 = arith.constant 0 : i32
      %dma_start3A_893 = arith.constant 0 : i32
      %dma_start3A_894 = arith.constant 0 : i32
      %dma_start3A_895 = tpu.memref_slice %arg6[%dma_start3A_891, %dma_start3A_893, %dma_start3A_894] : memref<10x64x128xf32, #tpu.memory_space<vmem>> -> memref<1x64x128xf32, #tpu.memory_space<vmem>>
      %dma_start3A_896 = tpu.memref_squeeze %dma_start3A_895 : memref<1x64x128xf32, #tpu.memory_space<vmem>> -> memref<64x128xf32, #tpu.memory_space<vmem>>
      %dma_start3A_897 = arith.constant 0 : i32
      %dma_start3A_898 = arith.constant 0 : i32
      %dma_start3A_899 = tpu.memref_slice %arg4[%add3A_888, %dma_start3A_897, %dma_start3A_898] : memref<50x4096x128xf32, #tpu.memory_space<hbm>> -> memref<1x4096x128xf32, #tpu.memory_space<hbm>>
      %dma_start3A_900 = tpu.memref_squeeze %dma_start3A_899 : memref<1x4096x128xf32, #tpu.memory_space<hbm>> -> memref<4096x128xf32, #tpu.memory_space<hbm>>
      %dma_start3A_901 = arith.constant 0 : i32
      %dma_start3A_902 = tpu.memref_slice %dma_start3A_900[%add3A_890, %dma_start3A_901] : memref<4096x128xf32, #tpu.memory_space<hbm>> -> memref<64x128xf32, #tpu.memory_space<hbm>>
      %dma_start3A_903 = tpu.memref_slice %arg8[%dma_start3A_892] : memref<10x!tpu.dma_semaphore, #tpu.memory_space<semaphore_mem>> -> memref<1x!tpu.dma_semaphore, #tpu.memory_space<semaphore_mem>>
      %dma_start3A_904 = tpu.memref_squeeze %dma_start3A_903 : memref<1x!tpu.dma_semaphore, #tpu.memory_space<semaphore_mem>> -> memref<!tpu.dma_semaphore, #tpu.memory_space<semaphore_mem>>
      %dma_start3A_905 = arith.constant 0 : i32
      %dma_start3A_906 = arith.constant 0 : i32
      %dma_start3A_907 = tpu.memref_slice %arg4[%add3A_888, %dma_start3A_905, %dma_start3A_906] : memref<50x4096x128xf32, #tpu.memory_space<hbm>> -> memref<1x4096x128xf32, #tpu.memory_space<hbm>>
      %dma_start3A_908 = tpu.memref_squeeze %dma_start3A_907 : memref<1x4096x128xf32, #tpu.memory_space<hbm>> -> memref<4096x128xf32, #tpu.memory_space<hbm>>
      %dma_start3A_909 = arith.constant 0 : i32
      %dma_start3A_910 = tpu.memref_slice %dma_start3A_908[%add3A_890, %dma_start3A_909] : memref<4096x128xf32, #tpu.memory_space<hbm>> -> memref<64x128xf32, #tpu.memory_space<hbm>>
      %dma_start3A_911 = arith.constant 0 : i32
      %dma_start3A_912 = arith.constant 0 : i32
      %dma_start3A_913 = tpu.memref_slice %arg6[%dma_start3A_891, %dma_start3A_911, %dma_start3A_912] : memref<10x64x128xf32, #tpu.memory_space<vmem>> -> memref<1x64x128xf32, #tpu.memory_space<vmem>>
      %dma_start3A_914 = tpu.memref_squeeze %dma_start3A_913 : memref<1x64x128xf32, #tpu.memory_space<vmem>> -> memref<64x128xf32, #tpu.memory_space<vmem>>
      tpu.enqueue_dma source(%dma_start3A_914 : memref<64x128xf32, #tpu.memory_space<vmem>>) target(%dma_start3A_910 : memref<64x128xf32, #tpu.memory_space<hbm>>) target_semaphore(%dma_start3A_904 : memref<!tpu.dma_semaphore, #tpu.memory_space<semaphore_mem>>)
      %dma_wait3A_915 = arith.constant 0 : i32
      %dma_wait3A_916 = arith.constant 1 : i32
      %dma_wait3A_917 = arith.constant 1 : i32
      %dma_wait3A_918 = arith.constant 0 : i32
      %dma_wait3A_919 = arith.constant 0 : i32
      %dma_wait3A_920 = tpu.memref_slice %arg6[%dma_wait3A_916, %dma_wait3A_918, %dma_wait3A_919] : memref<10x64x128xf32, #tpu.memory_space<vmem>> -> memref<1x64x128xf32, #tpu.memory_space<vmem>>
      %dma_wait3A_921 = tpu.memref_squeeze %dma_wait3A_920 : memref<1x64x128xf32, #tpu.memory_space<vmem>> -> memref<64x128xf32, #tpu.memory_space<vmem>>
      %dma_wait3A_922 = arith.constant 0 : i32
      %dma_wait3A_923 = tpu.memref_slice %arg5[%dma_wait3A_915, %dma_wait3A_922] : memref<50x128xi32, #tpu.memory_space<vmem>> -> memref<1x128xi32, #tpu.memory_space<vmem>>
      %dma_wait3A_924 = tpu.memref_squeeze %dma_wait3A_923 : memref<1x128xi32, #tpu.memory_space<vmem>> -> memref<128xi32, #tpu.memory_space<vmem>>
      %dma_wait3A_925 = arith.constant 0 : i32
      %dma_wait3A_926 = tpu.memref_slice %dma_wait3A_924[%dma_wait3A_925] : memref<128xi32, #tpu.memory_space<vmem>> -> memref<64xi32, #tpu.memory_space<vmem>>
      %dma_wait3A_927 = arith.constant 0 : i32
      %dma_wait3A_928 = arith.constant 0 : i32
      %dma_wait3A_929 = tpu.memref_slice %arg2[%dma_wait3A_927, %dma_wait3A_928] : memref<100000x128xf32, #tpu.memory_space<hbm>> -> memref<100000x128xf32, #tpu.memory_space<hbm>>
      %dma_wait3A_930 = tpu.memref_slice %arg7[%dma_wait3A_917] : memref<10x!tpu.dma_semaphore, #tpu.memory_space<semaphore_mem>> -> memref<1x!tpu.dma_semaphore, #tpu.memory_space<semaphore_mem>>
      %dma_wait3A_931 = tpu.memref_squeeze %dma_wait3A_930 : memref<1x!tpu.dma_semaphore, #tpu.memory_space<semaphore_mem>> -> memref<!tpu.dma_semaphore, #tpu.memory_space<semaphore_mem>>
      tpu.wait_indirect_dma semaphore(%dma_wait3A_931 : memref<!tpu.dma_semaphore, #tpu.memory_space<semaphore_mem>>) src(%dma_wait3A_929 : memref<100000x128xf32, #tpu.memory_space<hbm>>) dst(%dma_wait3A_921 : memref<64x128xf32, #tpu.memory_space<vmem>>)
      %add3A_932 = arith.constant 0 : i32
      %add3A_933 = arith.addi %add3A_869, %add3A_932 : i32
      %add3A_934 = arith.constant 64 : i32
      %add3A_935 = arith.addi %mul3A_2, %add3A_934 : i32
      %dma_start3A_936 = arith.constant 1 : i32
      %dma_start3A_937 = arith.constant 1 : i32
      %dma_start3A_938 = arith.constant 0 : i32
      %dma_start3A_939 = arith.constant 0 : i32
      %dma_start3A_940 = tpu.memref_slice %arg6[%dma_start3A_936, %dma_start3A_938, %dma_start3A_939] : memref<10x64x128xf32, #tpu.memory_space<vmem>> -> memref<1x64x128xf32, #tpu.memory_space<vmem>>
      %dma_start3A_941 = tpu.memref_squeeze %dma_start3A_940 : memref<1x64x128xf32, #tpu.memory_space<vmem>> -> memref<64x128xf32, #tpu.memory_space<vmem>>
      %dma_start3A_942 = arith.constant 0 : i32
      %dma_start3A_943 = arith.constant 0 : i32
      %dma_start3A_944 = tpu.memref_slice %arg4[%add3A_933, %dma_start3A_942, %dma_start3A_943] : memref<50x4096x128xf32, #tpu.memory_space<hbm>> -> memref<1x4096x128xf32, #tpu.memory_space<hbm>>
      %dma_start3A_945 = tpu.memref_squeeze %dma_start3A_944 : memref<1x4096x128xf32, #tpu.memory_space<hbm>> -> memref<4096x128xf32, #tpu.memory_space<hbm>>
      %dma_start3A_946 = arith.constant 0 : i32
      %dma_start3A_947 = tpu.memref_slice %dma_start3A_945[%add3A_935, %dma_start3A_946] : memref<4096x128xf32, #tpu.memory_space<hbm>> -> memref<64x128xf32, #tpu.memory_space<hbm>>
      %dma_start3A_948 = tpu.memref_slice %arg8[%dma_start3A_937] : memref<10x!tpu.dma_semaphore, #tpu.memory_space<semaphore_mem>> -> memref<1x!tpu.dma_semaphore, #tpu.memory_space<semaphore_mem>>
      %dma_start3A_949 = tpu.memref_squeeze %dma_start3A_948 : memref<1x!tpu.dma_semaphore, #tpu.memory_space<semaphore_mem>> -> memref<!tpu.dma_semaphore, #tpu.memory_space<semaphore_mem>>
      %dma_start3A_950 = arith.constant 0 : i32
      %dma_start3A_951 = arith.constant 0 : i32
      %dma_start3A_952 = tpu.memref_slice %arg4[%add3A_933, %dma_start3A_950, %dma_start3A_951] : memref<50x4096x128xf32, #tpu.memory_space<hbm>> -> memref<1x4096x128xf32, #tpu.memory_space<hbm>>
      %dma_start3A_953 = tpu.memref_squeeze %dma_start3A_952 : memref<1x4096x128xf32, #tpu.memory_space<hbm>> -> memref<4096x128xf32, #tpu.memory_space<hbm>>
      %dma_start3A_954 = arith.constant 0 : i32
      %dma_start3A_955 = tpu.memref_slice %dma_start3A_953[%add3A_935, %dma_start3A_954] : memref<4096x128xf32, #tpu.memory_space<hbm>> -> memref<64x128xf32, #tpu.memory_space<hbm>>
      %dma_start3A_956 = arith.constant 0 : i32
      %dma_start3A_957 = arith.constant 0 : i32
      %dma_start3A_958 = tpu.memref_slice %arg6[%dma_start3A_936, %dma_start3A_956, %dma_start3A_957] : memref<10x64x128xf32, #tpu.memory_space<vmem>> -> memref<1x64x128xf32, #tpu.memory_space<vmem>>
      %dma_start3A_959 = tpu.memref_squeeze %dma_start3A_958 : memref<1x64x128xf32, #tpu.memory_space<vmem>> -> memref<64x128xf32, #tpu.memory_space<vmem>>
      tpu.enqueue_dma source(%dma_start3A_959 : memref<64x128xf32, #tpu.memory_space<vmem>>) target(%dma_start3A_955 : memref<64x128xf32, #tpu.memory_space<hbm>>) target_semaphore(%dma_start3A_949 : memref<!tpu.dma_semaphore, #tpu.memory_space<semaphore_mem>>)
      %dma_wait3A_960 = arith.constant 0 : i32
      %dma_wait3A_961 = arith.constant 2 : i32
      %dma_wait3A_962 = arith.constant 2 : i32
      %dma_wait3A_963 = arith.constant 0 : i32
      %dma_wait3A_964 = arith.constant 0 : i32
      %dma_wait3A_965 = tpu.memref_slice %arg6[%dma_wait3A_961, %dma_wait3A_963, %dma_wait3A_964] : memref<10x64x128xf32, #tpu.memory_space<vmem>> -> memref<1x64x128xf32, #tpu.memory_space<vmem>>
      %dma_wait3A_966 = tpu.memref_squeeze %dma_wait3A_965 : memref<1x64x128xf32, #tpu.memory_space<vmem>> -> memref<64x128xf32, #tpu.memory_space<vmem>>
      %dma_wait3A_967 = arith.constant 0 : i32
      %dma_wait3A_968 = tpu.memref_slice %arg5[%dma_wait3A_960, %dma_wait3A_967] : memref<50x128xi32, #tpu.memory_space<vmem>> -> memref<1x128xi32, #tpu.memory_space<vmem>>
      %dma_wait3A_969 = tpu.memref_squeeze %dma_wait3A_968 : memref<1x128xi32, #tpu.memory_space<vmem>> -> memref<128xi32, #tpu.memory_space<vmem>>
      %dma_wait3A_970 = arith.constant 0 : i32
      %dma_wait3A_971 = tpu.memref_slice %dma_wait3A_969[%dma_wait3A_970] : memref<128xi32, #tpu.memory_space<vmem>> -> memref<64xi32, #tpu.memory_space<vmem>>
      %dma_wait3A_972 = arith.constant 0 : i32
      %dma_wait3A_973 = arith.constant 0 : i32
      %dma_wait3A_974 = tpu.memref_slice %arg2[%dma_wait3A_972, %dma_wait3A_973] : memref<100000x128xf32, #tpu.memory_space<hbm>> -> memref<100000x128xf32, #tpu.memory_space<hbm>>
      %dma_wait3A_975 = tpu.memref_slice %arg7[%dma_wait3A_962] : memref<10x!tpu.dma_semaphore, #tpu.memory_space<semaphore_mem>> -> memref<1x!tpu.dma_semaphore, #tpu.memory_space<semaphore_mem>>
      %dma_wait3A_976 = tpu.memref_squeeze %dma_wait3A_975 : memref<1x!tpu.dma_semaphore, #tpu.memory_space<semaphore_mem>> -> memref<!tpu.dma_semaphore, #tpu.memory_space<semaphore_mem>>
      tpu.wait_indirect_dma semaphore(%dma_wait3A_976 : memref<!tpu.dma_semaphore, #tpu.memory_space<semaphore_mem>>) src(%dma_wait3A_974 : memref<100000x128xf32, #tpu.memory_space<hbm>>) dst(%dma_wait3A_966 : memref<64x128xf32, #tpu.memory_space<vmem>>)
      %add3A_977 = arith.constant 1 : i32
      %add3A_978 = arith.addi %add3A_869, %add3A_977 : i32
      %add3A_979 = arith.constant 0 : i32
      %add3A_980 = arith.addi %mul3A_2, %add3A_979 : i32
      %dma_start3A_981 = arith.constant 2 : i32
      %dma_start3A_982 = arith.constant 2 : i32
      %dma_start3A_983 = arith.constant 0 : i32
      %dma_start3A_984 = arith.constant 0 : i32
      %dma_start3A_985 = tpu.memref_slice %arg6[%dma_start3A_981, %dma_start3A_983, %dma_start3A_984] : memref<10x64x128xf32, #tpu.memory_space<vmem>> -> memref<1x64x128xf32, #tpu.memory_space<vmem>>
      %dma_start3A_986 = tpu.memref_squeeze %dma_start3A_985 : memref<1x64x128xf32, #tpu.memory_space<vmem>> -> memref<64x128xf32, #tpu.memory_space<vmem>>
      %dma_start3A_987 = arith.constant 0 : i32
      %dma_start3A_988 = arith.constant 0 : i32
      %dma_start3A_989 = tpu.memref_slice %arg4[%add3A_978, %dma_start3A_987, %dma_start3A_988] : memref<50x4096x128xf32, #tpu.memory_space<hbm>> -> memref<1x4096x128xf32, #tpu.memory_space<hbm>>
      %dma_start3A_990 = tpu.memref_squeeze %dma_start3A_989 : memref<1x4096x128xf32, #tpu.memory_space<hbm>> -> memref<4096x128xf32, #tpu.memory_space<hbm>>
      %dma_start3A_991 = arith.constant 0 : i32
      %dma_start3A_992 = tpu.memref_slice %dma_start3A_990[%add3A_980, %dma_start3A_991] : memref<4096x128xf32, #tpu.memory_space<hbm>> -> memref<64x128xf32, #tpu.memory_space<hbm>>
      %dma_start3A_993 = tpu.memref_slice %arg8[%dma_start3A_982] : memref<10x!tpu.dma_semaphore, #tpu.memory_space<semaphore_mem>> -> memref<1x!tpu.dma_semaphore, #tpu.memory_space<semaphore_mem>>
      %dma_start3A_994 = tpu.memref_squeeze %dma_start3A_993 : memref<1x!tpu.dma_semaphore, #tpu.memory_space<semaphore_mem>> -> memref<!tpu.dma_semaphore, #tpu.memory_space<semaphore_mem>>
      %dma_start3A_995 = arith.constant 0 : i32
      %dma_start3A_996 = arith.constant 0 : i32
      %dma_start3A_997 = tpu.memref_slice %arg4[%add3A_978, %dma_start3A_995, %dma_start3A_996] : memref<50x4096x128xf32, #tpu.memory_space<hbm>> -> memref<1x4096x128xf32, #tpu.memory_space<hbm>>
      %dma_start3A_998 = tpu.memref_squeeze %dma_start3A_997 : memref<1x4096x128xf32, #tpu.memory_space<hbm>> -> memref<4096x128xf32, #tpu.memory_space<hbm>>
      %dma_start3A_999 = arith.constant 0 : i32
      %dma_start3A_1000 = tpu.memref_slice %dma_start3A_998[%add3A_980, %dma_start3A_999] : memref<4096x128xf32, #tpu.memory_space<hbm>> -> memref<64x128xf32, #tpu.memory_space<hbm>>
      %dma_start3A_1001 = arith.constant 0 : i32
      %dma_start3A_1002 = arith.constant 0 : i32
      %dma_start3A_1003 = tpu.memref_slice %arg6[%dma_start3A_981, %dma_start3A_1001, %dma_start3A_1002] : memref<10x64x128xf32, #tpu.memory_space<vmem>> -> memref<1x64x128xf32, #tpu.memory_space<vmem>>
      %dma_start3A_1004 = tpu.memref_squeeze %dma_start3A_1003 : memref<1x64x128xf32, #tpu.memory_space<vmem>> -> memref<64x128xf32, #tpu.memory_space<vmem>>
      tpu.enqueue_dma source(%dma_start3A_1004 : memref<64x128xf32, #tpu.memory_space<vmem>>) target(%dma_start3A_1000 : memref<64x128xf32, #tpu.memory_space<hbm>>) target_semaphore(%dma_start3A_994 : memref<!tpu.dma_semaphore, #tpu.memory_space<semaphore_mem>>)
      %dma_wait3A_1005 = arith.constant 0 : i32
      %dma_wait3A_1006 = arith.constant 3 : i32
      %dma_wait3A_1007 = arith.constant 3 : i32
      %dma_wait3A_1008 = arith.constant 0 : i32
      %dma_wait3A_1009 = arith.constant 0 : i32
      %dma_wait3A_1010 = tpu.memref_slice %arg6[%dma_wait3A_1006, %dma_wait3A_1008, %dma_wait3A_1009] : memref<10x64x128xf32, #tpu.memory_space<vmem>> -> memref<1x64x128xf32, #tpu.memory_space<vmem>>
      %dma_wait3A_1011 = tpu.memref_squeeze %dma_wait3A_1010 : memref<1x64x128xf32, #tpu.memory_space<vmem>> -> memref<64x128xf32, #tpu.memory_space<vmem>>
      %dma_wait3A_1012 = arith.constant 0 : i32
      %dma_wait3A_1013 = tpu.memref_slice %arg5[%dma_wait3A_1005, %dma_wait3A_1012] : memref<50x128xi32, #tpu.memory_space<vmem>> -> memref<1x128xi32, #tpu.memory_space<vmem>>
      %dma_wait3A_1014 = tpu.memref_squeeze %dma_wait3A_1013 : memref<1x128xi32, #tpu.memory_space<vmem>> -> memref<128xi32, #tpu.memory_space<vmem>>
      %dma_wait3A_1015 = arith.constant 0 : i32
      %dma_wait3A_1016 = tpu.memref_slice %dma_wait3A_1014[%dma_wait3A_1015] : memref<128xi32, #tpu.memory_space<vmem>> -> memref<64xi32, #tpu.memory_space<vmem>>
      %dma_wait3A_1017 = arith.constant 0 : i32
      %dma_wait3A_1018 = arith.constant 0 : i32
      %dma_wait3A_1019 = tpu.memref_slice %arg2[%dma_wait3A_1017, %dma_wait3A_1018] : memref<100000x128xf32, #tpu.memory_space<hbm>> -> memref<100000x128xf32, #tpu.memory_space<hbm>>
      %dma_wait3A_1020 = tpu.memref_slice %arg7[%dma_wait3A_1007] : memref<10x!tpu.dma_semaphore, #tpu.memory_space<semaphore_mem>> -> memref<1x!tpu.dma_semaphore, #tpu.memory_space<semaphore_mem>>
      %dma_wait3A_1021 = tpu.memref_squeeze %dma_wait3A_1020 : memref<1x!tpu.dma_semaphore, #tpu.memory_space<semaphore_mem>> -> memref<!tpu.dma_semaphore, #tpu.memory_space<semaphore_mem>>
      tpu.wait_indirect_dma semaphore(%dma_wait3A_1021 : memref<!tpu.dma_semaphore, #tpu.memory_space<semaphore_mem>>) src(%dma_wait3A_1019 : memref<100000x128xf32, #tpu.memory_space<hbm>>) dst(%dma_wait3A_1011 : memref<64x128xf32, #tpu.memory_space<vmem>>)
      %add3A_1022 = arith.constant 1 : i32
      %add3A_1023 = arith.addi %add3A_869, %add3A_1022 : i32
      %add3A_1024 = arith.constant 64 : i32
      %add3A_1025 = arith.addi %mul3A_2, %add3A_1024 : i32
      %dma_start3A_1026 = arith.constant 3 : i32
      %dma_start3A_1027 = arith.constant 3 : i32
      %dma_start3A_1028 = arith.constant 0 : i32
      %dma_start3A_1029 = arith.constant 0 : i32
      %dma_start3A_1030 = tpu.memref_slice %arg6[%dma_start3A_1026, %dma_start3A_1028, %dma_start3A_1029] : memref<10x64x128xf32, #tpu.memory_space<vmem>> -> memref<1x64x128xf32, #tpu.memory_space<vmem>>
      %dma_start3A_1031 = tpu.memref_squeeze %dma_start3A_1030 : memref<1x64x128xf32, #tpu.memory_space<vmem>> -> memref<64x128xf32, #tpu.memory_space<vmem>>
      %dma_start3A_1032 = arith.constant 0 : i32
      %dma_start3A_1033 = arith.constant 0 : i32
      %dma_start3A_1034 = tpu.memref_slice %arg4[%add3A_1023, %dma_start3A_1032, %dma_start3A_1033] : memref<50x4096x128xf32, #tpu.memory_space<hbm>> -> memref<1x4096x128xf32, #tpu.memory_space<hbm>>
      %dma_start3A_1035 = tpu.memref_squeeze %dma_start3A_1034 : memref<1x4096x128xf32, #tpu.memory_space<hbm>> -> memref<4096x128xf32, #tpu.memory_space<hbm>>
      %dma_start3A_1036 = arith.constant 0 : i32
      %dma_start3A_1037 = tpu.memref_slice %dma_start3A_1035[%add3A_1025, %dma_start3A_1036] : memref<4096x128xf32, #tpu.memory_space<hbm>> -> memref<64x128xf32, #tpu.memory_space<hbm>>
      %dma_start3A_1038 = tpu.memref_slice %arg8[%dma_start3A_1027] : memref<10x!tpu.dma_semaphore, #tpu.memory_space<semaphore_mem>> -> memref<1x!tpu.dma_semaphore, #tpu.memory_space<semaphore_mem>>
      %dma_start3A_1039 = tpu.memref_squeeze %dma_start3A_1038 : memref<1x!tpu.dma_semaphore, #tpu.memory_space<semaphore_mem>> -> memref<!tpu.dma_semaphore, #tpu.memory_space<semaphore_mem>>
      %dma_start3A_1040 = arith.constant 0 : i32
      %dma_start3A_1041 = arith.constant 0 : i32
      %dma_start3A_1042 = tpu.memref_slice %arg4[%add3A_1023, %dma_start3A_1040, %dma_start3A_1041] : memref<50x4096x128xf32, #tpu.memory_space<hbm>> -> memref<1x4096x128xf32, #tpu.memory_space<hbm>>
      %dma_start3A_1043 = tpu.memref_squeeze %dma_start3A_1042 : memref<1x4096x128xf32, #tpu.memory_space<hbm>> -> memref<4096x128xf32, #tpu.memory_space<hbm>>
      %dma_start3A_1044 = arith.constant 0 : i32
      %dma_start3A_1045 = tpu.memref_slice %dma_start3A_1043[%add3A_1025, %dma_start3A_1044] : memref<4096x128xf32, #tpu.memory_space<hbm>> -> memref<64x128xf32, #tpu.memory_space<hbm>>
      %dma_start3A_1046 = arith.constant 0 : i32
      %dma_start3A_1047 = arith.constant 0 : i32
      %dma_start3A_1048 = tpu.memref_slice %arg6[%dma_start3A_1026, %dma_start3A_1046, %dma_start3A_1047] : memref<10x64x128xf32, #tpu.memory_space<vmem>> -> memref<1x64x128xf32, #tpu.memory_space<vmem>>
      %dma_start3A_1049 = tpu.memref_squeeze %dma_start3A_1048 : memref<1x64x128xf32, #tpu.memory_space<vmem>> -> memref<64x128xf32, #tpu.memory_space<vmem>>
      tpu.enqueue_dma source(%dma_start3A_1049 : memref<64x128xf32, #tpu.memory_space<vmem>>) target(%dma_start3A_1045 : memref<64x128xf32, #tpu.memory_space<hbm>>) target_semaphore(%dma_start3A_1039 : memref<!tpu.dma_semaphore, #tpu.memory_space<semaphore_mem>>)
      %dma_wait3A_1050 = arith.constant 0 : i32
      %dma_wait3A_1051 = arith.constant 4 : i32
      %dma_wait3A_1052 = arith.constant 4 : i32
      %dma_wait3A_1053 = arith.constant 0 : i32
      %dma_wait3A_1054 = arith.constant 0 : i32
      %dma_wait3A_1055 = tpu.memref_slice %arg6[%dma_wait3A_1051, %dma_wait3A_1053, %dma_wait3A_1054] : memref<10x64x128xf32, #tpu.memory_space<vmem>> -> memref<1x64x128xf32, #tpu.memory_space<vmem>>
      %dma_wait3A_1056 = tpu.memref_squeeze %dma_wait3A_1055 : memref<1x64x128xf32, #tpu.memory_space<vmem>> -> memref<64x128xf32, #tpu.memory_space<vmem>>
      %dma_wait3A_1057 = arith.constant 0 : i32
      %dma_wait3A_1058 = tpu.memref_slice %arg5[%dma_wait3A_1050, %dma_wait3A_1057] : memref<50x128xi32, #tpu.memory_space<vmem>> -> memref<1x128xi32, #tpu.memory_space<vmem>>
      %dma_wait3A_1059 = tpu.memref_squeeze %dma_wait3A_1058 : memref<1x128xi32, #tpu.memory_space<vmem>> -> memref<128xi32, #tpu.memory_space<vmem>>
      %dma_wait3A_1060 = arith.constant 0 : i32
      %dma_wait3A_1061 = tpu.memref_slice %dma_wait3A_1059[%dma_wait3A_1060] : memref<128xi32, #tpu.memory_space<vmem>> -> memref<64xi32, #tpu.memory_space<vmem>>
      %dma_wait3A_1062 = arith.constant 0 : i32
      %dma_wait3A_1063 = arith.constant 0 : i32
      %dma_wait3A_1064 = tpu.memref_slice %arg2[%dma_wait3A_1062, %dma_wait3A_1063] : memref<100000x128xf32, #tpu.memory_space<hbm>> -> memref<100000x128xf32, #tpu.memory_space<hbm>>
      %dma_wait3A_1065 = tpu.memref_slice %arg7[%dma_wait3A_1052] : memref<10x!tpu.dma_semaphore, #tpu.memory_space<semaphore_mem>> -> memref<1x!tpu.dma_semaphore, #tpu.memory_space<semaphore_mem>>
      %dma_wait3A_1066 = tpu.memref_squeeze %dma_wait3A_1065 : memref<1x!tpu.dma_semaphore, #tpu.memory_space<semaphore_mem>> -> memref<!tpu.dma_semaphore, #tpu.memory_space<semaphore_mem>>
      tpu.wait_indirect_dma semaphore(%dma_wait3A_1066 : memref<!tpu.dma_semaphore, #tpu.memory_space<semaphore_mem>>) src(%dma_wait3A_1064 : memref<100000x128xf32, #tpu.memory_space<hbm>>) dst(%dma_wait3A_1056 : memref<64x128xf32, #tpu.memory_space<vmem>>)
      %add3A_1067 = arith.constant 2 : i32
      %add3A_1068 = arith.addi %add3A_869, %add3A_1067 : i32
      %add3A_1069 = arith.constant 0 : i32
      %add3A_1070 = arith.addi %mul3A_2, %add3A_1069 : i32
      %dma_start3A_1071 = arith.constant 4 : i32
      %dma_start3A_1072 = arith.constant 4 : i32
      %dma_start3A_1073 = arith.constant 0 : i32
      %dma_start3A_1074 = arith.constant 0 : i32
      %dma_start3A_1075 = tpu.memref_slice %arg6[%dma_start3A_1071, %dma_start3A_1073, %dma_start3A_1074] : memref<10x64x128xf32, #tpu.memory_space<vmem>> -> memref<1x64x128xf32, #tpu.memory_space<vmem>>
      %dma_start3A_1076 = tpu.memref_squeeze %dma_start3A_1075 : memref<1x64x128xf32, #tpu.memory_space<vmem>> -> memref<64x128xf32, #tpu.memory_space<vmem>>
      %dma_start3A_1077 = arith.constant 0 : i32
      %dma_start3A_1078 = arith.constant 0 : i32
      %dma_start3A_1079 = tpu.memref_slice %arg4[%add3A_1068, %dma_start3A_1077, %dma_start3A_1078] : memref<50x4096x128xf32, #tpu.memory_space<hbm>> -> memref<1x4096x128xf32, #tpu.memory_space<hbm>>
      %dma_start3A_1080 = tpu.memref_squeeze %dma_start3A_1079 : memref<1x4096x128xf32, #tpu.memory_space<hbm>> -> memref<4096x128xf32, #tpu.memory_space<hbm>>
      %dma_start3A_1081 = arith.constant 0 : i32
      %dma_start3A_1082 = tpu.memref_slice %dma_start3A_1080[%add3A_1070, %dma_start3A_1081] : memref<4096x128xf32, #tpu.memory_space<hbm>> -> memref<64x128xf32, #tpu.memory_space<hbm>>
      %dma_start3A_1083 = tpu.memref_slice %arg8[%dma_start3A_1072] : memref<10x!tpu.dma_semaphore, #tpu.memory_space<semaphore_mem>> -> memref<1x!tpu.dma_semaphore, #tpu.memory_space<semaphore_mem>>
      %dma_start3A_1084 = tpu.memref_squeeze %dma_start3A_1083 : memref<1x!tpu.dma_semaphore, #tpu.memory_space<semaphore_mem>> -> memref<!tpu.dma_semaphore, #tpu.memory_space<semaphore_mem>>
      %dma_start3A_1085 = arith.constant 0 : i32
      %dma_start3A_1086 = arith.constant 0 : i32
      %dma_start3A_1087 = tpu.memref_slice %arg4[%add3A_1068, %dma_start3A_1085, %dma_start3A_1086] : memref<50x4096x128xf32, #tpu.memory_space<hbm>> -> memref<1x4096x128xf32, #tpu.memory_space<hbm>>
      %dma_start3A_1088 = tpu.memref_squeeze %dma_start3A_1087 : memref<1x4096x128xf32, #tpu.memory_space<hbm>> -> memref<4096x128xf32, #tpu.memory_space<hbm>>
      %dma_start3A_1089 = arith.constant 0 : i32
      %dma_start3A_1090 = tpu.memref_slice %dma_start3A_1088[%add3A_1070, %dma_start3A_1089] : memref<4096x128xf32, #tpu.memory_space<hbm>> -> memref<64x128xf32, #tpu.memory_space<hbm>>
      %dma_start3A_1091 = arith.constant 0 : i32
      %dma_start3A_1092 = arith.constant 0 : i32
      %dma_start3A_1093 = tpu.memref_slice %arg6[%dma_start3A_1071, %dma_start3A_1091, %dma_start3A_1092] : memref<10x64x128xf32, #tpu.memory_space<vmem>> -> memref<1x64x128xf32, #tpu.memory_space<vmem>>
      %dma_start3A_1094 = tpu.memref_squeeze %dma_start3A_1093 : memref<1x64x128xf32, #tpu.memory_space<vmem>> -> memref<64x128xf32, #tpu.memory_space<vmem>>
      tpu.enqueue_dma source(%dma_start3A_1094 : memref<64x128xf32, #tpu.memory_space<vmem>>) target(%dma_start3A_1090 : memref<64x128xf32, #tpu.memory_space<hbm>>) target_semaphore(%dma_start3A_1084 : memref<!tpu.dma_semaphore, #tpu.memory_space<semaphore_mem>>)
      %dma_wait3A_1095 = arith.constant 0 : i32
      %dma_wait3A_1096 = arith.constant 5 : i32
      %dma_wait3A_1097 = arith.constant 5 : i32
      %dma_wait3A_1098 = arith.constant 0 : i32
      %dma_wait3A_1099 = arith.constant 0 : i32
      %dma_wait3A_1100 = tpu.memref_slice %arg6[%dma_wait3A_1096, %dma_wait3A_1098, %dma_wait3A_1099] : memref<10x64x128xf32, #tpu.memory_space<vmem>> -> memref<1x64x128xf32, #tpu.memory_space<vmem>>
      %dma_wait3A_1101 = tpu.memref_squeeze %dma_wait3A_1100 : memref<1x64x128xf32, #tpu.memory_space<vmem>> -> memref<64x128xf32, #tpu.memory_space<vmem>>
      %dma_wait3A_1102 = arith.constant 0 : i32
      %dma_wait3A_1103 = tpu.memref_slice %arg5[%dma_wait3A_1095, %dma_wait3A_1102] : memref<50x128xi32, #tpu.memory_space<vmem>> -> memref<1x128xi32, #tpu.memory_space<vmem>>
      %dma_wait3A_1104 = tpu.memref_squeeze %dma_wait3A_1103 : memref<1x128xi32, #tpu.memory_space<vmem>> -> memref<128xi32, #tpu.memory_space<vmem>>
      %dma_wait3A_1105 = arith.constant 0 : i32
      %dma_wait3A_1106 = tpu.memref_slice %dma_wait3A_1104[%dma_wait3A_1105] : memref<128xi32, #tpu.memory_space<vmem>> -> memref<64xi32, #tpu.memory_space<vmem>>
      %dma_wait3A_1107 = arith.constant 0 : i32
      %dma_wait3A_1108 = arith.constant 0 : i32
      %dma_wait3A_1109 = tpu.memref_slice %arg2[%dma_wait3A_1107, %dma_wait3A_1108] : memref<100000x128xf32, #tpu.memory_space<hbm>> -> memref<100000x128xf32, #tpu.memory_space<hbm>>
      %dma_wait3A_1110 = tpu.memref_slice %arg7[%dma_wait3A_1097] : memref<10x!tpu.dma_semaphore, #tpu.memory_space<semaphore_mem>> -> memref<1x!tpu.dma_semaphore, #tpu.memory_space<semaphore_mem>>
      %dma_wait3A_1111 = tpu.memref_squeeze %dma_wait3A_1110 : memref<1x!tpu.dma_semaphore, #tpu.memory_space<semaphore_mem>> -> memref<!tpu.dma_semaphore, #tpu.memory_space<semaphore_mem>>
      tpu.wait_indirect_dma semaphore(%dma_wait3A_1111 : memref<!tpu.dma_semaphore, #tpu.memory_space<semaphore_mem>>) src(%dma_wait3A_1109 : memref<100000x128xf32, #tpu.memory_space<hbm>>) dst(%dma_wait3A_1101 : memref<64x128xf32, #tpu.memory_space<vmem>>)
      %add3A_1112 = arith.constant 2 : i32
      %add3A_1113 = arith.addi %add3A_869, %add3A_1112 : i32
      %add3A_1114 = arith.constant 64 : i32
      %add3A_1115 = arith.addi %mul3A_2, %add3A_1114 : i32
      %dma_start3A_1116 = arith.constant 5 : i32
      %dma_start3A_1117 = arith.constant 5 : i32
      %dma_start3A_1118 = arith.constant 0 : i32
      %dma_start3A_1119 = arith.constant 0 : i32
      %dma_start3A_1120 = tpu.memref_slice %arg6[%dma_start3A_1116, %dma_start3A_1118, %dma_start3A_1119] : memref<10x64x128xf32, #tpu.memory_space<vmem>> -> memref<1x64x128xf32, #tpu.memory_space<vmem>>
      %dma_start3A_1121 = tpu.memref_squeeze %dma_start3A_1120 : memref<1x64x128xf32, #tpu.memory_space<vmem>> -> memref<64x128xf32, #tpu.memory_space<vmem>>
      %dma_start3A_1122 = arith.constant 0 : i32
      %dma_start3A_1123 = arith.constant 0 : i32
      %dma_start3A_1124 = tpu.memref_slice %arg4[%add3A_1113, %dma_start3A_1122, %dma_start3A_1123] : memref<50x4096x128xf32, #tpu.memory_space<hbm>> -> memref<1x4096x128xf32, #tpu.memory_space<hbm>>
      %dma_start3A_1125 = tpu.memref_squeeze %dma_start3A_1124 : memref<1x4096x128xf32, #tpu.memory_space<hbm>> -> memref<4096x128xf32, #tpu.memory_space<hbm>>
      %dma_start3A_1126 = arith.constant 0 : i32
      %dma_start3A_1127 = tpu.memref_slice %dma_start3A_1125[%add3A_1115, %dma_start3A_1126] : memref<4096x128xf32, #tpu.memory_space<hbm>> -> memref<64x128xf32, #tpu.memory_space<hbm>>
      %dma_start3A_1128 = tpu.memref_slice %arg8[%dma_start3A_1117] : memref<10x!tpu.dma_semaphore, #tpu.memory_space<semaphore_mem>> -> memref<1x!tpu.dma_semaphore, #tpu.memory_space<semaphore_mem>>
      %dma_start3A_1129 = tpu.memref_squeeze %dma_start3A_1128 : memref<1x!tpu.dma_semaphore, #tpu.memory_space<semaphore_mem>> -> memref<!tpu.dma_semaphore, #tpu.memory_space<semaphore_mem>>
      %dma_start3A_1130 = arith.constant 0 : i32
      %dma_start3A_1131 = arith.constant 0 : i32
      %dma_start3A_1132 = tpu.memref_slice %arg4[%add3A_1113, %dma_start3A_1130, %dma_start3A_1131] : memref<50x4096x128xf32, #tpu.memory_space<hbm>> -> memref<1x4096x128xf32, #tpu.memory_space<hbm>>
      %dma_start3A_1133 = tpu.memref_squeeze %dma_start3A_1132 : memref<1x4096x128xf32, #tpu.memory_space<hbm>> -> memref<4096x128xf32, #tpu.memory_space<hbm>>
      %dma_start3A_1134 = arith.constant 0 : i32
      %dma_start3A_1135 = tpu.memref_slice %dma_start3A_1133[%add3A_1115, %dma_start3A_1134] : memref<4096x128xf32, #tpu.memory_space<hbm>> -> memref<64x128xf32, #tpu.memory_space<hbm>>
      %dma_start3A_1136 = arith.constant 0 : i32
      %dma_start3A_1137 = arith.constant 0 : i32
      %dma_start3A_1138 = tpu.memref_slice %arg6[%dma_start3A_1116, %dma_start3A_1136, %dma_start3A_1137] : memref<10x64x128xf32, #tpu.memory_space<vmem>> -> memref<1x64x128xf32, #tpu.memory_space<vmem>>
      %dma_start3A_1139 = tpu.memref_squeeze %dma_start3A_1138 : memref<1x64x128xf32, #tpu.memory_space<vmem>> -> memref<64x128xf32, #tpu.memory_space<vmem>>
      tpu.enqueue_dma source(%dma_start3A_1139 : memref<64x128xf32, #tpu.memory_space<vmem>>) target(%dma_start3A_1135 : memref<64x128xf32, #tpu.memory_space<hbm>>) target_semaphore(%dma_start3A_1129 : memref<!tpu.dma_semaphore, #tpu.memory_space<semaphore_mem>>)
      %dma_wait3A_1140 = arith.constant 0 : i32
      %dma_wait3A_1141 = arith.constant 6 : i32
      %dma_wait3A_1142 = arith.constant 6 : i32
      %dma_wait3A_1143 = arith.constant 0 : i32
      %dma_wait3A_1144 = arith.constant 0 : i32
      %dma_wait3A_1145 = tpu.memref_slice %arg6[%dma_wait3A_1141, %dma_wait3A_1143, %dma_wait3A_1144] : memref<10x64x128xf32, #tpu.memory_space<vmem>> -> memref<1x64x128xf32, #tpu.memory_space<vmem>>
      %dma_wait3A_1146 = tpu.memref_squeeze %dma_wait3A_1145 : memref<1x64x128xf32, #tpu.memory_space<vmem>> -> memref<64x128xf32, #tpu.memory_space<vmem>>
      %dma_wait3A_1147 = arith.constant 0 : i32
      %dma_wait3A_1148 = tpu.memref_slice %arg5[%dma_wait3A_1140, %dma_wait3A_1147] : memref<50x128xi32, #tpu.memory_space<vmem>> -> memref<1x128xi32, #tpu.memory_space<vmem>>
      %dma_wait3A_1149 = tpu.memref_squeeze %dma_wait3A_1148 : memref<1x128xi32, #tpu.memory_space<vmem>> -> memref<128xi32, #tpu.memory_space<vmem>>
      %dma_wait3A_1150 = arith.constant 0 : i32
      %dma_wait3A_1151 = tpu.memref_slice %dma_wait3A_1149[%dma_wait3A_1150] : memref<128xi32, #tpu.memory_space<vmem>> -> memref<64xi32, #tpu.memory_space<vmem>>
      %dma_wait3A_1152 = arith.constant 0 : i32
      %dma_wait3A_1153 = arith.constant 0 : i32
      %dma_wait3A_1154 = tpu.memref_slice %arg2[%dma_wait3A_1152, %dma_wait3A_1153] : memref<100000x128xf32, #tpu.memory_space<hbm>> -> memref<100000x128xf32, #tpu.memory_space<hbm>>
      %dma_wait3A_1155 = tpu.memref_slice %arg7[%dma_wait3A_1142] : memref<10x!tpu.dma_semaphore, #tpu.memory_space<semaphore_mem>> -> memref<1x!tpu.dma_semaphore, #tpu.memory_space<semaphore_mem>>
      %dma_wait3A_1156 = tpu.memref_squeeze %dma_wait3A_1155 : memref<1x!tpu.dma_semaphore, #tpu.memory_space<semaphore_mem>> -> memref<!tpu.dma_semaphore, #tpu.memory_space<semaphore_mem>>
      tpu.wait_indirect_dma semaphore(%dma_wait3A_1156 : memref<!tpu.dma_semaphore, #tpu.memory_space<semaphore_mem>>) src(%dma_wait3A_1154 : memref<100000x128xf32, #tpu.memory_space<hbm>>) dst(%dma_wait3A_1146 : memref<64x128xf32, #tpu.memory_space<vmem>>)
      %add3A_1157 = arith.constant 3 : i32
      %add3A_1158 = arith.addi %add3A_869, %add3A_1157 : i32
      %add3A_1159 = arith.constant 0 : i32
      %add3A_1160 = arith.addi %mul3A_2, %add3A_1159 : i32
      %dma_start3A_1161 = arith.constant 6 : i32
      %dma_start3A_1162 = arith.constant 6 : i32
      %dma_start3A_1163 = arith.constant 0 : i32
      %dma_start3A_1164 = arith.constant 0 : i32
      %dma_start3A_1165 = tpu.memref_slice %arg6[%dma_start3A_1161, %dma_start3A_1163, %dma_start3A_1164] : memref<10x64x128xf32, #tpu.memory_space<vmem>> -> memref<1x64x128xf32, #tpu.memory_space<vmem>>
      %dma_start3A_1166 = tpu.memref_squeeze %dma_start3A_1165 : memref<1x64x128xf32, #tpu.memory_space<vmem>> -> memref<64x128xf32, #tpu.memory_space<vmem>>
      %dma_start3A_1167 = arith.constant 0 : i32
      %dma_start3A_1168 = arith.constant 0 : i32
      %dma_start3A_1169 = tpu.memref_slice %arg4[%add3A_1158, %dma_start3A_1167, %dma_start3A_1168] : memref<50x4096x128xf32, #tpu.memory_space<hbm>> -> memref<1x4096x128xf32, #tpu.memory_space<hbm>>
      %dma_start3A_1170 = tpu.memref_squeeze %dma_start3A_1169 : memref<1x4096x128xf32, #tpu.memory_space<hbm>> -> memref<4096x128xf32, #tpu.memory_space<hbm>>
      %dma_start3A_1171 = arith.constant 0 : i32
      %dma_start3A_1172 = tpu.memref_slice %dma_start3A_1170[%add3A_1160, %dma_start3A_1171] : memref<4096x128xf32, #tpu.memory_space<hbm>> -> memref<64x128xf32, #tpu.memory_space<hbm>>
      %dma_start3A_1173 = tpu.memref_slice %arg8[%dma_start3A_1162] : memref<10x!tpu.dma_semaphore, #tpu.memory_space<semaphore_mem>> -> memref<1x!tpu.dma_semaphore, #tpu.memory_space<semaphore_mem>>
      %dma_start3A_1174 = tpu.memref_squeeze %dma_start3A_1173 : memref<1x!tpu.dma_semaphore, #tpu.memory_space<semaphore_mem>> -> memref<!tpu.dma_semaphore, #tpu.memory_space<semaphore_mem>>
      %dma_start3A_1175 = arith.constant 0 : i32
      %dma_start3A_1176 = arith.constant 0 : i32
      %dma_start3A_1177 = tpu.memref_slice %arg4[%add3A_1158, %dma_start3A_1175, %dma_start3A_1176] : memref<50x4096x128xf32, #tpu.memory_space<hbm>> -> memref<1x4096x128xf32, #tpu.memory_space<hbm>>
      %dma_start3A_1178 = tpu.memref_squeeze %dma_start3A_1177 : memref<1x4096x128xf32, #tpu.memory_space<hbm>> -> memref<4096x128xf32, #tpu.memory_space<hbm>>
      %dma_start3A_1179 = arith.constant 0 : i32
      %dma_start3A_1180 = tpu.memref_slice %dma_start3A_1178[%add3A_1160, %dma_start3A_1179] : memref<4096x128xf32, #tpu.memory_space<hbm>> -> memref<64x128xf32, #tpu.memory_space<hbm>>
      %dma_start3A_1181 = arith.constant 0 : i32
      %dma_start3A_1182 = arith.constant 0 : i32
      %dma_start3A_1183 = tpu.memref_slice %arg6[%dma_start3A_1161, %dma_start3A_1181, %dma_start3A_1182] : memref<10x64x128xf32, #tpu.memory_space<vmem>> -> memref<1x64x128xf32, #tpu.memory_space<vmem>>
      %dma_start3A_1184 = tpu.memref_squeeze %dma_start3A_1183 : memref<1x64x128xf32, #tpu.memory_space<vmem>> -> memref<64x128xf32, #tpu.memory_space<vmem>>
      tpu.enqueue_dma source(%dma_start3A_1184 : memref<64x128xf32, #tpu.memory_space<vmem>>) target(%dma_start3A_1180 : memref<64x128xf32, #tpu.memory_space<hbm>>) target_semaphore(%dma_start3A_1174 : memref<!tpu.dma_semaphore, #tpu.memory_space<semaphore_mem>>)
      %dma_wait3A_1185 = arith.constant 0 : i32
      %dma_wait3A_1186 = arith.constant 7 : i32
      %dma_wait3A_1187 = arith.constant 7 : i32
      %dma_wait3A_1188 = arith.constant 0 : i32
      %dma_wait3A_1189 = arith.constant 0 : i32
      %dma_wait3A_1190 = tpu.memref_slice %arg6[%dma_wait3A_1186, %dma_wait3A_1188, %dma_wait3A_1189] : memref<10x64x128xf32, #tpu.memory_space<vmem>> -> memref<1x64x128xf32, #tpu.memory_space<vmem>>
      %dma_wait3A_1191 = tpu.memref_squeeze %dma_wait3A_1190 : memref<1x64x128xf32, #tpu.memory_space<vmem>> -> memref<64x128xf32, #tpu.memory_space<vmem>>
      %dma_wait3A_1192 = arith.constant 0 : i32
      %dma_wait3A_1193 = tpu.memref_slice %arg5[%dma_wait3A_1185, %dma_wait3A_1192] : memref<50x128xi32, #tpu.memory_space<vmem>> -> memref<1x128xi32, #tpu.memory_space<vmem>>
      %dma_wait3A_1194 = tpu.memref_squeeze %dma_wait3A_1193 : memref<1x128xi32, #tpu.memory_space<vmem>> -> memref<128xi32, #tpu.memory_space<vmem>>
      %dma_wait3A_1195 = arith.constant 0 : i32
      %dma_wait3A_1196 = tpu.memref_slice %dma_wait3A_1194[%dma_wait3A_1195] : memref<128xi32, #tpu.memory_space<vmem>> -> memref<64xi32, #tpu.memory_space<vmem>>
      %dma_wait3A_1197 = arith.constant 0 : i32
      %dma_wait3A_1198 = arith.constant 0 : i32
      %dma_wait3A_1199 = tpu.memref_slice %arg2[%dma_wait3A_1197, %dma_wait3A_1198] : memref<100000x128xf32, #tpu.memory_space<hbm>> -> memref<100000x128xf32, #tpu.memory_space<hbm>>
      %dma_wait3A_1200 = tpu.memref_slice %arg7[%dma_wait3A_1187] : memref<10x!tpu.dma_semaphore, #tpu.memory_space<semaphore_mem>> -> memref<1x!tpu.dma_semaphore, #tpu.memory_space<semaphore_mem>>
      %dma_wait3A_1201 = tpu.memref_squeeze %dma_wait3A_1200 : memref<1x!tpu.dma_semaphore, #tpu.memory_space<semaphore_mem>> -> memref<!tpu.dma_semaphore, #tpu.memory_space<semaphore_mem>>
      tpu.wait_indirect_dma semaphore(%dma_wait3A_1201 : memref<!tpu.dma_semaphore, #tpu.memory_space<semaphore_mem>>) src(%dma_wait3A_1199 : memref<100000x128xf32, #tpu.memory_space<hbm>>) dst(%dma_wait3A_1191 : memref<64x128xf32, #tpu.memory_space<vmem>>)
      %add3A_1202 = arith.constant 3 : i32
      %add3A_1203 = arith.addi %add3A_869, %add3A_1202 : i32
      %add3A_1204 = arith.constant 64 : i32
      %add3A_1205 = arith.addi %mul3A_2, %add3A_1204 : i32
      %dma_start3A_1206 = arith.constant 7 : i32
      %dma_start3A_1207 = arith.constant 7 : i32
      %dma_start3A_1208 = arith.constant 0 : i32
      %dma_start3A_1209 = arith.constant 0 : i32
      %dma_start3A_1210 = tpu.memref_slice %arg6[%dma_start3A_1206, %dma_start3A_1208, %dma_start3A_1209] : memref<10x64x128xf32, #tpu.memory_space<vmem>> -> memref<1x64x128xf32, #tpu.memory_space<vmem>>
      %dma_start3A_1211 = tpu.memref_squeeze %dma_start3A_1210 : memref<1x64x128xf32, #tpu.memory_space<vmem>> -> memref<64x128xf32, #tpu.memory_space<vmem>>
      %dma_start3A_1212 = arith.constant 0 : i32
      %dma_start3A_1213 = arith.constant 0 : i32
      %dma_start3A_1214 = tpu.memref_slice %arg4[%add3A_1203, %dma_start3A_1212, %dma_start3A_1213] : memref<50x4096x128xf32, #tpu.memory_space<hbm>> -> memref<1x4096x128xf32, #tpu.memory_space<hbm>>
      %dma_start3A_1215 = tpu.memref_squeeze %dma_start3A_1214 : memref<1x4096x128xf32, #tpu.memory_space<hbm>> -> memref<4096x128xf32, #tpu.memory_space<hbm>>
      %dma_start3A_1216 = arith.constant 0 : i32
      %dma_start3A_1217 = tpu.memref_slice %dma_start3A_1215[%add3A_1205, %dma_start3A_1216] : memref<4096x128xf32, #tpu.memory_space<hbm>> -> memref<64x128xf32, #tpu.memory_space<hbm>>
      %dma_start3A_1218 = tpu.memref_slice %arg8[%dma_start3A_1207] : memref<10x!tpu.dma_semaphore, #tpu.memory_space<semaphore_mem>> -> memref<1x!tpu.dma_semaphore, #tpu.memory_space<semaphore_mem>>
      %dma_start3A_1219 = tpu.memref_squeeze %dma_start3A_1218 : memref<1x!tpu.dma_semaphore, #tpu.memory_space<semaphore_mem>> -> memref<!tpu.dma_semaphore, #tpu.memory_space<semaphore_mem>>
      %dma_start3A_1220 = arith.constant 0 : i32
      %dma_start3A_1221 = arith.constant 0 : i32
      %dma_start3A_1222 = tpu.memref_slice %arg4[%add3A_1203, %dma_start3A_1220, %dma_start3A_1221] : memref<50x4096x128xf32, #tpu.memory_space<hbm>> -> memref<1x4096x128xf32, #tpu.memory_space<hbm>>
      %dma_start3A_1223 = tpu.memref_squeeze %dma_start3A_1222 : memref<1x4096x128xf32, #tpu.memory_space<hbm>> -> memref<4096x128xf32, #tpu.memory_space<hbm>>
      %dma_start3A_1224 = arith.constant 0 : i32
      %dma_start3A_1225 = tpu.memref_slice %dma_start3A_1223[%add3A_1205, %dma_start3A_1224] : memref<4096x128xf32, #tpu.memory_space<hbm>> -> memref<64x128xf32, #tpu.memory_space<hbm>>
      %dma_start3A_1226 = arith.constant 0 : i32
      %dma_start3A_1227 = arith.constant 0 : i32
      %dma_start3A_1228 = tpu.memref_slice %arg6[%dma_start3A_1206, %dma_start3A_1226, %dma_start3A_1227] : memref<10x64x128xf32, #tpu.memory_space<vmem>> -> memref<1x64x128xf32, #tpu.memory_space<vmem>>
      %dma_start3A_1229 = tpu.memref_squeeze %dma_start3A_1228 : memref<1x64x128xf32, #tpu.memory_space<vmem>> -> memref<64x128xf32, #tpu.memory_space<vmem>>
      tpu.enqueue_dma source(%dma_start3A_1229 : memref<64x128xf32, #tpu.memory_space<vmem>>) target(%dma_start3A_1225 : memref<64x128xf32, #tpu.memory_space<hbm>>) target_semaphore(%dma_start3A_1219 : memref<!tpu.dma_semaphore, #tpu.memory_space<semaphore_mem>>)
      %dma_wait3A_1230 = arith.constant 0 : i32
      %dma_wait3A_1231 = arith.constant 8 : i32
      %dma_wait3A_1232 = arith.constant 8 : i32
      %dma_wait3A_1233 = arith.constant 0 : i32
      %dma_wait3A_1234 = arith.constant 0 : i32
      %dma_wait3A_1235 = tpu.memref_slice %arg6[%dma_wait3A_1231, %dma_wait3A_1233, %dma_wait3A_1234] : memref<10x64x128xf32, #tpu.memory_space<vmem>> -> memref<1x64x128xf32, #tpu.memory_space<vmem>>
      %dma_wait3A_1236 = tpu.memref_squeeze %dma_wait3A_1235 : memref<1x64x128xf32, #tpu.memory_space<vmem>> -> memref<64x128xf32, #tpu.memory_space<vmem>>
      %dma_wait3A_1237 = arith.constant 0 : i32
      %dma_wait3A_1238 = tpu.memref_slice %arg5[%dma_wait3A_1230, %dma_wait3A_1237] : memref<50x128xi32, #tpu.memory_space<vmem>> -> memref<1x128xi32, #tpu.memory_space<vmem>>
      %dma_wait3A_1239 = tpu.memref_squeeze %dma_wait3A_1238 : memref<1x128xi32, #tpu.memory_space<vmem>> -> memref<128xi32, #tpu.memory_space<vmem>>
      %dma_wait3A_1240 = arith.constant 0 : i32
      %dma_wait3A_1241 = tpu.memref_slice %dma_wait3A_1239[%dma_wait3A_1240] : memref<128xi32, #tpu.memory_space<vmem>> -> memref<64xi32, #tpu.memory_space<vmem>>
      %dma_wait3A_1242 = arith.constant 0 : i32
      %dma_wait3A_1243 = arith.constant 0 : i32
      %dma_wait3A_1244 = tpu.memref_slice %arg2[%dma_wait3A_1242, %dma_wait3A_1243] : memref<100000x128xf32, #tpu.memory_space<hbm>> -> memref<100000x128xf32, #tpu.memory_space<hbm>>
      %dma_wait3A_1245 = tpu.memref_slice %arg7[%dma_wait3A_1232] : memref<10x!tpu.dma_semaphore, #tpu.memory_space<semaphore_mem>> -> memref<1x!tpu.dma_semaphore, #tpu.memory_space<semaphore_mem>>
      %dma_wait3A_1246 = tpu.memref_squeeze %dma_wait3A_1245 : memref<1x!tpu.dma_semaphore, #tpu.memory_space<semaphore_mem>> -> memref<!tpu.dma_semaphore, #tpu.memory_space<semaphore_mem>>
      tpu.wait_indirect_dma semaphore(%dma_wait3A_1246 : memref<!tpu.dma_semaphore, #tpu.memory_space<semaphore_mem>>) src(%dma_wait3A_1244 : memref<100000x128xf32, #tpu.memory_space<hbm>>) dst(%dma_wait3A_1236 : memref<64x128xf32, #tpu.memory_space<vmem>>)
      %add3A_1247 = arith.constant 4 : i32
      %add3A_1248 = arith.addi %add3A_869, %add3A_1247 : i32
      %add3A_1249 = arith.constant 0 : i32
      %add3A_1250 = arith.addi %mul3A_2, %add3A_1249 : i32
      %dma_start3A_1251 = arith.constant 8 : i32
      %dma_start3A_1252 = arith.constant 8 : i32
      %dma_start3A_1253 = arith.constant 0 : i32
      %dma_start3A_1254 = arith.constant 0 : i32
      %dma_start3A_1255 = tpu.memref_slice %arg6[%dma_start3A_1251, %dma_start3A_1253, %dma_start3A_1254] : memref<10x64x128xf32, #tpu.memory_space<vmem>> -> memref<1x64x128xf32, #tpu.memory_space<vmem>>
      %dma_start3A_1256 = tpu.memref_squeeze %dma_start3A_1255 : memref<1x64x128xf32, #tpu.memory_space<vmem>> -> memref<64x128xf32, #tpu.memory_space<vmem>>
      %dma_start3A_1257 = arith.constant 0 : i32
      %dma_start3A_1258 = arith.constant 0 : i32
      %dma_start3A_1259 = tpu.memref_slice %arg4[%add3A_1248, %dma_start3A_1257, %dma_start3A_1258] : memref<50x4096x128xf32, #tpu.memory_space<hbm>> -> memref<1x4096x128xf32, #tpu.memory_space<hbm>>
      %dma_start3A_1260 = tpu.memref_squeeze %dma_start3A_1259 : memref<1x4096x128xf32, #tpu.memory_space<hbm>> -> memref<4096x128xf32, #tpu.memory_space<hbm>>
      %dma_start3A_1261 = arith.constant 0 : i32
      %dma_start3A_1262 = tpu.memref_slice %dma_start3A_1260[%add3A_1250, %dma_start3A_1261] : memref<4096x128xf32, #tpu.memory_space<hbm>> -> memref<64x128xf32, #tpu.memory_space<hbm>>
      %dma_start3A_1263 = tpu.memref_slice %arg8[%dma_start3A_1252] : memref<10x!tpu.dma_semaphore, #tpu.memory_space<semaphore_mem>> -> memref<1x!tpu.dma_semaphore, #tpu.memory_space<semaphore_mem>>
      %dma_start3A_1264 = tpu.memref_squeeze %dma_start3A_1263 : memref<1x!tpu.dma_semaphore, #tpu.memory_space<semaphore_mem>> -> memref<!tpu.dma_semaphore, #tpu.memory_space<semaphore_mem>>
      %dma_start3A_1265 = arith.constant 0 : i32
      %dma_start3A_1266 = arith.constant 0 : i32
      %dma_start3A_1267 = tpu.memref_slice %arg4[%add3A_1248, %dma_start3A_1265, %dma_start3A_1266] : memref<50x4096x128xf32, #tpu.memory_space<hbm>> -> memref<1x4096x128xf32, #tpu.memory_space<hbm>>
      %dma_start3A_1268 = tpu.memref_squeeze %dma_start3A_1267 : memref<1x4096x128xf32, #tpu.memory_space<hbm>> -> memref<4096x128xf32, #tpu.memory_space<hbm>>
      %dma_start3A_1269 = arith.constant 0 : i32
      %dma_start3A_1270 = tpu.memref_slice %dma_start3A_1268[%add3A_1250, %dma_start3A_1269] : memref<4096x128xf32, #tpu.memory_space<hbm>> -> memref<64x128xf32, #tpu.memory_space<hbm>>
      %dma_start3A_1271 = arith.constant 0 : i32
      %dma_start3A_1272 = arith.constant 0 : i32
      %dma_start3A_1273 = tpu.memref_slice %arg6[%dma_start3A_1251, %dma_start3A_1271, %dma_start3A_1272] : memref<10x64x128xf32, #tpu.memory_space<vmem>> -> memref<1x64x128xf32, #tpu.memory_space<vmem>>
      %dma_start3A_1274 = tpu.memref_squeeze %dma_start3A_1273 : memref<1x64x128xf32, #tpu.memory_space<vmem>> -> memref<64x128xf32, #tpu.memory_space<vmem>>
      tpu.enqueue_dma source(%dma_start3A_1274 : memref<64x128xf32, #tpu.memory_space<vmem>>) target(%dma_start3A_1270 : memref<64x128xf32, #tpu.memory_space<hbm>>) target_semaphore(%dma_start3A_1264 : memref<!tpu.dma_semaphore, #tpu.memory_space<semaphore_mem>>)
      %dma_wait3A_1275 = arith.constant 0 : i32
      %dma_wait3A_1276 = arith.constant 9 : i32
      %dma_wait3A_1277 = arith.constant 9 : i32
      %dma_wait3A_1278 = arith.constant 0 : i32
      %dma_wait3A_1279 = arith.constant 0 : i32
      %dma_wait3A_1280 = tpu.memref_slice %arg6[%dma_wait3A_1276, %dma_wait3A_1278, %dma_wait3A_1279] : memref<10x64x128xf32, #tpu.memory_space<vmem>> -> memref<1x64x128xf32, #tpu.memory_space<vmem>>
      %dma_wait3A_1281 = tpu.memref_squeeze %dma_wait3A_1280 : memref<1x64x128xf32, #tpu.memory_space<vmem>> -> memref<64x128xf32, #tpu.memory_space<vmem>>
      %dma_wait3A_1282 = arith.constant 0 : i32
      %dma_wait3A_1283 = tpu.memref_slice %arg5[%dma_wait3A_1275, %dma_wait3A_1282] : memref<50x128xi32, #tpu.memory_space<vmem>> -> memref<1x128xi32, #tpu.memory_space<vmem>>
      %dma_wait3A_1284 = tpu.memref_squeeze %dma_wait3A_1283 : memref<1x128xi32, #tpu.memory_space<vmem>> -> memref<128xi32, #tpu.memory_space<vmem>>
      %dma_wait3A_1285 = arith.constant 0 : i32
      %dma_wait3A_1286 = tpu.memref_slice %dma_wait3A_1284[%dma_wait3A_1285] : memref<128xi32, #tpu.memory_space<vmem>> -> memref<64xi32, #tpu.memory_space<vmem>>
      %dma_wait3A_1287 = arith.constant 0 : i32
      %dma_wait3A_1288 = arith.constant 0 : i32
      %dma_wait3A_1289 = tpu.memref_slice %arg2[%dma_wait3A_1287, %dma_wait3A_1288] : memref<100000x128xf32, #tpu.memory_space<hbm>> -> memref<100000x128xf32, #tpu.memory_space<hbm>>
      %dma_wait3A_1290 = tpu.memref_slice %arg7[%dma_wait3A_1277] : memref<10x!tpu.dma_semaphore, #tpu.memory_space<semaphore_mem>> -> memref<1x!tpu.dma_semaphore, #tpu.memory_space<semaphore_mem>>
      %dma_wait3A_1291 = tpu.memref_squeeze %dma_wait3A_1290 : memref<1x!tpu.dma_semaphore, #tpu.memory_space<semaphore_mem>> -> memref<!tpu.dma_semaphore, #tpu.memory_space<semaphore_mem>>
      tpu.wait_indirect_dma semaphore(%dma_wait3A_1291 : memref<!tpu.dma_semaphore, #tpu.memory_space<semaphore_mem>>) src(%dma_wait3A_1289 : memref<100000x128xf32, #tpu.memory_space<hbm>>) dst(%dma_wait3A_1281 : memref<64x128xf32, #tpu.memory_space<vmem>>)
      %add3A_1292 = arith.constant 4 : i32
      %add3A_1293 = arith.addi %add3A_869, %add3A_1292 : i32
      %add3A_1294 = arith.constant 64 : i32
      %add3A_1295 = arith.addi %mul3A_2, %add3A_1294 : i32
      %dma_start3A_1296 = arith.constant 9 : i32
      %dma_start3A_1297 = arith.constant 9 : i32
      %dma_start3A_1298 = arith.constant 0 : i32
      %dma_start3A_1299 = arith.constant 0 : i32
      %dma_start3A_1300 = tpu.memref_slice %arg6[%dma_start3A_1296, %dma_start3A_1298, %dma_start3A_1299] : memref<10x64x128xf32, #tpu.memory_space<vmem>> -> memref<1x64x128xf32, #tpu.memory_space<vmem>>
      %dma_start3A_1301 = tpu.memref_squeeze %dma_start3A_1300 : memref<1x64x128xf32, #tpu.memory_space<vmem>> -> memref<64x128xf32, #tpu.memory_space<vmem>>
      %dma_start3A_1302 = arith.constant 0 : i32
      %dma_start3A_1303 = arith.constant 0 : i32
      %dma_start3A_1304 = tpu.memref_slice %arg4[%add3A_1293, %dma_start3A_1302, %dma_start3A_1303] : memref<50x4096x128xf32, #tpu.memory_space<hbm>> -> memref<1x4096x128xf32, #tpu.memory_space<hbm>>
      %dma_start3A_1305 = tpu.memref_squeeze %dma_start3A_1304 : memref<1x4096x128xf32, #tpu.memory_space<hbm>> -> memref<4096x128xf32, #tpu.memory_space<hbm>>
      %dma_start3A_1306 = arith.constant 0 : i32
      %dma_start3A_1307 = tpu.memref_slice %dma_start3A_1305[%add3A_1295, %dma_start3A_1306] : memref<4096x128xf32, #tpu.memory_space<hbm>> -> memref<64x128xf32, #tpu.memory_space<hbm>>
      %dma_start3A_1308 = tpu.memref_slice %arg8[%dma_start3A_1297] : memref<10x!tpu.dma_semaphore, #tpu.memory_space<semaphore_mem>> -> memref<1x!tpu.dma_semaphore, #tpu.memory_space<semaphore_mem>>
      %dma_start3A_1309 = tpu.memref_squeeze %dma_start3A_1308 : memref<1x!tpu.dma_semaphore, #tpu.memory_space<semaphore_mem>> -> memref<!tpu.dma_semaphore, #tpu.memory_space<semaphore_mem>>
      %dma_start3A_1310 = arith.constant 0 : i32
      %dma_start3A_1311 = arith.constant 0 : i32
      %dma_start3A_1312 = tpu.memref_slice %arg4[%add3A_1293, %dma_start3A_1310, %dma_start3A_1311] : memref<50x4096x128xf32, #tpu.memory_space<hbm>> -> memref<1x4096x128xf32, #tpu.memory_space<hbm>>
      %dma_start3A_1313 = tpu.memref_squeeze %dma_start3A_1312 : memref<1x4096x128xf32, #tpu.memory_space<hbm>> -> memref<4096x128xf32, #tpu.memory_space<hbm>>
      %dma_start3A_1314 = arith.constant 0 : i32
      %dma_start3A_1315 = tpu.memref_slice %dma_start3A_1313[%add3A_1295, %dma_start3A_1314] : memref<4096x128xf32, #tpu.memory_space<hbm>> -> memref<64x128xf32, #tpu.memory_space<hbm>>
      %dma_start3A_1316 = arith.constant 0 : i32
      %dma_start3A_1317 = arith.constant 0 : i32
      %dma_start3A_1318 = tpu.memref_slice %arg6[%dma_start3A_1296, %dma_start3A_1316, %dma_start3A_1317] : memref<10x64x128xf32, #tpu.memory_space<vmem>> -> memref<1x64x128xf32, #tpu.memory_space<vmem>>
      %dma_start3A_1319 = tpu.memref_squeeze %dma_start3A_1318 : memref<1x64x128xf32, #tpu.memory_space<vmem>> -> memref<64x128xf32, #tpu.memory_space<vmem>>
      tpu.enqueue_dma source(%dma_start3A_1319 : memref<64x128xf32, #tpu.memory_space<vmem>>) target(%dma_start3A_1315 : memref<64x128xf32, #tpu.memory_space<hbm>>) target_semaphore(%dma_start3A_1309 : memref<!tpu.dma_semaphore, #tpu.memory_space<semaphore_mem>>)
      %dma_wait3A_1320 = arith.constant 0 : i32
      %dma_wait3A_1321 = arith.constant 0 : i32
      %dma_wait3A_1322 = arith.constant 0 : i32
      %dma_wait3A_1323 = arith.constant 0 : i32
      %dma_wait3A_1324 = arith.constant 0 : i32
      %dma_wait3A_1325 = tpu.memref_slice %arg6[%dma_wait3A_1320, %dma_wait3A_1323, %dma_wait3A_1324] : memref<10x64x128xf32, #tpu.memory_space<vmem>> -> memref<1x64x128xf32, #tpu.memory_space<vmem>>
      %dma_wait3A_1326 = tpu.memref_squeeze %dma_wait3A_1325 : memref<1x64x128xf32, #tpu.memory_space<vmem>> -> memref<64x128xf32, #tpu.memory_space<vmem>>
      %dma_wait3A_1327 = arith.constant 0 : i32
      %dma_wait3A_1328 = arith.constant 0 : i32
      %dma_wait3A_1329 = tpu.memref_slice %arg4[%dma_wait3A_1321, %dma_wait3A_1327, %dma_wait3A_1328] : memref<50x4096x128xf32, #tpu.memory_space<hbm>> -> memref<1x4096x128xf32, #tpu.memory_space<hbm>>
      %dma_wait3A_1330 = tpu.memref_squeeze %dma_wait3A_1329 : memref<1x4096x128xf32, #tpu.memory_space<hbm>> -> memref<4096x128xf32, #tpu.memory_space<hbm>>
      %dma_wait3A_1331 = arith.constant 0 : i32
      %dma_wait3A_1332 = tpu.memref_slice %dma_wait3A_1330[%mul3A_2, %dma_wait3A_1331] : memref<4096x128xf32, #tpu.memory_space<hbm>> -> memref<64x128xf32, #tpu.memory_space<hbm>>
      %dma_wait3A_1333 = tpu.memref_slice %arg8[%dma_wait3A_1322] : memref<10x!tpu.dma_semaphore, #tpu.memory_space<semaphore_mem>> -> memref<1x!tpu.dma_semaphore, #tpu.memory_space<semaphore_mem>>
      %dma_wait3A_1334 = tpu.memref_squeeze %dma_wait3A_1333 : memref<1x!tpu.dma_semaphore, #tpu.memory_space<semaphore_mem>> -> memref<!tpu.dma_semaphore, #tpu.memory_space<semaphore_mem>>
      %dma_wait3A_1335 = arith.constant 0 : i32
      %dma_wait3A_1336 = arith.constant 0 : i32
      %dma_wait3A_1337 = tpu.memref_slice %arg4[%dma_wait3A_1321, %dma_wait3A_1335, %dma_wait3A_1336] : memref<50x4096x128xf32, #tpu.memory_space<hbm>> -> memref<1x4096x128xf32, #tpu.memory_space<hbm>>
      %dma_wait3A_1338 = tpu.memref_squeeze %dma_wait3A_1337 : memref<1x4096x128xf32, #tpu.memory_space<hbm>> -> memref<4096x128xf32, #tpu.memory_space<hbm>>
      %dma_wait3A_1339 = arith.constant 0 : i32
      %dma_wait3A_1340 = tpu.memref_slice %dma_wait3A_1338[%mul3A_2, %dma_wait3A_1339] : memref<4096x128xf32, #tpu.memory_space<hbm>> -> memref<64x128xf32, #tpu.memory_space<hbm>>
      %dma_wait3A_1341 = arith.constant 0 : i32
      %dma_wait3A_1342 = arith.constant 0 : i32
      %dma_wait3A_1343 = tpu.memref_slice %arg6[%dma_wait3A_1320, %dma_wait3A_1341, %dma_wait3A_1342] : memref<10x64x128xf32, #tpu.memory_space<vmem>> -> memref<1x64x128xf32, #tpu.memory_space<vmem>>
      %dma_wait3A_1344 = tpu.memref_squeeze %dma_wait3A_1343 : memref<1x64x128xf32, #tpu.memory_space<vmem>> -> memref<64x128xf32, #tpu.memory_space<vmem>>
      tpu.wait_dma2 semaphore(%dma_wait3A_1334 : memref<!tpu.dma_semaphore, #tpu.memory_space<semaphore_mem>>) src(%dma_wait3A_1344 : memref<64x128xf32, #tpu.memory_space<vmem>>) dst(%dma_wait3A_1340 : memref<64x128xf32, #tpu.memory_space<hbm>>)
      %add3A_1345 = arith.constant 5 : i32
      %add3A_1346 = arith.addi %add3A_869, %add3A_1345 : i32
      %add3A_1347 = arith.constant 0 : i32
      %add3A_1348 = arith.addi %add3A_1346, %add3A_1347 : i32
      %dma_start3A_1349 = arith.constant 0 : i32
      %dma_start3A_1350 = arith.constant 0 : i32
      %dma_start3A_1351 = arith.constant 0 : i32
      %dma_start3A_1352 = arith.constant 0 : i32
      %dma_start3A_1353 = tpu.memref_slice %arg6[%dma_start3A_1349, %dma_start3A_1351, %dma_start3A_1352] : memref<10x64x128xf32, #tpu.memory_space<vmem>> -> memref<1x64x128xf32, #tpu.memory_space<vmem>>
      %dma_start3A_1354 = tpu.memref_squeeze %dma_start3A_1353 : memref<1x64x128xf32, #tpu.memory_space<vmem>> -> memref<64x128xf32, #tpu.memory_space<vmem>>
      %dma_start3A_1355 = arith.constant 0 : i32
      %dma_start3A_1356 = tpu.memref_slice %arg5[%add3A_1348, %dma_start3A_1355] : memref<50x128xi32, #tpu.memory_space<vmem>> -> memref<1x128xi32, #tpu.memory_space<vmem>>
      %dma_start3A_1357 = tpu.memref_squeeze %dma_start3A_1356 : memref<1x128xi32, #tpu.memory_space<vmem>> -> memref<128xi32, #tpu.memory_space<vmem>>
      %dma_start3A_1358 = arith.constant 0 : i32
      %dma_start3A_1359 = tpu.memref_slice %dma_start3A_1357[%dma_start3A_1358] : memref<128xi32, #tpu.memory_space<vmem>> -> memref<64xi32, #tpu.memory_space<vmem>>
      %dma_start3A_1360 = arith.constant 0 : i32
      %dma_start3A_1361 = arith.constant 0 : i32
      %dma_start3A_1362 = tpu.memref_slice %arg2[%dma_start3A_1360, %dma_start3A_1361] : memref<100000x128xf32, #tpu.memory_space<hbm>> -> memref<100000x128xf32, #tpu.memory_space<hbm>>
      %dma_start3A_1363 = tpu.memref_slice %arg7[%dma_start3A_1350] : memref<10x!tpu.dma_semaphore, #tpu.memory_space<semaphore_mem>> -> memref<1x!tpu.dma_semaphore, #tpu.memory_space<semaphore_mem>>
      %dma_start3A_1364 = tpu.memref_squeeze %dma_start3A_1363 : memref<1x!tpu.dma_semaphore, #tpu.memory_space<semaphore_mem>> -> memref<!tpu.dma_semaphore, #tpu.memory_space<semaphore_mem>>
      tpu.enqueue_indirect_dma source(%dma_start3A_1362 : memref<100000x128xf32, #tpu.memory_space<hbm>>) target(%dma_start3A_1354 : memref<64x128xf32, #tpu.memory_space<vmem>>) offsets(%dma_start3A_1359 : memref<64xi32, #tpu.memory_space<vmem>>) semaphore(%dma_start3A_1364 : memref<!tpu.dma_semaphore, #tpu.memory_space<semaphore_mem>>)
      %dma_wait3A_1365 = arith.constant 1 : i32
      %dma_wait3A_1366 = arith.constant 0 : i32
      %dma_wait3A_1367 = arith.constant 1 : i32
      %dma_wait3A_1368 = arith.constant 0 : i32
      %dma_wait3A_1369 = arith.constant 0 : i32
      %dma_wait3A_1370 = tpu.memref_slice %arg6[%dma_wait3A_1365, %dma_wait3A_1368, %dma_wait3A_1369] : memref<10x64x128xf32, #tpu.memory_space<vmem>> -> memref<1x64x128xf32, #tpu.memory_space<vmem>>
      %dma_wait3A_1371 = tpu.memref_squeeze %dma_wait3A_1370 : memref<1x64x128xf32, #tpu.memory_space<vmem>> -> memref<64x128xf32, #tpu.memory_space<vmem>>
      %dma_wait3A_1372 = arith.constant 0 : i32
      %dma_wait3A_1373 = arith.constant 0 : i32
      %dma_wait3A_1374 = tpu.memref_slice %arg4[%dma_wait3A_1366, %dma_wait3A_1372, %dma_wait3A_1373] : memref<50x4096x128xf32, #tpu.memory_space<hbm>> -> memref<1x4096x128xf32, #tpu.memory_space<hbm>>
      %dma_wait3A_1375 = tpu.memref_squeeze %dma_wait3A_1374 : memref<1x4096x128xf32, #tpu.memory_space<hbm>> -> memref<4096x128xf32, #tpu.memory_space<hbm>>
      %dma_wait3A_1376 = arith.constant 0 : i32
      %dma_wait3A_1377 = tpu.memref_slice %dma_wait3A_1375[%mul3A_2, %dma_wait3A_1376] : memref<4096x128xf32, #tpu.memory_space<hbm>> -> memref<64x128xf32, #tpu.memory_space<hbm>>
      %dma_wait3A_1378 = tpu.memref_slice %arg8[%dma_wait3A_1367] : memref<10x!tpu.dma_semaphore, #tpu.memory_space<semaphore_mem>> -> memref<1x!tpu.dma_semaphore, #tpu.memory_space<semaphore_mem>>
      %dma_wait3A_1379 = tpu.memref_squeeze %dma_wait3A_1378 : memref<1x!tpu.dma_semaphore, #tpu.memory_space<semaphore_mem>> -> memref<!tpu.dma_semaphore, #tpu.memory_space<semaphore_mem>>
      %dma_wait3A_1380 = arith.constant 0 : i32
      %dma_wait3A_1381 = arith.constant 0 : i32
      %dma_wait3A_1382 = tpu.memref_slice %arg4[%dma_wait3A_1366, %dma_wait3A_1380, %dma_wait3A_1381] : memref<50x4096x128xf32, #tpu.memory_space<hbm>> -> memref<1x4096x128xf32, #tpu.memory_space<hbm>>
      %dma_wait3A_1383 = tpu.memref_squeeze %dma_wait3A_1382 : memref<1x4096x128xf32, #tpu.memory_space<hbm>> -> memref<4096x128xf32, #tpu.memory_space<hbm>>
      %dma_wait3A_1384 = arith.constant 0 : i32
      %dma_wait3A_1385 = tpu.memref_slice %dma_wait3A_1383[%mul3A_2, %dma_wait3A_1384] : memref<4096x128xf32, #tpu.memory_space<hbm>> -> memref<64x128xf32, #tpu.memory_space<hbm>>
      %dma_wait3A_1386 = arith.constant 0 : i32
      %dma_wait3A_1387 = arith.constant 0 : i32
      %dma_wait3A_1388 = tpu.memref_slice %arg6[%dma_wait3A_1365, %dma_wait3A_1386, %dma_wait3A_1387] : memref<10x64x128xf32, #tpu.memory_space<vmem>> -> memref<1x64x128xf32, #tpu.memory_space<vmem>>
      %dma_wait3A_1389 = tpu.memref_squeeze %dma_wait3A_1388 : memref<1x64x128xf32, #tpu.memory_space<vmem>> -> memref<64x128xf32, #tpu.memory_space<vmem>>
      tpu.wait_dma2 semaphore(%dma_wait3A_1379 : memref<!tpu.dma_semaphore, #tpu.memory_space<semaphore_mem>>) src(%dma_wait3A_1389 : memref<64x128xf32, #tpu.memory_space<vmem>>) dst(%dma_wait3A_1385 : memref<64x128xf32, #tpu.memory_space<hbm>>)
      %add3A_1390 = arith.constant 5 : i32
      %add3A_1391 = arith.addi %add3A_869, %add3A_1390 : i32
      %add3A_1392 = arith.constant 0 : i32
      %add3A_1393 = arith.addi %add3A_1391, %add3A_1392 : i32
      %dma_start3A_1394 = arith.constant 1 : i32
      %dma_start3A_1395 = arith.constant 1 : i32
      %dma_start3A_1396 = arith.constant 0 : i32
      %dma_start3A_1397 = arith.constant 0 : i32
      %dma_start3A_1398 = tpu.memref_slice %arg6[%dma_start3A_1394, %dma_start3A_1396, %dma_start3A_1397] : memref<10x64x128xf32, #tpu.memory_space<vmem>> -> memref<1x64x128xf32, #tpu.memory_space<vmem>>
      %dma_start3A_1399 = tpu.memref_squeeze %dma_start3A_1398 : memref<1x64x128xf32, #tpu.memory_space<vmem>> -> memref<64x128xf32, #tpu.memory_space<vmem>>
      %dma_start3A_1400 = arith.constant 0 : i32
      %dma_start3A_1401 = tpu.memref_slice %arg5[%add3A_1393, %dma_start3A_1400] : memref<50x128xi32, #tpu.memory_space<vmem>> -> memref<1x128xi32, #tpu.memory_space<vmem>>
      %dma_start3A_1402 = tpu.memref_squeeze %dma_start3A_1401 : memref<1x128xi32, #tpu.memory_space<vmem>> -> memref<128xi32, #tpu.memory_space<vmem>>
      %dma_start3A_1403 = arith.constant 64 : i32
      %dma_start3A_1404 = tpu.memref_slice %dma_start3A_1402[%dma_start3A_1403] : memref<128xi32, #tpu.memory_space<vmem>> -> memref<64xi32, #tpu.memory_space<vmem>>
      %dma_start3A_1405 = arith.constant 0 : i32
      %dma_start3A_1406 = arith.constant 0 : i32
      %dma_start3A_1407 = tpu.memref_slice %arg2[%dma_start3A_1405, %dma_start3A_1406] : memref<100000x128xf32, #tpu.memory_space<hbm>> -> memref<100000x128xf32, #tpu.memory_space<hbm>>
      %dma_start3A_1408 = tpu.memref_slice %arg7[%dma_start3A_1395] : memref<10x!tpu.dma_semaphore, #tpu.memory_space<semaphore_mem>> -> memref<1x!tpu.dma_semaphore, #tpu.memory_space<semaphore_mem>>
      %dma_start3A_1409 = tpu.memref_squeeze %dma_start3A_1408 : memref<1x!tpu.dma_semaphore, #tpu.memory_space<semaphore_mem>> -> memref<!tpu.dma_semaphore, #tpu.memory_space<semaphore_mem>>
      tpu.enqueue_indirect_dma source(%dma_start3A_1407 : memref<100000x128xf32, #tpu.memory_space<hbm>>) target(%dma_start3A_1399 : memref<64x128xf32, #tpu.memory_space<vmem>>) offsets(%dma_start3A_1404 : memref<64xi32, #tpu.memory_space<vmem>>) semaphore(%dma_start3A_1409 : memref<!tpu.dma_semaphore, #tpu.memory_space<semaphore_mem>>)
      %dma_wait3A_1410 = arith.constant 2 : i32
      %dma_wait3A_1411 = arith.constant 0 : i32
      %dma_wait3A_1412 = arith.constant 2 : i32
      %dma_wait3A_1413 = arith.constant 0 : i32
      %dma_wait3A_1414 = arith.constant 0 : i32
      %dma_wait3A_1415 = tpu.memref_slice %arg6[%dma_wait3A_1410, %dma_wait3A_1413, %dma_wait3A_1414] : memref<10x64x128xf32, #tpu.memory_space<vmem>> -> memref<1x64x128xf32, #tpu.memory_space<vmem>>
      %dma_wait3A_1416 = tpu.memref_squeeze %dma_wait3A_1415 : memref<1x64x128xf32, #tpu.memory_space<vmem>> -> memref<64x128xf32, #tpu.memory_space<vmem>>
      %dma_wait3A_1417 = arith.constant 0 : i32
      %dma_wait3A_1418 = arith.constant 0 : i32
      %dma_wait3A_1419 = tpu.memref_slice %arg4[%dma_wait3A_1411, %dma_wait3A_1417, %dma_wait3A_1418] : memref<50x4096x128xf32, #tpu.memory_space<hbm>> -> memref<1x4096x128xf32, #tpu.memory_space<hbm>>
      %dma_wait3A_1420 = tpu.memref_squeeze %dma_wait3A_1419 : memref<1x4096x128xf32, #tpu.memory_space<hbm>> -> memref<4096x128xf32, #tpu.memory_space<hbm>>
      %dma_wait3A_1421 = arith.constant 0 : i32
      %dma_wait3A_1422 = tpu.memref_slice %dma_wait3A_1420[%mul3A_2, %dma_wait3A_1421] : memref<4096x128xf32, #tpu.memory_space<hbm>> -> memref<64x128xf32, #tpu.memory_space<hbm>>
      %dma_wait3A_1423 = tpu.memref_slice %arg8[%dma_wait3A_1412] : memref<10x!tpu.dma_semaphore, #tpu.memory_space<semaphore_mem>> -> memref<1x!tpu.dma_semaphore, #tpu.memory_space<semaphore_mem>>
      %dma_wait3A_1424 = tpu.memref_squeeze %dma_wait3A_1423 : memref<1x!tpu.dma_semaphore, #tpu.memory_space<semaphore_mem>> -> memref<!tpu.dma_semaphore, #tpu.memory_space<semaphore_mem>>
      %dma_wait3A_1425 = arith.constant 0 : i32
      %dma_wait3A_1426 = arith.constant 0 : i32
      %dma_wait3A_1427 = tpu.memref_slice %arg4[%dma_wait3A_1411, %dma_wait3A_1425, %dma_wait3A_1426] : memref<50x4096x128xf32, #tpu.memory_space<hbm>> -> memref<1x4096x128xf32, #tpu.memory_space<hbm>>
      %dma_wait3A_1428 = tpu.memref_squeeze %dma_wait3A_1427 : memref<1x4096x128xf32, #tpu.memory_space<hbm>> -> memref<4096x128xf32, #tpu.memory_space<hbm>>
      %dma_wait3A_1429 = arith.constant 0 : i32
      %dma_wait3A_1430 = tpu.memref_slice %dma_wait3A_1428[%mul3A_2, %dma_wait3A_1429] : memref<4096x128xf32, #tpu.memory_space<hbm>> -> memref<64x128xf32, #tpu.memory_space<hbm>>
      %dma_wait3A_1431 = arith.constant 0 : i32
      %dma_wait3A_1432 = arith.constant 0 : i32
      %dma_wait3A_1433 = tpu.memref_slice %arg6[%dma_wait3A_1410, %dma_wait3A_1431, %dma_wait3A_1432] : memref<10x64x128xf32, #tpu.memory_space<vmem>> -> memref<1x64x128xf32, #tpu.memory_space<vmem>>
      %dma_wait3A_1434 = tpu.memref_squeeze %dma_wait3A_1433 : memref<1x64x128xf32, #tpu.memory_space<vmem>> -> memref<64x128xf32, #tpu.memory_space<vmem>>
      tpu.wait_dma2 semaphore(%dma_wait3A_1424 : memref<!tpu.dma_semaphore, #tpu.memory_space<semaphore_mem>>) src(%dma_wait3A_1434 : memref<64x128xf32, #tpu.memory_space<vmem>>) dst(%dma_wait3A_1430 : memref<64x128xf32, #tpu.memory_space<hbm>>)
      %add3A_1435 = arith.constant 5 : i32
      %add3A_1436 = arith.addi %add3A_869, %add3A_1435 : i32
      %add3A_1437 = arith.constant 1 : i32
      %add3A_1438 = arith.addi %add3A_1436, %add3A_1437 : i32
      %dma_start3A_1439 = arith.constant 2 : i32
      %dma_start3A_1440 = arith.constant 2 : i32
      %dma_start3A_1441 = arith.constant 0 : i32
      %dma_start3A_1442 = arith.constant 0 : i32
      %dma_start3A_1443 = tpu.memref_slice %arg6[%dma_start3A_1439, %dma_start3A_1441, %dma_start3A_1442] : memref<10x64x128xf32, #tpu.memory_space<vmem>> -> memref<1x64x128xf32, #tpu.memory_space<vmem>>
      %dma_start3A_1444 = tpu.memref_squeeze %dma_start3A_1443 : memref<1x64x128xf32, #tpu.memory_space<vmem>> -> memref<64x128xf32, #tpu.memory_space<vmem>>
      %dma_start3A_1445 = arith.constant 0 : i32
      %dma_start3A_1446 = tpu.memref_slice %arg5[%add3A_1438, %dma_start3A_1445] : memref<50x128xi32, #tpu.memory_space<vmem>> -> memref<1x128xi32, #tpu.memory_space<vmem>>
      %dma_start3A_1447 = tpu.memref_squeeze %dma_start3A_1446 : memref<1x128xi32, #tpu.memory_space<vmem>> -> memref<128xi32, #tpu.memory_space<vmem>>
      %dma_start3A_1448 = arith.constant 0 : i32
      %dma_start3A_1449 = tpu.memref_slice %dma_start3A_1447[%dma_start3A_1448] : memref<128xi32, #tpu.memory_space<vmem>> -> memref<64xi32, #tpu.memory_space<vmem>>
      %dma_start3A_1450 = arith.constant 0 : i32
      %dma_start3A_1451 = arith.constant 0 : i32
      %dma_start3A_1452 = tpu.memref_slice %arg2[%dma_start3A_1450, %dma_start3A_1451] : memref<100000x128xf32, #tpu.memory_space<hbm>> -> memref<100000x128xf32, #tpu.memory_space<hbm>>
      %dma_start3A_1453 = tpu.memref_slice %arg7[%dma_start3A_1440] : memref<10x!tpu.dma_semaphore, #tpu.memory_space<semaphore_mem>> -> memref<1x!tpu.dma_semaphore, #tpu.memory_space<semaphore_mem>>
      %dma_start3A_1454 = tpu.memref_squeeze %dma_start3A_1453 : memref<1x!tpu.dma_semaphore, #tpu.memory_space<semaphore_mem>> -> memref<!tpu.dma_semaphore, #tpu.memory_space<semaphore_mem>>
      tpu.enqueue_indirect_dma source(%dma_start3A_1452 : memref<100000x128xf32, #tpu.memory_space<hbm>>) target(%dma_start3A_1444 : memref<64x128xf32, #tpu.memory_space<vmem>>) offsets(%dma_start3A_1449 : memref<64xi32, #tpu.memory_space<vmem>>) semaphore(%dma_start3A_1454 : memref<!tpu.dma_semaphore, #tpu.memory_space<semaphore_mem>>)
      %dma_wait3A_1455 = arith.constant 3 : i32
      %dma_wait3A_1456 = arith.constant 0 : i32
      %dma_wait3A_1457 = arith.constant 3 : i32
      %dma_wait3A_1458 = arith.constant 0 : i32
      %dma_wait3A_1459 = arith.constant 0 : i32
      %dma_wait3A_1460 = tpu.memref_slice %arg6[%dma_wait3A_1455, %dma_wait3A_1458, %dma_wait3A_1459] : memref<10x64x128xf32, #tpu.memory_space<vmem>> -> memref<1x64x128xf32, #tpu.memory_space<vmem>>
      %dma_wait3A_1461 = tpu.memref_squeeze %dma_wait3A_1460 : memref<1x64x128xf32, #tpu.memory_space<vmem>> -> memref<64x128xf32, #tpu.memory_space<vmem>>
      %dma_wait3A_1462 = arith.constant 0 : i32
      %dma_wait3A_1463 = arith.constant 0 : i32
      %dma_wait3A_1464 = tpu.memref_slice %arg4[%dma_wait3A_1456, %dma_wait3A_1462, %dma_wait3A_1463] : memref<50x4096x128xf32, #tpu.memory_space<hbm>> -> memref<1x4096x128xf32, #tpu.memory_space<hbm>>
      %dma_wait3A_1465 = tpu.memref_squeeze %dma_wait3A_1464 : memref<1x4096x128xf32, #tpu.memory_space<hbm>> -> memref<4096x128xf32, #tpu.memory_space<hbm>>
      %dma_wait3A_1466 = arith.constant 0 : i32
      %dma_wait3A_1467 = tpu.memref_slice %dma_wait3A_1465[%mul3A_2, %dma_wait3A_1466] : memref<4096x128xf32, #tpu.memory_space<hbm>> -> memref<64x128xf32, #tpu.memory_space<hbm>>
      %dma_wait3A_1468 = tpu.memref_slice %arg8[%dma_wait3A_1457] : memref<10x!tpu.dma_semaphore, #tpu.memory_space<semaphore_mem>> -> memref<1x!tpu.dma_semaphore, #tpu.memory_space<semaphore_mem>>
      %dma_wait3A_1469 = tpu.memref_squeeze %dma_wait3A_1468 : memref<1x!tpu.dma_semaphore, #tpu.memory_space<semaphore_mem>> -> memref<!tpu.dma_semaphore, #tpu.memory_space<semaphore_mem>>
      %dma_wait3A_1470 = arith.constant 0 : i32
      %dma_wait3A_1471 = arith.constant 0 : i32
      %dma_wait3A_1472 = tpu.memref_slice %arg4[%dma_wait3A_1456, %dma_wait3A_1470, %dma_wait3A_1471] : memref<50x4096x128xf32, #tpu.memory_space<hbm>> -> memref<1x4096x128xf32, #tpu.memory_space<hbm>>
      %dma_wait3A_1473 = tpu.memref_squeeze %dma_wait3A_1472 : memref<1x4096x128xf32, #tpu.memory_space<hbm>> -> memref<4096x128xf32, #tpu.memory_space<hbm>>
      %dma_wait3A_1474 = arith.constant 0 : i32
      %dma_wait3A_1475 = tpu.memref_slice %dma_wait3A_1473[%mul3A_2, %dma_wait3A_1474] : memref<4096x128xf32, #tpu.memory_space<hbm>> -> memref<64x128xf32, #tpu.memory_space<hbm>>
      %dma_wait3A_1476 = arith.constant 0 : i32
      %dma_wait3A_1477 = arith.constant 0 : i32
      %dma_wait3A_1478 = tpu.memref_slice %arg6[%dma_wait3A_1455, %dma_wait3A_1476, %dma_wait3A_1477] : memref<10x64x128xf32, #tpu.memory_space<vmem>> -> memref<1x64x128xf32, #tpu.memory_space<vmem>>
      %dma_wait3A_1479 = tpu.memref_squeeze %dma_wait3A_1478 : memref<1x64x128xf32, #tpu.memory_space<vmem>> -> memref<64x128xf32, #tpu.memory_space<vmem>>
      tpu.wait_dma2 semaphore(%dma_wait3A_1469 : memref<!tpu.dma_semaphore, #tpu.memory_space<semaphore_mem>>) src(%dma_wait3A_1479 : memref<64x128xf32, #tpu.memory_space<vmem>>) dst(%dma_wait3A_1475 : memref<64x128xf32, #tpu.memory_space<hbm>>)
      %add3A_1480 = arith.constant 5 : i32
      %add3A_1481 = arith.addi %add3A_869, %add3A_1480 : i32
      %add3A_1482 = arith.constant 1 : i32
      %add3A_1483 = arith.addi %add3A_1481, %add3A_1482 : i32
      %dma_start3A_1484 = arith.constant 3 : i32
      %dma_start3A_1485 = arith.constant 3 : i32
      %dma_start3A_1486 = arith.constant 0 : i32
      %dma_start3A_1487 = arith.constant 0 : i32
      %dma_start3A_1488 = tpu.memref_slice %arg6[%dma_start3A_1484, %dma_start3A_1486, %dma_start3A_1487] : memref<10x64x128xf32, #tpu.memory_space<vmem>> -> memref<1x64x128xf32, #tpu.memory_space<vmem>>
      %dma_start3A_1489 = tpu.memref_squeeze %dma_start3A_1488 : memref<1x64x128xf32, #tpu.memory_space<vmem>> -> memref<64x128xf32, #tpu.memory_space<vmem>>
      %dma_start3A_1490 = arith.constant 0 : i32
      %dma_start3A_1491 = tpu.memref_slice %arg5[%add3A_1483, %dma_start3A_1490] : memref<50x128xi32, #tpu.memory_space<vmem>> -> memref<1x128xi32, #tpu.memory_space<vmem>>
      %dma_start3A_1492 = tpu.memref_squeeze %dma_start3A_1491 : memref<1x128xi32, #tpu.memory_space<vmem>> -> memref<128xi32, #tpu.memory_space<vmem>>
      %dma_start3A_1493 = arith.constant 64 : i32
      %dma_start3A_1494 = tpu.memref_slice %dma_start3A_1492[%dma_start3A_1493] : memref<128xi32, #tpu.memory_space<vmem>> -> memref<64xi32, #tpu.memory_space<vmem>>
      %dma_start3A_1495 = arith.constant 0 : i32
      %dma_start3A_1496 = arith.constant 0 : i32
      %dma_start3A_1497 = tpu.memref_slice %arg2[%dma_start3A_1495, %dma_start3A_1496] : memref<100000x128xf32, #tpu.memory_space<hbm>> -> memref<100000x128xf32, #tpu.memory_space<hbm>>
      %dma_start3A_1498 = tpu.memref_slice %arg7[%dma_start3A_1485] : memref<10x!tpu.dma_semaphore, #tpu.memory_space<semaphore_mem>> -> memref<1x!tpu.dma_semaphore, #tpu.memory_space<semaphore_mem>>
      %dma_start3A_1499 = tpu.memref_squeeze %dma_start3A_1498 : memref<1x!tpu.dma_semaphore, #tpu.memory_space<semaphore_mem>> -> memref<!tpu.dma_semaphore, #tpu.memory_space<semaphore_mem>>
      tpu.enqueue_indirect_dma source(%dma_start3A_1497 : memref<100000x128xf32, #tpu.memory_space<hbm>>) target(%dma_start3A_1489 : memref<64x128xf32, #tpu.memory_space<vmem>>) offsets(%dma_start3A_1494 : memref<64xi32, #tpu.memory_space<vmem>>) semaphore(%dma_start3A_1499 : memref<!tpu.dma_semaphore, #tpu.memory_space<semaphore_mem>>)
      %dma_wait3A_1500 = arith.constant 4 : i32
      %dma_wait3A_1501 = arith.constant 0 : i32
      %dma_wait3A_1502 = arith.constant 4 : i32
      %dma_wait3A_1503 = arith.constant 0 : i32
      %dma_wait3A_1504 = arith.constant 0 : i32
      %dma_wait3A_1505 = tpu.memref_slice %arg6[%dma_wait3A_1500, %dma_wait3A_1503, %dma_wait3A_1504] : memref<10x64x128xf32, #tpu.memory_space<vmem>> -> memref<1x64x128xf32, #tpu.memory_space<vmem>>
      %dma_wait3A_1506 = tpu.memref_squeeze %dma_wait3A_1505 : memref<1x64x128xf32, #tpu.memory_space<vmem>> -> memref<64x128xf32, #tpu.memory_space<vmem>>
      %dma_wait3A_1507 = arith.constant 0 : i32
      %dma_wait3A_1508 = arith.constant 0 : i32
      %dma_wait3A_1509 = tpu.memref_slice %arg4[%dma_wait3A_1501, %dma_wait3A_1507, %dma_wait3A_1508] : memref<50x4096x128xf32, #tpu.memory_space<hbm>> -> memref<1x4096x128xf32, #tpu.memory_space<hbm>>
      %dma_wait3A_1510 = tpu.memref_squeeze %dma_wait3A_1509 : memref<1x4096x128xf32, #tpu.memory_space<hbm>> -> memref<4096x128xf32, #tpu.memory_space<hbm>>
      %dma_wait3A_1511 = arith.constant 0 : i32
      %dma_wait3A_1512 = tpu.memref_slice %dma_wait3A_1510[%mul3A_2, %dma_wait3A_1511] : memref<4096x128xf32, #tpu.memory_space<hbm>> -> memref<64x128xf32, #tpu.memory_space<hbm>>
      %dma_wait3A_1513 = tpu.memref_slice %arg8[%dma_wait3A_1502] : memref<10x!tpu.dma_semaphore, #tpu.memory_space<semaphore_mem>> -> memref<1x!tpu.dma_semaphore, #tpu.memory_space<semaphore_mem>>
      %dma_wait3A_1514 = tpu.memref_squeeze %dma_wait3A_1513 : memref<1x!tpu.dma_semaphore, #tpu.memory_space<semaphore_mem>> -> memref<!tpu.dma_semaphore, #tpu.memory_space<semaphore_mem>>
      %dma_wait3A_1515 = arith.constant 0 : i32
      %dma_wait3A_1516 = arith.constant 0 : i32
      %dma_wait3A_1517 = tpu.memref_slice %arg4[%dma_wait3A_1501, %dma_wait3A_1515, %dma_wait3A_1516] : memref<50x4096x128xf32, #tpu.memory_space<hbm>> -> memref<1x4096x128xf32, #tpu.memory_space<hbm>>
      %dma_wait3A_1518 = tpu.memref_squeeze %dma_wait3A_1517 : memref<1x4096x128xf32, #tpu.memory_space<hbm>> -> memref<4096x128xf32, #tpu.memory_space<hbm>>
      %dma_wait3A_1519 = arith.constant 0 : i32
      %dma_wait3A_1520 = tpu.memref_slice %dma_wait3A_1518[%mul3A_2, %dma_wait3A_1519] : memref<4096x128xf32, #tpu.memory_space<hbm>> -> memref<64x128xf32, #tpu.memory_space<hbm>>
      %dma_wait3A_1521 = arith.constant 0 : i32
      %dma_wait3A_1522 = arith.constant 0 : i32
      %dma_wait3A_1523 = tpu.memref_slice %arg6[%dma_wait3A_1500, %dma_wait3A_1521, %dma_wait3A_1522] : memref<10x64x128xf32, #tpu.memory_space<vmem>> -> memref<1x64x128xf32, #tpu.memory_space<vmem>>
      %dma_wait3A_1524 = tpu.memref_squeeze %dma_wait3A_1523 : memref<1x64x128xf32, #tpu.memory_space<vmem>> -> memref<64x128xf32, #tpu.memory_space<vmem>>
      tpu.wait_dma2 semaphore(%dma_wait3A_1514 : memref<!tpu.dma_semaphore, #tpu.memory_space<semaphore_mem>>) src(%dma_wait3A_1524 : memref<64x128xf32, #tpu.memory_space<vmem>>) dst(%dma_wait3A_1520 : memref<64x128xf32, #tpu.memory_space<hbm>>)
      %add3A_1525 = arith.constant 5 : i32
      %add3A_1526 = arith.addi %add3A_869, %add3A_1525 : i32
      %add3A_1527 = arith.constant 2 : i32
      %add3A_1528 = arith.addi %add3A_1526, %add3A_1527 : i32
      %dma_start3A_1529 = arith.constant 4 : i32
      %dma_start3A_1530 = arith.constant 4 : i32
      %dma_start3A_1531 = arith.constant 0 : i32
      %dma_start3A_1532 = arith.constant 0 : i32
      %dma_start3A_1533 = tpu.memref_slice %arg6[%dma_start3A_1529, %dma_start3A_1531, %dma_start3A_1532] : memref<10x64x128xf32, #tpu.memory_space<vmem>> -> memref<1x64x128xf32, #tpu.memory_space<vmem>>
      %dma_start3A_1534 = tpu.memref_squeeze %dma_start3A_1533 : memref<1x64x128xf32, #tpu.memory_space<vmem>> -> memref<64x128xf32, #tpu.memory_space<vmem>>
      %dma_start3A_1535 = arith.constant 0 : i32
      %dma_start3A_1536 = tpu.memref_slice %arg5[%add3A_1528, %dma_start3A_1535] : memref<50x128xi32, #tpu.memory_space<vmem>> -> memref<1x128xi32, #tpu.memory_space<vmem>>
      %dma_start3A_1537 = tpu.memref_squeeze %dma_start3A_1536 : memref<1x128xi32, #tpu.memory_space<vmem>> -> memref<128xi32, #tpu.memory_space<vmem>>
      %dma_start3A_1538 = arith.constant 0 : i32
      %dma_start3A_1539 = tpu.memref_slice %dma_start3A_1537[%dma_start3A_1538] : memref<128xi32, #tpu.memory_space<vmem>> -> memref<64xi32, #tpu.memory_space<vmem>>
      %dma_start3A_1540 = arith.constant 0 : i32
      %dma_start3A_1541 = arith.constant 0 : i32
      %dma_start3A_1542 = tpu.memref_slice %arg2[%dma_start3A_1540, %dma_start3A_1541] : memref<100000x128xf32, #tpu.memory_space<hbm>> -> memref<100000x128xf32, #tpu.memory_space<hbm>>
      %dma_start3A_1543 = tpu.memref_slice %arg7[%dma_start3A_1530] : memref<10x!tpu.dma_semaphore, #tpu.memory_space<semaphore_mem>> -> memref<1x!tpu.dma_semaphore, #tpu.memory_space<semaphore_mem>>
      %dma_start3A_1544 = tpu.memref_squeeze %dma_start3A_1543 : memref<1x!tpu.dma_semaphore, #tpu.memory_space<semaphore_mem>> -> memref<!tpu.dma_semaphore, #tpu.memory_space<semaphore_mem>>
      tpu.enqueue_indirect_dma source(%dma_start3A_1542 : memref<100000x128xf32, #tpu.memory_space<hbm>>) target(%dma_start3A_1534 : memref<64x128xf32, #tpu.memory_space<vmem>>) offsets(%dma_start3A_1539 : memref<64xi32, #tpu.memory_space<vmem>>) semaphore(%dma_start3A_1544 : memref<!tpu.dma_semaphore, #tpu.memory_space<semaphore_mem>>)
      %dma_wait3A_1545 = arith.constant 5 : i32
      %dma_wait3A_1546 = arith.constant 0 : i32
      %dma_wait3A_1547 = arith.constant 5 : i32
      %dma_wait3A_1548 = arith.constant 0 : i32
      %dma_wait3A_1549 = arith.constant 0 : i32
      %dma_wait3A_1550 = tpu.memref_slice %arg6[%dma_wait3A_1545, %dma_wait3A_1548, %dma_wait3A_1549] : memref<10x64x128xf32, #tpu.memory_space<vmem>> -> memref<1x64x128xf32, #tpu.memory_space<vmem>>
      %dma_wait3A_1551 = tpu.memref_squeeze %dma_wait3A_1550 : memref<1x64x128xf32, #tpu.memory_space<vmem>> -> memref<64x128xf32, #tpu.memory_space<vmem>>
      %dma_wait3A_1552 = arith.constant 0 : i32
      %dma_wait3A_1553 = arith.constant 0 : i32
      %dma_wait3A_1554 = tpu.memref_slice %arg4[%dma_wait3A_1546, %dma_wait3A_1552, %dma_wait3A_1553] : memref<50x4096x128xf32, #tpu.memory_space<hbm>> -> memref<1x4096x128xf32, #tpu.memory_space<hbm>>
      %dma_wait3A_1555 = tpu.memref_squeeze %dma_wait3A_1554 : memref<1x4096x128xf32, #tpu.memory_space<hbm>> -> memref<4096x128xf32, #tpu.memory_space<hbm>>
      %dma_wait3A_1556 = arith.constant 0 : i32
      %dma_wait3A_1557 = tpu.memref_slice %dma_wait3A_1555[%mul3A_2, %dma_wait3A_1556] : memref<4096x128xf32, #tpu.memory_space<hbm>> -> memref<64x128xf32, #tpu.memory_space<hbm>>
      %dma_wait3A_1558 = tpu.memref_slice %arg8[%dma_wait3A_1547] : memref<10x!tpu.dma_semaphore, #tpu.memory_space<semaphore_mem>> -> memref<1x!tpu.dma_semaphore, #tpu.memory_space<semaphore_mem>>
      %dma_wait3A_1559 = tpu.memref_squeeze %dma_wait3A_1558 : memref<1x!tpu.dma_semaphore, #tpu.memory_space<semaphore_mem>> -> memref<!tpu.dma_semaphore, #tpu.memory_space<semaphore_mem>>
      %dma_wait3A_1560 = arith.constant 0 : i32
      %dma_wait3A_1561 = arith.constant 0 : i32
      %dma_wait3A_1562 = tpu.memref_slice %arg4[%dma_wait3A_1546, %dma_wait3A_1560, %dma_wait3A_1561] : memref<50x4096x128xf32, #tpu.memory_space<hbm>> -> memref<1x4096x128xf32, #tpu.memory_space<hbm>>
      %dma_wait3A_1563 = tpu.memref_squeeze %dma_wait3A_1562 : memref<1x4096x128xf32, #tpu.memory_space<hbm>> -> memref<4096x128xf32, #tpu.memory_space<hbm>>
      %dma_wait3A_1564 = arith.constant 0 : i32
      %dma_wait3A_1565 = tpu.memref_slice %dma_wait3A_1563[%mul3A_2, %dma_wait3A_1564] : memref<4096x128xf32, #tpu.memory_space<hbm>> -> memref<64x128xf32, #tpu.memory_space<hbm>>
      %dma_wait3A_1566 = arith.constant 0 : i32
      %dma_wait3A_1567 = arith.constant 0 : i32
      %dma_wait3A_1568 = tpu.memref_slice %arg6[%dma_wait3A_1545, %dma_wait3A_1566, %dma_wait3A_1567] : memref<10x64x128xf32, #tpu.memory_space<vmem>> -> memref<1x64x128xf32, #tpu.memory_space<vmem>>
      %dma_wait3A_1569 = tpu.memref_squeeze %dma_wait3A_1568 : memref<1x64x128xf32, #tpu.memory_space<vmem>> -> memref<64x128xf32, #tpu.memory_space<vmem>>
      tpu.wait_dma2 semaphore(%dma_wait3A_1559 : memref<!tpu.dma_semaphore, #tpu.memory_space<semaphore_mem>>) src(%dma_wait3A_1569 : memref<64x128xf32, #tpu.memory_space<vmem>>) dst(%dma_wait3A_1565 : memref<64x128xf32, #tpu.memory_space<hbm>>)
      %add3A_1570 = arith.constant 5 : i32
      %add3A_1571 = arith.addi %add3A_869, %add3A_1570 : i32
      %add3A_1572 = arith.constant 2 : i32
      %add3A_1573 = arith.addi %add3A_1571, %add3A_1572 : i32
      %dma_start3A_1574 = arith.constant 5 : i32
      %dma_start3A_1575 = arith.constant 5 : i32
      %dma_start3A_1576 = arith.constant 0 : i32
      %dma_start3A_1577 = arith.constant 0 : i32
      %dma_start3A_1578 = tpu.memref_slice %arg6[%dma_start3A_1574, %dma_start3A_1576, %dma_start3A_1577] : memref<10x64x128xf32, #tpu.memory_space<vmem>> -> memref<1x64x128xf32, #tpu.memory_space<vmem>>
      %dma_start3A_1579 = tpu.memref_squeeze %dma_start3A_1578 : memref<1x64x128xf32, #tpu.memory_space<vmem>> -> memref<64x128xf32, #tpu.memory_space<vmem>>
      %dma_start3A_1580 = arith.constant 0 : i32
      %dma_start3A_1581 = tpu.memref_slice %arg5[%add3A_1573, %dma_start3A_1580] : memref<50x128xi32, #tpu.memory_space<vmem>> -> memref<1x128xi32, #tpu.memory_space<vmem>>
      %dma_start3A_1582 = tpu.memref_squeeze %dma_start3A_1581 : memref<1x128xi32, #tpu.memory_space<vmem>> -> memref<128xi32, #tpu.memory_space<vmem>>
      %dma_start3A_1583 = arith.constant 64 : i32
      %dma_start3A_1584 = tpu.memref_slice %dma_start3A_1582[%dma_start3A_1583] : memref<128xi32, #tpu.memory_space<vmem>> -> memref<64xi32, #tpu.memory_space<vmem>>
      %dma_start3A_1585 = arith.constant 0 : i32
      %dma_start3A_1586 = arith.constant 0 : i32
      %dma_start3A_1587 = tpu.memref_slice %arg2[%dma_start3A_1585, %dma_start3A_1586] : memref<100000x128xf32, #tpu.memory_space<hbm>> -> memref<100000x128xf32, #tpu.memory_space<hbm>>
      %dma_start3A_1588 = tpu.memref_slice %arg7[%dma_start3A_1575] : memref<10x!tpu.dma_semaphore, #tpu.memory_space<semaphore_mem>> -> memref<1x!tpu.dma_semaphore, #tpu.memory_space<semaphore_mem>>
      %dma_start3A_1589 = tpu.memref_squeeze %dma_start3A_1588 : memref<1x!tpu.dma_semaphore, #tpu.memory_space<semaphore_mem>> -> memref<!tpu.dma_semaphore, #tpu.memory_space<semaphore_mem>>
      tpu.enqueue_indirect_dma source(%dma_start3A_1587 : memref<100000x128xf32, #tpu.memory_space<hbm>>) target(%dma_start3A_1579 : memref<64x128xf32, #tpu.memory_space<vmem>>) offsets(%dma_start3A_1584 : memref<64xi32, #tpu.memory_space<vmem>>) semaphore(%dma_start3A_1589 : memref<!tpu.dma_semaphore, #tpu.memory_space<semaphore_mem>>)
      %dma_wait3A_1590 = arith.constant 6 : i32
      %dma_wait3A_1591 = arith.constant 0 : i32
      %dma_wait3A_1592 = arith.constant 6 : i32
      %dma_wait3A_1593 = arith.constant 0 : i32
      %dma_wait3A_1594 = arith.constant 0 : i32
      %dma_wait3A_1595 = tpu.memref_slice %arg6[%dma_wait3A_1590, %dma_wait3A_1593, %dma_wait3A_1594] : memref<10x64x128xf32, #tpu.memory_space<vmem>> -> memref<1x64x128xf32, #tpu.memory_space<vmem>>
      %dma_wait3A_1596 = tpu.memref_squeeze %dma_wait3A_1595 : memref<1x64x128xf32, #tpu.memory_space<vmem>> -> memref<64x128xf32, #tpu.memory_space<vmem>>
      %dma_wait3A_1597 = arith.constant 0 : i32
      %dma_wait3A_1598 = arith.constant 0 : i32
      %dma_wait3A_1599 = tpu.memref_slice %arg4[%dma_wait3A_1591, %dma_wait3A_1597, %dma_wait3A_1598] : memref<50x4096x128xf32, #tpu.memory_space<hbm>> -> memref<1x4096x128xf32, #tpu.memory_space<hbm>>
      %dma_wait3A_1600 = tpu.memref_squeeze %dma_wait3A_1599 : memref<1x4096x128xf32, #tpu.memory_space<hbm>> -> memref<4096x128xf32, #tpu.memory_space<hbm>>
      %dma_wait3A_1601 = arith.constant 0 : i32
      %dma_wait3A_1602 = tpu.memref_slice %dma_wait3A_1600[%mul3A_2, %dma_wait3A_1601] : memref<4096x128xf32, #tpu.memory_space<hbm>> -> memref<64x128xf32, #tpu.memory_space<hbm>>
      %dma_wait3A_1603 = tpu.memref_slice %arg8[%dma_wait3A_1592] : memref<10x!tpu.dma_semaphore, #tpu.memory_space<semaphore_mem>> -> memref<1x!tpu.dma_semaphore, #tpu.memory_space<semaphore_mem>>
      %dma_wait3A_1604 = tpu.memref_squeeze %dma_wait3A_1603 : memref<1x!tpu.dma_semaphore, #tpu.memory_space<semaphore_mem>> -> memref<!tpu.dma_semaphore, #tpu.memory_space<semaphore_mem>>
      %dma_wait3A_1605 = arith.constant 0 : i32
      %dma_wait3A_1606 = arith.constant 0 : i32
      %dma_wait3A_1607 = tpu.memref_slice %arg4[%dma_wait3A_1591, %dma_wait3A_1605, %dma_wait3A_1606] : memref<50x4096x128xf32, #tpu.memory_space<hbm>> -> memref<1x4096x128xf32, #tpu.memory_space<hbm>>
      %dma_wait3A_1608 = tpu.memref_squeeze %dma_wait3A_1607 : memref<1x4096x128xf32, #tpu.memory_space<hbm>> -> memref<4096x128xf32, #tpu.memory_space<hbm>>
      %dma_wait3A_1609 = arith.constant 0 : i32
      %dma_wait3A_1610 = tpu.memref_slice %dma_wait3A_1608[%mul3A_2, %dma_wait3A_1609] : memref<4096x128xf32, #tpu.memory_space<hbm>> -> memref<64x128xf32, #tpu.memory_space<hbm>>
      %dma_wait3A_1611 = arith.constant 0 : i32
      %dma_wait3A_1612 = arith.constant 0 : i32
      %dma_wait3A_1613 = tpu.memref_slice %arg6[%dma_wait3A_1590, %dma_wait3A_1611, %dma_wait3A_1612] : memref<10x64x128xf32, #tpu.memory_space<vmem>> -> memref<1x64x128xf32, #tpu.memory_space<vmem>>
      %dma_wait3A_1614 = tpu.memref_squeeze %dma_wait3A_1613 : memref<1x64x128xf32, #tpu.memory_space<vmem>> -> memref<64x128xf32, #tpu.memory_space<vmem>>
      tpu.wait_dma2 semaphore(%dma_wait3A_1604 : memref<!tpu.dma_semaphore, #tpu.memory_space<semaphore_mem>>) src(%dma_wait3A_1614 : memref<64x128xf32, #tpu.memory_space<vmem>>) dst(%dma_wait3A_1610 : memref<64x128xf32, #tpu.memory_space<hbm>>)
      %add3A_1615 = arith.constant 5 : i32
      %add3A_1616 = arith.addi %add3A_869, %add3A_1615 : i32
      %add3A_1617 = arith.constant 3 : i32
      %add3A_1618 = arith.addi %add3A_1616, %add3A_1617 : i32
      %dma_start3A_1619 = arith.constant 6 : i32
      %dma_start3A_1620 = arith.constant 6 : i32
      %dma_start3A_1621 = arith.constant 0 : i32
      %dma_start3A_1622 = arith.constant 0 : i32
      %dma_start3A_1623 = tpu.memref_slice %arg6[%dma_start3A_1619, %dma_start3A_1621, %dma_start3A_1622] : memref<10x64x128xf32, #tpu.memory_space<vmem>> -> memref<1x64x128xf32, #tpu.memory_space<vmem>>
      %dma_start3A_1624 = tpu.memref_squeeze %dma_start3A_1623 : memref<1x64x128xf32, #tpu.memory_space<vmem>> -> memref<64x128xf32, #tpu.memory_space<vmem>>
      %dma_start3A_1625 = arith.constant 0 : i32
      %dma_start3A_1626 = tpu.memref_slice %arg5[%add3A_1618, %dma_start3A_1625] : memref<50x128xi32, #tpu.memory_space<vmem>> -> memref<1x128xi32, #tpu.memory_space<vmem>>
      %dma_start3A_1627 = tpu.memref_squeeze %dma_start3A_1626 : memref<1x128xi32, #tpu.memory_space<vmem>> -> memref<128xi32, #tpu.memory_space<vmem>>
      %dma_start3A_1628 = arith.constant 0 : i32
      %dma_start3A_1629 = tpu.memref_slice %dma_start3A_1627[%dma_start3A_1628] : memref<128xi32, #tpu.memory_space<vmem>> -> memref<64xi32, #tpu.memory_space<vmem>>
      %dma_start3A_1630 = arith.constant 0 : i32
      %dma_start3A_1631 = arith.constant 0 : i32
      %dma_start3A_1632 = tpu.memref_slice %arg2[%dma_start3A_1630, %dma_start3A_1631] : memref<100000x128xf32, #tpu.memory_space<hbm>> -> memref<100000x128xf32, #tpu.memory_space<hbm>>
      %dma_start3A_1633 = tpu.memref_slice %arg7[%dma_start3A_1620] : memref<10x!tpu.dma_semaphore, #tpu.memory_space<semaphore_mem>> -> memref<1x!tpu.dma_semaphore, #tpu.memory_space<semaphore_mem>>
      %dma_start3A_1634 = tpu.memref_squeeze %dma_start3A_1633 : memref<1x!tpu.dma_semaphore, #tpu.memory_space<semaphore_mem>> -> memref<!tpu.dma_semaphore, #tpu.memory_space<semaphore_mem>>
      tpu.enqueue_indirect_dma source(%dma_start3A_1632 : memref<100000x128xf32, #tpu.memory_space<hbm>>) target(%dma_start3A_1624 : memref<64x128xf32, #tpu.memory_space<vmem>>) offsets(%dma_start3A_1629 : memref<64xi32, #tpu.memory_space<vmem>>) semaphore(%dma_start3A_1634 : memref<!tpu.dma_semaphore, #tpu.memory_space<semaphore_mem>>)
      %dma_wait3A_1635 = arith.constant 7 : i32
      %dma_wait3A_1636 = arith.constant 0 : i32
      %dma_wait3A_1637 = arith.constant 7 : i32
      %dma_wait3A_1638 = arith.constant 0 : i32
      %dma_wait3A_1639 = arith.constant 0 : i32
      %dma_wait3A_1640 = tpu.memref_slice %arg6[%dma_wait3A_1635, %dma_wait3A_1638, %dma_wait3A_1639] : memref<10x64x128xf32, #tpu.memory_space<vmem>> -> memref<1x64x128xf32, #tpu.memory_space<vmem>>
      %dma_wait3A_1641 = tpu.memref_squeeze %dma_wait3A_1640 : memref<1x64x128xf32, #tpu.memory_space<vmem>> -> memref<64x128xf32, #tpu.memory_space<vmem>>
      %dma_wait3A_1642 = arith.constant 0 : i32
      %dma_wait3A_1643 = arith.constant 0 : i32
      %dma_wait3A_1644 = tpu.memref_slice %arg4[%dma_wait3A_1636, %dma_wait3A_1642, %dma_wait3A_1643] : memref<50x4096x128xf32, #tpu.memory_space<hbm>> -> memref<1x4096x128xf32, #tpu.memory_space<hbm>>
      %dma_wait3A_1645 = tpu.memref_squeeze %dma_wait3A_1644 : memref<1x4096x128xf32, #tpu.memory_space<hbm>> -> memref<4096x128xf32, #tpu.memory_space<hbm>>
      %dma_wait3A_1646 = arith.constant 0 : i32
      %dma_wait3A_1647 = tpu.memref_slice %dma_wait3A_1645[%mul3A_2, %dma_wait3A_1646] : memref<4096x128xf32, #tpu.memory_space<hbm>> -> memref<64x128xf32, #tpu.memory_space<hbm>>
      %dma_wait3A_1648 = tpu.memref_slice %arg8[%dma_wait3A_1637] : memref<10x!tpu.dma_semaphore, #tpu.memory_space<semaphore_mem>> -> memref<1x!tpu.dma_semaphore, #tpu.memory_space<semaphore_mem>>
      %dma_wait3A_1649 = tpu.memref_squeeze %dma_wait3A_1648 : memref<1x!tpu.dma_semaphore, #tpu.memory_space<semaphore_mem>> -> memref<!tpu.dma_semaphore, #tpu.memory_space<semaphore_mem>>
      %dma_wait3A_1650 = arith.constant 0 : i32
      %dma_wait3A_1651 = arith.constant 0 : i32
      %dma_wait3A_1652 = tpu.memref_slice %arg4[%dma_wait3A_1636, %dma_wait3A_1650, %dma_wait3A_1651] : memref<50x4096x128xf32, #tpu.memory_space<hbm>> -> memref<1x4096x128xf32, #tpu.memory_space<hbm>>
      %dma_wait3A_1653 = tpu.memref_squeeze %dma_wait3A_1652 : memref<1x4096x128xf32, #tpu.memory_space<hbm>> -> memref<4096x128xf32, #tpu.memory_space<hbm>>
      %dma_wait3A_1654 = arith.constant 0 : i32
      %dma_wait3A_1655 = tpu.memref_slice %dma_wait3A_1653[%mul3A_2, %dma_wait3A_1654] : memref<4096x128xf32, #tpu.memory_space<hbm>> -> memref<64x128xf32, #tpu.memory_space<hbm>>
      %dma_wait3A_1656 = arith.constant 0 : i32
      %dma_wait3A_1657 = arith.constant 0 : i32
      %dma_wait3A_1658 = tpu.memref_slice %arg6[%dma_wait3A_1635, %dma_wait3A_1656, %dma_wait3A_1657] : memref<10x64x128xf32, #tpu.memory_space<vmem>> -> memref<1x64x128xf32, #tpu.memory_space<vmem>>
      %dma_wait3A_1659 = tpu.memref_squeeze %dma_wait3A_1658 : memref<1x64x128xf32, #tpu.memory_space<vmem>> -> memref<64x128xf32, #tpu.memory_space<vmem>>
      tpu.wait_dma2 semaphore(%dma_wait3A_1649 : memref<!tpu.dma_semaphore, #tpu.memory_space<semaphore_mem>>) src(%dma_wait3A_1659 : memref<64x128xf32, #tpu.memory_space<vmem>>) dst(%dma_wait3A_1655 : memref<64x128xf32, #tpu.memory_space<hbm>>)
      %add3A_1660 = arith.constant 5 : i32
      %add3A_1661 = arith.addi %add3A_869, %add3A_1660 : i32
      %add3A_1662 = arith.constant 3 : i32
      %add3A_1663 = arith.addi %add3A_1661, %add3A_1662 : i32
      %dma_start3A_1664 = arith.constant 7 : i32
      %dma_start3A_1665 = arith.constant 7 : i32
      %dma_start3A_1666 = arith.constant 0 : i32
      %dma_start3A_1667 = arith.constant 0 : i32
      %dma_start3A_1668 = tpu.memref_slice %arg6[%dma_start3A_1664, %dma_start3A_1666, %dma_start3A_1667] : memref<10x64x128xf32, #tpu.memory_space<vmem>> -> memref<1x64x128xf32, #tpu.memory_space<vmem>>
      %dma_start3A_1669 = tpu.memref_squeeze %dma_start3A_1668 : memref<1x64x128xf32, #tpu.memory_space<vmem>> -> memref<64x128xf32, #tpu.memory_space<vmem>>
      %dma_start3A_1670 = arith.constant 0 : i32
      %dma_start3A_1671 = tpu.memref_slice %arg5[%add3A_1663, %dma_start3A_1670] : memref<50x128xi32, #tpu.memory_space<vmem>> -> memref<1x128xi32, #tpu.memory_space<vmem>>
      %dma_start3A_1672 = tpu.memref_squeeze %dma_start3A_1671 : memref<1x128xi32, #tpu.memory_space<vmem>> -> memref<128xi32, #tpu.memory_space<vmem>>
      %dma_start3A_1673 = arith.constant 64 : i32
      %dma_start3A_1674 = tpu.memref_slice %dma_start3A_1672[%dma_start3A_1673] : memref<128xi32, #tpu.memory_space<vmem>> -> memref<64xi32, #tpu.memory_space<vmem>>
      %dma_start3A_1675 = arith.constant 0 : i32
      %dma_start3A_1676 = arith.constant 0 : i32
      %dma_start3A_1677 = tpu.memref_slice %arg2[%dma_start3A_1675, %dma_start3A_1676] : memref<100000x128xf32, #tpu.memory_space<hbm>> -> memref<100000x128xf32, #tpu.memory_space<hbm>>
      %dma_start3A_1678 = tpu.memref_slice %arg7[%dma_start3A_1665] : memref<10x!tpu.dma_semaphore, #tpu.memory_space<semaphore_mem>> -> memref<1x!tpu.dma_semaphore, #tpu.memory_space<semaphore_mem>>
      %dma_start3A_1679 = tpu.memref_squeeze %dma_start3A_1678 : memref<1x!tpu.dma_semaphore, #tpu.memory_space<semaphore_mem>> -> memref<!tpu.dma_semaphore, #tpu.memory_space<semaphore_mem>>
      tpu.enqueue_indirect_dma source(%dma_start3A_1677 : memref<100000x128xf32, #tpu.memory_space<hbm>>) target(%dma_start3A_1669 : memref<64x128xf32, #tpu.memory_space<vmem>>) offsets(%dma_start3A_1674 : memref<64xi32, #tpu.memory_space<vmem>>) semaphore(%dma_start3A_1679 : memref<!tpu.dma_semaphore, #tpu.memory_space<semaphore_mem>>)
      %dma_wait3A_1680 = arith.constant 8 : i32
      %dma_wait3A_1681 = arith.constant 0 : i32
      %dma_wait3A_1682 = arith.constant 8 : i32
      %dma_wait3A_1683 = arith.constant 0 : i32
      %dma_wait3A_1684 = arith.constant 0 : i32
      %dma_wait3A_1685 = tpu.memref_slice %arg6[%dma_wait3A_1680, %dma_wait3A_1683, %dma_wait3A_1684] : memref<10x64x128xf32, #tpu.memory_space<vmem>> -> memref<1x64x128xf32, #tpu.memory_space<vmem>>
      %dma_wait3A_1686 = tpu.memref_squeeze %dma_wait3A_1685 : memref<1x64x128xf32, #tpu.memory_space<vmem>> -> memref<64x128xf32, #tpu.memory_space<vmem>>
      %dma_wait3A_1687 = arith.constant 0 : i32
      %dma_wait3A_1688 = arith.constant 0 : i32
      %dma_wait3A_1689 = tpu.memref_slice %arg4[%dma_wait3A_1681, %dma_wait3A_1687, %dma_wait3A_1688] : memref<50x4096x128xf32, #tpu.memory_space<hbm>> -> memref<1x4096x128xf32, #tpu.memory_space<hbm>>
      %dma_wait3A_1690 = tpu.memref_squeeze %dma_wait3A_1689 : memref<1x4096x128xf32, #tpu.memory_space<hbm>> -> memref<4096x128xf32, #tpu.memory_space<hbm>>
      %dma_wait3A_1691 = arith.constant 0 : i32
      %dma_wait3A_1692 = tpu.memref_slice %dma_wait3A_1690[%mul3A_2, %dma_wait3A_1691] : memref<4096x128xf32, #tpu.memory_space<hbm>> -> memref<64x128xf32, #tpu.memory_space<hbm>>
      %dma_wait3A_1693 = tpu.memref_slice %arg8[%dma_wait3A_1682] : memref<10x!tpu.dma_semaphore, #tpu.memory_space<semaphore_mem>> -> memref<1x!tpu.dma_semaphore, #tpu.memory_space<semaphore_mem>>
      %dma_wait3A_1694 = tpu.memref_squeeze %dma_wait3A_1693 : memref<1x!tpu.dma_semaphore, #tpu.memory_space<semaphore_mem>> -> memref<!tpu.dma_semaphore, #tpu.memory_space<semaphore_mem>>
      %dma_wait3A_1695 = arith.constant 0 : i32
      %dma_wait3A_1696 = arith.constant 0 : i32
      %dma_wait3A_1697 = tpu.memref_slice %arg4[%dma_wait3A_1681, %dma_wait3A_1695, %dma_wait3A_1696] : memref<50x4096x128xf32, #tpu.memory_space<hbm>> -> memref<1x4096x128xf32, #tpu.memory_space<hbm>>
      %dma_wait3A_1698 = tpu.memref_squeeze %dma_wait3A_1697 : memref<1x4096x128xf32, #tpu.memory_space<hbm>> -> memref<4096x128xf32, #tpu.memory_space<hbm>>
      %dma_wait3A_1699 = arith.constant 0 : i32
      %dma_wait3A_1700 = tpu.memref_slice %dma_wait3A_1698[%mul3A_2, %dma_wait3A_1699] : memref<4096x128xf32, #tpu.memory_space<hbm>> -> memref<64x128xf32, #tpu.memory_space<hbm>>
      %dma_wait3A_1701 = arith.constant 0 : i32
      %dma_wait3A_1702 = arith.constant 0 : i32
      %dma_wait3A_1703 = tpu.memref_slice %arg6[%dma_wait3A_1680, %dma_wait3A_1701, %dma_wait3A_1702] : memref<10x64x128xf32, #tpu.memory_space<vmem>> -> memref<1x64x128xf32, #tpu.memory_space<vmem>>
      %dma_wait3A_1704 = tpu.memref_squeeze %dma_wait3A_1703 : memref<1x64x128xf32, #tpu.memory_space<vmem>> -> memref<64x128xf32, #tpu.memory_space<vmem>>
      tpu.wait_dma2 semaphore(%dma_wait3A_1694 : memref<!tpu.dma_semaphore, #tpu.memory_space<semaphore_mem>>) src(%dma_wait3A_1704 : memref<64x128xf32, #tpu.memory_space<vmem>>) dst(%dma_wait3A_1700 : memref<64x128xf32, #tpu.memory_space<hbm>>)
      %add3A_1705 = arith.constant 5 : i32
      %add3A_1706 = arith.addi %add3A_869, %add3A_1705 : i32
      %add3A_1707 = arith.constant 4 : i32
      %add3A_1708 = arith.addi %add3A_1706, %add3A_1707 : i32
      %dma_start3A_1709 = arith.constant 8 : i32
      %dma_start3A_1710 = arith.constant 8 : i32
      %dma_start3A_1711 = arith.constant 0 : i32
      %dma_start3A_1712 = arith.constant 0 : i32
      %dma_start3A_1713 = tpu.memref_slice %arg6[%dma_start3A_1709, %dma_start3A_1711, %dma_start3A_1712] : memref<10x64x128xf32, #tpu.memory_space<vmem>> -> memref<1x64x128xf32, #tpu.memory_space<vmem>>
      %dma_start3A_1714 = tpu.memref_squeeze %dma_start3A_1713 : memref<1x64x128xf32, #tpu.memory_space<vmem>> -> memref<64x128xf32, #tpu.memory_space<vmem>>
      %dma_start3A_1715 = arith.constant 0 : i32
      %dma_start3A_1716 = tpu.memref_slice %arg5[%add3A_1708, %dma_start3A_1715] : memref<50x128xi32, #tpu.memory_space<vmem>> -> memref<1x128xi32, #tpu.memory_space<vmem>>
      %dma_start3A_1717 = tpu.memref_squeeze %dma_start3A_1716 : memref<1x128xi32, #tpu.memory_space<vmem>> -> memref<128xi32, #tpu.memory_space<vmem>>
      %dma_start3A_1718 = arith.constant 0 : i32
      %dma_start3A_1719 = tpu.memref_slice %dma_start3A_1717[%dma_start3A_1718] : memref<128xi32, #tpu.memory_space<vmem>> -> memref<64xi32, #tpu.memory_space<vmem>>
      %dma_start3A_1720 = arith.constant 0 : i32
      %dma_start3A_1721 = arith.constant 0 : i32
      %dma_start3A_1722 = tpu.memref_slice %arg2[%dma_start3A_1720, %dma_start3A_1721] : memref<100000x128xf32, #tpu.memory_space<hbm>> -> memref<100000x128xf32, #tpu.memory_space<hbm>>
      %dma_start3A_1723 = tpu.memref_slice %arg7[%dma_start3A_1710] : memref<10x!tpu.dma_semaphore, #tpu.memory_space<semaphore_mem>> -> memref<1x!tpu.dma_semaphore, #tpu.memory_space<semaphore_mem>>
      %dma_start3A_1724 = tpu.memref_squeeze %dma_start3A_1723 : memref<1x!tpu.dma_semaphore, #tpu.memory_space<semaphore_mem>> -> memref<!tpu.dma_semaphore, #tpu.memory_space<semaphore_mem>>
      tpu.enqueue_indirect_dma source(%dma_start3A_1722 : memref<100000x128xf32, #tpu.memory_space<hbm>>) target(%dma_start3A_1714 : memref<64x128xf32, #tpu.memory_space<vmem>>) offsets(%dma_start3A_1719 : memref<64xi32, #tpu.memory_space<vmem>>) semaphore(%dma_start3A_1724 : memref<!tpu.dma_semaphore, #tpu.memory_space<semaphore_mem>>)
      %dma_wait3A_1725 = arith.constant 9 : i32
      %dma_wait3A_1726 = arith.constant 0 : i32
      %dma_wait3A_1727 = arith.constant 9 : i32
      %dma_wait3A_1728 = arith.constant 0 : i32
      %dma_wait3A_1729 = arith.constant 0 : i32
      %dma_wait3A_1730 = tpu.memref_slice %arg6[%dma_wait3A_1725, %dma_wait3A_1728, %dma_wait3A_1729] : memref<10x64x128xf32, #tpu.memory_space<vmem>> -> memref<1x64x128xf32, #tpu.memory_space<vmem>>
      %dma_wait3A_1731 = tpu.memref_squeeze %dma_wait3A_1730 : memref<1x64x128xf32, #tpu.memory_space<vmem>> -> memref<64x128xf32, #tpu.memory_space<vmem>>
      %dma_wait3A_1732 = arith.constant 0 : i32
      %dma_wait3A_1733 = arith.constant 0 : i32
      %dma_wait3A_1734 = tpu.memref_slice %arg4[%dma_wait3A_1726, %dma_wait3A_1732, %dma_wait3A_1733] : memref<50x4096x128xf32, #tpu.memory_space<hbm>> -> memref<1x4096x128xf32, #tpu.memory_space<hbm>>
      %dma_wait3A_1735 = tpu.memref_squeeze %dma_wait3A_1734 : memref<1x4096x128xf32, #tpu.memory_space<hbm>> -> memref<4096x128xf32, #tpu.memory_space<hbm>>
      %dma_wait3A_1736 = arith.constant 0 : i32
      %dma_wait3A_1737 = tpu.memref_slice %dma_wait3A_1735[%mul3A_2, %dma_wait3A_1736] : memref<4096x128xf32, #tpu.memory_space<hbm>> -> memref<64x128xf32, #tpu.memory_space<hbm>>
      %dma_wait3A_1738 = tpu.memref_slice %arg8[%dma_wait3A_1727] : memref<10x!tpu.dma_semaphore, #tpu.memory_space<semaphore_mem>> -> memref<1x!tpu.dma_semaphore, #tpu.memory_space<semaphore_mem>>
      %dma_wait3A_1739 = tpu.memref_squeeze %dma_wait3A_1738 : memref<1x!tpu.dma_semaphore, #tpu.memory_space<semaphore_mem>> -> memref<!tpu.dma_semaphore, #tpu.memory_space<semaphore_mem>>
      %dma_wait3A_1740 = arith.constant 0 : i32
      %dma_wait3A_1741 = arith.constant 0 : i32
      %dma_wait3A_1742 = tpu.memref_slice %arg4[%dma_wait3A_1726, %dma_wait3A_1740, %dma_wait3A_1741] : memref<50x4096x128xf32, #tpu.memory_space<hbm>> -> memref<1x4096x128xf32, #tpu.memory_space<hbm>>
      %dma_wait3A_1743 = tpu.memref_squeeze %dma_wait3A_1742 : memref<1x4096x128xf32, #tpu.memory_space<hbm>> -> memref<4096x128xf32, #tpu.memory_space<hbm>>
      %dma_wait3A_1744 = arith.constant 0 : i32
      %dma_wait3A_1745 = tpu.memref_slice %dma_wait3A_1743[%mul3A_2, %dma_wait3A_1744] : memref<4096x128xf32, #tpu.memory_space<hbm>> -> memref<64x128xf32, #tpu.memory_space<hbm>>
      %dma_wait3A_1746 = arith.constant 0 : i32
      %dma_wait3A_1747 = arith.constant 0 : i32
      %dma_wait3A_1748 = tpu.memref_slice %arg6[%dma_wait3A_1725, %dma_wait3A_1746, %dma_wait3A_1747] : memref<10x64x128xf32, #tpu.memory_space<vmem>> -> memref<1x64x128xf32, #tpu.memory_space<vmem>>
      %dma_wait3A_1749 = tpu.memref_squeeze %dma_wait3A_1748 : memref<1x64x128xf32, #tpu.memory_space<vmem>> -> memref<64x128xf32, #tpu.memory_space<vmem>>
      tpu.wait_dma2 semaphore(%dma_wait3A_1739 : memref<!tpu.dma_semaphore, #tpu.memory_space<semaphore_mem>>) src(%dma_wait3A_1749 : memref<64x128xf32, #tpu.memory_space<vmem>>) dst(%dma_wait3A_1745 : memref<64x128xf32, #tpu.memory_space<hbm>>)
      %add3A_1750 = arith.constant 5 : i32
      %add3A_1751 = arith.addi %add3A_869, %add3A_1750 : i32
      %add3A_1752 = arith.constant 4 : i32
      %add3A_1753 = arith.addi %add3A_1751, %add3A_1752 : i32
      %dma_start3A_1754 = arith.constant 9 : i32
      %dma_start3A_1755 = arith.constant 9 : i32
      %dma_start3A_1756 = arith.constant 0 : i32
      %dma_start3A_1757 = arith.constant 0 : i32
      %dma_start3A_1758 = tpu.memref_slice %arg6[%dma_start3A_1754, %dma_start3A_1756, %dma_start3A_1757] : memref<10x64x128xf32, #tpu.memory_space<vmem>> -> memref<1x64x128xf32, #tpu.memory_space<vmem>>
      %dma_start3A_1759 = tpu.memref_squeeze %dma_start3A_1758 : memref<1x64x128xf32, #tpu.memory_space<vmem>> -> memref<64x128xf32, #tpu.memory_space<vmem>>
      %dma_start3A_1760 = arith.constant 0 : i32
      %dma_start3A_1761 = tpu.memref_slice %arg5[%add3A_1753, %dma_start3A_1760] : memref<50x128xi32, #tpu.memory_space<vmem>> -> memref<1x128xi32, #tpu.memory_space<vmem>>
      %dma_start3A_1762 = tpu.memref_squeeze %dma_start3A_1761 : memref<1x128xi32, #tpu.memory_space<vmem>> -> memref<128xi32, #tpu.memory_space<vmem>>
      %dma_start3A_1763 = arith.constant 64 : i32
      %dma_start3A_1764 = tpu.memref_slice %dma_start3A_1762[%dma_start3A_1763] : memref<128xi32, #tpu.memory_space<vmem>> -> memref<64xi32, #tpu.memory_space<vmem>>
      %dma_start3A_1765 = arith.constant 0 : i32
      %dma_start3A_1766 = arith.constant 0 : i32
      %dma_start3A_1767 = tpu.memref_slice %arg2[%dma_start3A_1765, %dma_start3A_1766] : memref<100000x128xf32, #tpu.memory_space<hbm>> -> memref<100000x128xf32, #tpu.memory_space<hbm>>
      %dma_start3A_1768 = tpu.memref_slice %arg7[%dma_start3A_1755] : memref<10x!tpu.dma_semaphore, #tpu.memory_space<semaphore_mem>> -> memref<1x!tpu.dma_semaphore, #tpu.memory_space<semaphore_mem>>
      %dma_start3A_1769 = tpu.memref_squeeze %dma_start3A_1768 : memref<1x!tpu.dma_semaphore, #tpu.memory_space<semaphore_mem>> -> memref<!tpu.dma_semaphore, #tpu.memory_space<semaphore_mem>>
      tpu.enqueue_indirect_dma source(%dma_start3A_1767 : memref<100000x128xf32, #tpu.memory_space<hbm>>) target(%dma_start3A_1759 : memref<64x128xf32, #tpu.memory_space<vmem>>) offsets(%dma_start3A_1764 : memref<64xi32, #tpu.memory_space<vmem>>) semaphore(%dma_start3A_1769 : memref<!tpu.dma_semaphore, #tpu.memory_space<semaphore_mem>>)
    }
    %scan3A_175 = arith.constant 9 : i32
    %dma_wait3A = arith.constant 0 : i32
    %dma_wait3A_176 = arith.constant 0 : i32
    %dma_wait3A_177 = arith.constant 0 : i32
    %dma_wait3A_178 = arith.constant 0 : i32
    %dma_wait3A_179 = arith.constant 0 : i32
    %dma_wait3A_180 = tpu.memref_slice %arg6[%dma_wait3A_176, %dma_wait3A_178, %dma_wait3A_179] : memref<10x64x128xf32, #tpu.memory_space<vmem>> -> memref<1x64x128xf32, #tpu.memory_space<vmem>>
    %dma_wait3A_181 = tpu.memref_squeeze %dma_wait3A_180 : memref<1x64x128xf32, #tpu.memory_space<vmem>> -> memref<64x128xf32, #tpu.memory_space<vmem>>
    %dma_wait3A_182 = arith.constant 0 : i32
    %dma_wait3A_183 = tpu.memref_slice %arg5[%dma_wait3A, %dma_wait3A_182] : memref<50x128xi32, #tpu.memory_space<vmem>> -> memref<1x128xi32, #tpu.memory_space<vmem>>
    %dma_wait3A_184 = tpu.memref_squeeze %dma_wait3A_183 : memref<1x128xi32, #tpu.memory_space<vmem>> -> memref<128xi32, #tpu.memory_space<vmem>>
    %dma_wait3A_185 = arith.constant 0 : i32
    %dma_wait3A_186 = tpu.memref_slice %dma_wait3A_184[%dma_wait3A_185] : memref<128xi32, #tpu.memory_space<vmem>> -> memref<64xi32, #tpu.memory_space<vmem>>
    %dma_wait3A_187 = arith.constant 0 : i32
    %dma_wait3A_188 = arith.constant 0 : i32
    %dma_wait3A_189 = tpu.memref_slice %arg2[%dma_wait3A_187, %dma_wait3A_188] : memref<100000x128xf32, #tpu.memory_space<hbm>> -> memref<100000x128xf32, #tpu.memory_space<hbm>>
    %dma_wait3A_190 = tpu.memref_slice %arg7[%dma_wait3A_177] : memref<10x!tpu.dma_semaphore, #tpu.memory_space<semaphore_mem>> -> memref<1x!tpu.dma_semaphore, #tpu.memory_space<semaphore_mem>>
    %dma_wait3A_191 = tpu.memref_squeeze %dma_wait3A_190 : memref<1x!tpu.dma_semaphore, #tpu.memory_space<semaphore_mem>> -> memref<!tpu.dma_semaphore, #tpu.memory_space<semaphore_mem>>
    tpu.wait_indirect_dma semaphore(%dma_wait3A_191 : memref<!tpu.dma_semaphore, #tpu.memory_space<semaphore_mem>>) src(%dma_wait3A_189 : memref<100000x128xf32, #tpu.memory_space<hbm>>) dst(%dma_wait3A_181 : memref<64x128xf32, #tpu.memory_space<vmem>>)
    %add3A_192 = arith.constant 0 : i32
    %add3A_193 = arith.addi %mul3A_2, %add3A_192 : i32
    %dma_start3A_194 = arith.constant 0 : i32
    %dma_start3A_195 = arith.constant 45 : i32
    %dma_start3A_196 = arith.constant 0 : i32
    %dma_start3A_197 = arith.constant 0 : i32
    %dma_start3A_198 = arith.constant 0 : i32
    %dma_start3A_199 = tpu.memref_slice %arg6[%dma_start3A_194, %dma_start3A_197, %dma_start3A_198] : memref<10x64x128xf32, #tpu.memory_space<vmem>> -> memref<1x64x128xf32, #tpu.memory_space<vmem>>
    %dma_start3A_200 = tpu.memref_squeeze %dma_start3A_199 : memref<1x64x128xf32, #tpu.memory_space<vmem>> -> memref<64x128xf32, #tpu.memory_space<vmem>>
    %dma_start3A_201 = arith.constant 0 : i32
    %dma_start3A_202 = arith.constant 0 : i32
    %dma_start3A_203 = tpu.memref_slice %arg4[%dma_start3A_195, %dma_start3A_201, %dma_start3A_202] : memref<50x4096x128xf32, #tpu.memory_space<hbm>> -> memref<1x4096x128xf32, #tpu.memory_space<hbm>>
    %dma_start3A_204 = tpu.memref_squeeze %dma_start3A_203 : memref<1x4096x128xf32, #tpu.memory_space<hbm>> -> memref<4096x128xf32, #tpu.memory_space<hbm>>
    %dma_start3A_205 = arith.constant 0 : i32
    %dma_start3A_206 = tpu.memref_slice %dma_start3A_204[%add3A_193, %dma_start3A_205] : memref<4096x128xf32, #tpu.memory_space<hbm>> -> memref<64x128xf32, #tpu.memory_space<hbm>>
    %dma_start3A_207 = tpu.memref_slice %arg8[%dma_start3A_196] : memref<10x!tpu.dma_semaphore, #tpu.memory_space<semaphore_mem>> -> memref<1x!tpu.dma_semaphore, #tpu.memory_space<semaphore_mem>>
    %dma_start3A_208 = tpu.memref_squeeze %dma_start3A_207 : memref<1x!tpu.dma_semaphore, #tpu.memory_space<semaphore_mem>> -> memref<!tpu.dma_semaphore, #tpu.memory_space<semaphore_mem>>
    %dma_start3A_209 = arith.constant 0 : i32
    %dma_start3A_210 = arith.constant 0 : i32
    %dma_start3A_211 = tpu.memref_slice %arg4[%dma_start3A_195, %dma_start3A_209, %dma_start3A_210] : memref<50x4096x128xf32, #tpu.memory_space<hbm>> -> memref<1x4096x128xf32, #tpu.memory_space<hbm>>
    %dma_start3A_212 = tpu.memref_squeeze %dma_start3A_211 : memref<1x4096x128xf32, #tpu.memory_space<hbm>> -> memref<4096x128xf32, #tpu.memory_space<hbm>>
    %dma_start3A_213 = arith.constant 0 : i32
    %dma_start3A_214 = tpu.memref_slice %dma_start3A_212[%add3A_193, %dma_start3A_213] : memref<4096x128xf32, #tpu.memory_space<hbm>> -> memref<64x128xf32, #tpu.memory_space<hbm>>
    %dma_start3A_215 = arith.constant 0 : i32
    %dma_start3A_216 = arith.constant 0 : i32
    %dma_start3A_217 = tpu.memref_slice %arg6[%dma_start3A_194, %dma_start3A_215, %dma_start3A_216] : memref<10x64x128xf32, #tpu.memory_space<vmem>> -> memref<1x64x128xf32, #tpu.memory_space<vmem>>
    %dma_start3A_218 = tpu.memref_squeeze %dma_start3A_217 : memref<1x64x128xf32, #tpu.memory_space<vmem>> -> memref<64x128xf32, #tpu.memory_space<vmem>>
    tpu.enqueue_dma source(%dma_start3A_218 : memref<64x128xf32, #tpu.memory_space<vmem>>) target(%dma_start3A_214 : memref<64x128xf32, #tpu.memory_space<hbm>>) target_semaphore(%dma_start3A_208 : memref<!tpu.dma_semaphore, #tpu.memory_space<semaphore_mem>>)
    %dma_wait3A_219 = arith.constant 0 : i32
    %dma_wait3A_220 = arith.constant 1 : i32
    %dma_wait3A_221 = arith.constant 1 : i32
    %dma_wait3A_222 = arith.constant 0 : i32
    %dma_wait3A_223 = arith.constant 0 : i32
    %dma_wait3A_224 = tpu.memref_slice %arg6[%dma_wait3A_220, %dma_wait3A_222, %dma_wait3A_223] : memref<10x64x128xf32, #tpu.memory_space<vmem>> -> memref<1x64x128xf32, #tpu.memory_space<vmem>>
    %dma_wait3A_225 = tpu.memref_squeeze %dma_wait3A_224 : memref<1x64x128xf32, #tpu.memory_space<vmem>> -> memref<64x128xf32, #tpu.memory_space<vmem>>
    %dma_wait3A_226 = arith.constant 0 : i32
    %dma_wait3A_227 = tpu.memref_slice %arg5[%dma_wait3A_219, %dma_wait3A_226] : memref<50x128xi32, #tpu.memory_space<vmem>> -> memref<1x128xi32, #tpu.memory_space<vmem>>
    %dma_wait3A_228 = tpu.memref_squeeze %dma_wait3A_227 : memref<1x128xi32, #tpu.memory_space<vmem>> -> memref<128xi32, #tpu.memory_space<vmem>>
    %dma_wait3A_229 = arith.constant 0 : i32
    %dma_wait3A_230 = tpu.memref_slice %dma_wait3A_228[%dma_wait3A_229] : memref<128xi32, #tpu.memory_space<vmem>> -> memref<64xi32, #tpu.memory_space<vmem>>
    %dma_wait3A_231 = arith.constant 0 : i32
    %dma_wait3A_232 = arith.constant 0 : i32
    %dma_wait3A_233 = tpu.memref_slice %arg2[%dma_wait3A_231, %dma_wait3A_232] : memref<100000x128xf32, #tpu.memory_space<hbm>> -> memref<100000x128xf32, #tpu.memory_space<hbm>>
    %dma_wait3A_234 = tpu.memref_slice %arg7[%dma_wait3A_221] : memref<10x!tpu.dma_semaphore, #tpu.memory_space<semaphore_mem>> -> memref<1x!tpu.dma_semaphore, #tpu.memory_space<semaphore_mem>>
    %dma_wait3A_235 = tpu.memref_squeeze %dma_wait3A_234 : memref<1x!tpu.dma_semaphore, #tpu.memory_space<semaphore_mem>> -> memref<!tpu.dma_semaphore, #tpu.memory_space<semaphore_mem>>
    tpu.wait_indirect_dma semaphore(%dma_wait3A_235 : memref<!tpu.dma_semaphore, #tpu.memory_space<semaphore_mem>>) src(%dma_wait3A_233 : memref<100000x128xf32, #tpu.memory_space<hbm>>) dst(%dma_wait3A_225 : memref<64x128xf32, #tpu.memory_space<vmem>>)
    %add3A_236 = arith.constant 64 : i32
    %add3A_237 = arith.addi %mul3A_2, %add3A_236 : i32
    %dma_start3A_238 = arith.constant 1 : i32
    %dma_start3A_239 = arith.constant 45 : i32
    %dma_start3A_240 = arith.constant 1 : i32
    %dma_start3A_241 = arith.constant 0 : i32
    %dma_start3A_242 = arith.constant 0 : i32
    %dma_start3A_243 = tpu.memref_slice %arg6[%dma_start3A_238, %dma_start3A_241, %dma_start3A_242] : memref<10x64x128xf32, #tpu.memory_space<vmem>> -> memref<1x64x128xf32, #tpu.memory_space<vmem>>
    %dma_start3A_244 = tpu.memref_squeeze %dma_start3A_243 : memref<1x64x128xf32, #tpu.memory_space<vmem>> -> memref<64x128xf32, #tpu.memory_space<vmem>>
    %dma_start3A_245 = arith.constant 0 : i32
    %dma_start3A_246 = arith.constant 0 : i32
    %dma_start3A_247 = tpu.memref_slice %arg4[%dma_start3A_239, %dma_start3A_245, %dma_start3A_246] : memref<50x4096x128xf32, #tpu.memory_space<hbm>> -> memref<1x4096x128xf32, #tpu.memory_space<hbm>>
    %dma_start3A_248 = tpu.memref_squeeze %dma_start3A_247 : memref<1x4096x128xf32, #tpu.memory_space<hbm>> -> memref<4096x128xf32, #tpu.memory_space<hbm>>
    %dma_start3A_249 = arith.constant 0 : i32
    %dma_start3A_250 = tpu.memref_slice %dma_start3A_248[%add3A_237, %dma_start3A_249] : memref<4096x128xf32, #tpu.memory_space<hbm>> -> memref<64x128xf32, #tpu.memory_space<hbm>>
    %dma_start3A_251 = tpu.memref_slice %arg8[%dma_start3A_240] : memref<10x!tpu.dma_semaphore, #tpu.memory_space<semaphore_mem>> -> memref<1x!tpu.dma_semaphore, #tpu.memory_space<semaphore_mem>>
    %dma_start3A_252 = tpu.memref_squeeze %dma_start3A_251 : memref<1x!tpu.dma_semaphore, #tpu.memory_space<semaphore_mem>> -> memref<!tpu.dma_semaphore, #tpu.memory_space<semaphore_mem>>
    %dma_start3A_253 = arith.constant 0 : i32
    %dma_start3A_254 = arith.constant 0 : i32
    %dma_start3A_255 = tpu.memref_slice %arg4[%dma_start3A_239, %dma_start3A_253, %dma_start3A_254] : memref<50x4096x128xf32, #tpu.memory_space<hbm>> -> memref<1x4096x128xf32, #tpu.memory_space<hbm>>
    %dma_start3A_256 = tpu.memref_squeeze %dma_start3A_255 : memref<1x4096x128xf32, #tpu.memory_space<hbm>> -> memref<4096x128xf32, #tpu.memory_space<hbm>>
    %dma_start3A_257 = arith.constant 0 : i32
    %dma_start3A_258 = tpu.memref_slice %dma_start3A_256[%add3A_237, %dma_start3A_257] : memref<4096x128xf32, #tpu.memory_space<hbm>> -> memref<64x128xf32, #tpu.memory_space<hbm>>
    %dma_start3A_259 = arith.constant 0 : i32
    %dma_start3A_260 = arith.constant 0 : i32
    %dma_start3A_261 = tpu.memref_slice %arg6[%dma_start3A_238, %dma_start3A_259, %dma_start3A_260] : memref<10x64x128xf32, #tpu.memory_space<vmem>> -> memref<1x64x128xf32, #tpu.memory_space<vmem>>
    %dma_start3A_262 = tpu.memref_squeeze %dma_start3A_261 : memref<1x64x128xf32, #tpu.memory_space<vmem>> -> memref<64x128xf32, #tpu.memory_space<vmem>>
    tpu.enqueue_dma source(%dma_start3A_262 : memref<64x128xf32, #tpu.memory_space<vmem>>) target(%dma_start3A_258 : memref<64x128xf32, #tpu.memory_space<hbm>>) target_semaphore(%dma_start3A_252 : memref<!tpu.dma_semaphore, #tpu.memory_space<semaphore_mem>>)
    %dma_wait3A_263 = arith.constant 0 : i32
    %dma_wait3A_264 = arith.constant 2 : i32
    %dma_wait3A_265 = arith.constant 2 : i32
    %dma_wait3A_266 = arith.constant 0 : i32
    %dma_wait3A_267 = arith.constant 0 : i32
    %dma_wait3A_268 = tpu.memref_slice %arg6[%dma_wait3A_264, %dma_wait3A_266, %dma_wait3A_267] : memref<10x64x128xf32, #tpu.memory_space<vmem>> -> memref<1x64x128xf32, #tpu.memory_space<vmem>>
    %dma_wait3A_269 = tpu.memref_squeeze %dma_wait3A_268 : memref<1x64x128xf32, #tpu.memory_space<vmem>> -> memref<64x128xf32, #tpu.memory_space<vmem>>
    %dma_wait3A_270 = arith.constant 0 : i32
    %dma_wait3A_271 = tpu.memref_slice %arg5[%dma_wait3A_263, %dma_wait3A_270] : memref<50x128xi32, #tpu.memory_space<vmem>> -> memref<1x128xi32, #tpu.memory_space<vmem>>
    %dma_wait3A_272 = tpu.memref_squeeze %dma_wait3A_271 : memref<1x128xi32, #tpu.memory_space<vmem>> -> memref<128xi32, #tpu.memory_space<vmem>>
    %dma_wait3A_273 = arith.constant 0 : i32
    %dma_wait3A_274 = tpu.memref_slice %dma_wait3A_272[%dma_wait3A_273] : memref<128xi32, #tpu.memory_space<vmem>> -> memref<64xi32, #tpu.memory_space<vmem>>
    %dma_wait3A_275 = arith.constant 0 : i32
    %dma_wait3A_276 = arith.constant 0 : i32
    %dma_wait3A_277 = tpu.memref_slice %arg2[%dma_wait3A_275, %dma_wait3A_276] : memref<100000x128xf32, #tpu.memory_space<hbm>> -> memref<100000x128xf32, #tpu.memory_space<hbm>>
    %dma_wait3A_278 = tpu.memref_slice %arg7[%dma_wait3A_265] : memref<10x!tpu.dma_semaphore, #tpu.memory_space<semaphore_mem>> -> memref<1x!tpu.dma_semaphore, #tpu.memory_space<semaphore_mem>>
    %dma_wait3A_279 = tpu.memref_squeeze %dma_wait3A_278 : memref<1x!tpu.dma_semaphore, #tpu.memory_space<semaphore_mem>> -> memref<!tpu.dma_semaphore, #tpu.memory_space<semaphore_mem>>
    tpu.wait_indirect_dma semaphore(%dma_wait3A_279 : memref<!tpu.dma_semaphore, #tpu.memory_space<semaphore_mem>>) src(%dma_wait3A_277 : memref<100000x128xf32, #tpu.memory_space<hbm>>) dst(%dma_wait3A_269 : memref<64x128xf32, #tpu.memory_space<vmem>>)
    %add3A_280 = arith.constant 0 : i32
    %add3A_281 = arith.addi %mul3A_2, %add3A_280 : i32
    %dma_start3A_282 = arith.constant 2 : i32
    %dma_start3A_283 = arith.constant 46 : i32
    %dma_start3A_284 = arith.constant 2 : i32
    %dma_start3A_285 = arith.constant 0 : i32
    %dma_start3A_286 = arith.constant 0 : i32
    %dma_start3A_287 = tpu.memref_slice %arg6[%dma_start3A_282, %dma_start3A_285, %dma_start3A_286] : memref<10x64x128xf32, #tpu.memory_space<vmem>> -> memref<1x64x128xf32, #tpu.memory_space<vmem>>
    %dma_start3A_288 = tpu.memref_squeeze %dma_start3A_287 : memref<1x64x128xf32, #tpu.memory_space<vmem>> -> memref<64x128xf32, #tpu.memory_space<vmem>>
    %dma_start3A_289 = arith.constant 0 : i32
    %dma_start3A_290 = arith.constant 0 : i32
    %dma_start3A_291 = tpu.memref_slice %arg4[%dma_start3A_283, %dma_start3A_289, %dma_start3A_290] : memref<50x4096x128xf32, #tpu.memory_space<hbm>> -> memref<1x4096x128xf32, #tpu.memory_space<hbm>>
    %dma_start3A_292 = tpu.memref_squeeze %dma_start3A_291 : memref<1x4096x128xf32, #tpu.memory_space<hbm>> -> memref<4096x128xf32, #tpu.memory_space<hbm>>
    %dma_start3A_293 = arith.constant 0 : i32
    %dma_start3A_294 = tpu.memref_slice %dma_start3A_292[%add3A_281, %dma_start3A_293] : memref<4096x128xf32, #tpu.memory_space<hbm>> -> memref<64x128xf32, #tpu.memory_space<hbm>>
    %dma_start3A_295 = tpu.memref_slice %arg8[%dma_start3A_284] : memref<10x!tpu.dma_semaphore, #tpu.memory_space<semaphore_mem>> -> memref<1x!tpu.dma_semaphore, #tpu.memory_space<semaphore_mem>>
    %dma_start3A_296 = tpu.memref_squeeze %dma_start3A_295 : memref<1x!tpu.dma_semaphore, #tpu.memory_space<semaphore_mem>> -> memref<!tpu.dma_semaphore, #tpu.memory_space<semaphore_mem>>
    %dma_start3A_297 = arith.constant 0 : i32
    %dma_start3A_298 = arith.constant 0 : i32
    %dma_start3A_299 = tpu.memref_slice %arg4[%dma_start3A_283, %dma_start3A_297, %dma_start3A_298] : memref<50x4096x128xf32, #tpu.memory_space<hbm>> -> memref<1x4096x128xf32, #tpu.memory_space<hbm>>
    %dma_start3A_300 = tpu.memref_squeeze %dma_start3A_299 : memref<1x4096x128xf32, #tpu.memory_space<hbm>> -> memref<4096x128xf32, #tpu.memory_space<hbm>>
    %dma_start3A_301 = arith.constant 0 : i32
    %dma_start3A_302 = tpu.memref_slice %dma_start3A_300[%add3A_281, %dma_start3A_301] : memref<4096x128xf32, #tpu.memory_space<hbm>> -> memref<64x128xf32, #tpu.memory_space<hbm>>
    %dma_start3A_303 = arith.constant 0 : i32
    %dma_start3A_304 = arith.constant 0 : i32
    %dma_start3A_305 = tpu.memref_slice %arg6[%dma_start3A_282, %dma_start3A_303, %dma_start3A_304] : memref<10x64x128xf32, #tpu.memory_space<vmem>> -> memref<1x64x128xf32, #tpu.memory_space<vmem>>
    %dma_start3A_306 = tpu.memref_squeeze %dma_start3A_305 : memref<1x64x128xf32, #tpu.memory_space<vmem>> -> memref<64x128xf32, #tpu.memory_space<vmem>>
    tpu.enqueue_dma source(%dma_start3A_306 : memref<64x128xf32, #tpu.memory_space<vmem>>) target(%dma_start3A_302 : memref<64x128xf32, #tpu.memory_space<hbm>>) target_semaphore(%dma_start3A_296 : memref<!tpu.dma_semaphore, #tpu.memory_space<semaphore_mem>>)
    %dma_wait3A_307 = arith.constant 0 : i32
    %dma_wait3A_308 = arith.constant 3 : i32
    %dma_wait3A_309 = arith.constant 3 : i32
    %dma_wait3A_310 = arith.constant 0 : i32
    %dma_wait3A_311 = arith.constant 0 : i32
    %dma_wait3A_312 = tpu.memref_slice %arg6[%dma_wait3A_308, %dma_wait3A_310, %dma_wait3A_311] : memref<10x64x128xf32, #tpu.memory_space<vmem>> -> memref<1x64x128xf32, #tpu.memory_space<vmem>>
    %dma_wait3A_313 = tpu.memref_squeeze %dma_wait3A_312 : memref<1x64x128xf32, #tpu.memory_space<vmem>> -> memref<64x128xf32, #tpu.memory_space<vmem>>
    %dma_wait3A_314 = arith.constant 0 : i32
    %dma_wait3A_315 = tpu.memref_slice %arg5[%dma_wait3A_307, %dma_wait3A_314] : memref<50x128xi32, #tpu.memory_space<vmem>> -> memref<1x128xi32, #tpu.memory_space<vmem>>
    %dma_wait3A_316 = tpu.memref_squeeze %dma_wait3A_315 : memref<1x128xi32, #tpu.memory_space<vmem>> -> memref<128xi32, #tpu.memory_space<vmem>>
    %dma_wait3A_317 = arith.constant 0 : i32
    %dma_wait3A_318 = tpu.memref_slice %dma_wait3A_316[%dma_wait3A_317] : memref<128xi32, #tpu.memory_space<vmem>> -> memref<64xi32, #tpu.memory_space<vmem>>
    %dma_wait3A_319 = arith.constant 0 : i32
    %dma_wait3A_320 = arith.constant 0 : i32
    %dma_wait3A_321 = tpu.memref_slice %arg2[%dma_wait3A_319, %dma_wait3A_320] : memref<100000x128xf32, #tpu.memory_space<hbm>> -> memref<100000x128xf32, #tpu.memory_space<hbm>>
    %dma_wait3A_322 = tpu.memref_slice %arg7[%dma_wait3A_309] : memref<10x!tpu.dma_semaphore, #tpu.memory_space<semaphore_mem>> -> memref<1x!tpu.dma_semaphore, #tpu.memory_space<semaphore_mem>>
    %dma_wait3A_323 = tpu.memref_squeeze %dma_wait3A_322 : memref<1x!tpu.dma_semaphore, #tpu.memory_space<semaphore_mem>> -> memref<!tpu.dma_semaphore, #tpu.memory_space<semaphore_mem>>
    tpu.wait_indirect_dma semaphore(%dma_wait3A_323 : memref<!tpu.dma_semaphore, #tpu.memory_space<semaphore_mem>>) src(%dma_wait3A_321 : memref<100000x128xf32, #tpu.memory_space<hbm>>) dst(%dma_wait3A_313 : memref<64x128xf32, #tpu.memory_space<vmem>>)
    %add3A_324 = arith.constant 64 : i32
    %add3A_325 = arith.addi %mul3A_2, %add3A_324 : i32
    %dma_start3A_326 = arith.constant 3 : i32
    %dma_start3A_327 = arith.constant 46 : i32
    %dma_start3A_328 = arith.constant 3 : i32
    %dma_start3A_329 = arith.constant 0 : i32
    %dma_start3A_330 = arith.constant 0 : i32
    %dma_start3A_331 = tpu.memref_slice %arg6[%dma_start3A_326, %dma_start3A_329, %dma_start3A_330] : memref<10x64x128xf32, #tpu.memory_space<vmem>> -> memref<1x64x128xf32, #tpu.memory_space<vmem>>
    %dma_start3A_332 = tpu.memref_squeeze %dma_start3A_331 : memref<1x64x128xf32, #tpu.memory_space<vmem>> -> memref<64x128xf32, #tpu.memory_space<vmem>>
    %dma_start3A_333 = arith.constant 0 : i32
    %dma_start3A_334 = arith.constant 0 : i32
    %dma_start3A_335 = tpu.memref_slice %arg4[%dma_start3A_327, %dma_start3A_333, %dma_start3A_334] : memref<50x4096x128xf32, #tpu.memory_space<hbm>> -> memref<1x4096x128xf32, #tpu.memory_space<hbm>>
    %dma_start3A_336 = tpu.memref_squeeze %dma_start3A_335 : memref<1x4096x128xf32, #tpu.memory_space<hbm>> -> memref<4096x128xf32, #tpu.memory_space<hbm>>
    %dma_start3A_337 = arith.constant 0 : i32
    %dma_start3A_338 = tpu.memref_slice %dma_start3A_336[%add3A_325, %dma_start3A_337] : memref<4096x128xf32, #tpu.memory_space<hbm>> -> memref<64x128xf32, #tpu.memory_space<hbm>>
    %dma_start3A_339 = tpu.memref_slice %arg8[%dma_start3A_328] : memref<10x!tpu.dma_semaphore, #tpu.memory_space<semaphore_mem>> -> memref<1x!tpu.dma_semaphore, #tpu.memory_space<semaphore_mem>>
    %dma_start3A_340 = tpu.memref_squeeze %dma_start3A_339 : memref<1x!tpu.dma_semaphore, #tpu.memory_space<semaphore_mem>> -> memref<!tpu.dma_semaphore, #tpu.memory_space<semaphore_mem>>
    %dma_start3A_341 = arith.constant 0 : i32
    %dma_start3A_342 = arith.constant 0 : i32
    %dma_start3A_343 = tpu.memref_slice %arg4[%dma_start3A_327, %dma_start3A_341, %dma_start3A_342] : memref<50x4096x128xf32, #tpu.memory_space<hbm>> -> memref<1x4096x128xf32, #tpu.memory_space<hbm>>
    %dma_start3A_344 = tpu.memref_squeeze %dma_start3A_343 : memref<1x4096x128xf32, #tpu.memory_space<hbm>> -> memref<4096x128xf32, #tpu.memory_space<hbm>>
    %dma_start3A_345 = arith.constant 0 : i32
    %dma_start3A_346 = tpu.memref_slice %dma_start3A_344[%add3A_325, %dma_start3A_345] : memref<4096x128xf32, #tpu.memory_space<hbm>> -> memref<64x128xf32, #tpu.memory_space<hbm>>
    %dma_start3A_347 = arith.constant 0 : i32
    %dma_start3A_348 = arith.constant 0 : i32
    %dma_start3A_349 = tpu.memref_slice %arg6[%dma_start3A_326, %dma_start3A_347, %dma_start3A_348] : memref<10x64x128xf32, #tpu.memory_space<vmem>> -> memref<1x64x128xf32, #tpu.memory_space<vmem>>
    %dma_start3A_350 = tpu.memref_squeeze %dma_start3A_349 : memref<1x64x128xf32, #tpu.memory_space<vmem>> -> memref<64x128xf32, #tpu.memory_space<vmem>>
    tpu.enqueue_dma source(%dma_start3A_350 : memref<64x128xf32, #tpu.memory_space<vmem>>) target(%dma_start3A_346 : memref<64x128xf32, #tpu.memory_space<hbm>>) target_semaphore(%dma_start3A_340 : memref<!tpu.dma_semaphore, #tpu.memory_space<semaphore_mem>>)
    %dma_wait3A_351 = arith.constant 0 : i32
    %dma_wait3A_352 = arith.constant 4 : i32
    %dma_wait3A_353 = arith.constant 4 : i32
    %dma_wait3A_354 = arith.constant 0 : i32
    %dma_wait3A_355 = arith.constant 0 : i32
    %dma_wait3A_356 = tpu.memref_slice %arg6[%dma_wait3A_352, %dma_wait3A_354, %dma_wait3A_355] : memref<10x64x128xf32, #tpu.memory_space<vmem>> -> memref<1x64x128xf32, #tpu.memory_space<vmem>>
    %dma_wait3A_357 = tpu.memref_squeeze %dma_wait3A_356 : memref<1x64x128xf32, #tpu.memory_space<vmem>> -> memref<64x128xf32, #tpu.memory_space<vmem>>
    %dma_wait3A_358 = arith.constant 0 : i32
    %dma_wait3A_359 = tpu.memref_slice %arg5[%dma_wait3A_351, %dma_wait3A_358] : memref<50x128xi32, #tpu.memory_space<vmem>> -> memref<1x128xi32, #tpu.memory_space<vmem>>
    %dma_wait3A_360 = tpu.memref_squeeze %dma_wait3A_359 : memref<1x128xi32, #tpu.memory_space<vmem>> -> memref<128xi32, #tpu.memory_space<vmem>>
    %dma_wait3A_361 = arith.constant 0 : i32
    %dma_wait3A_362 = tpu.memref_slice %dma_wait3A_360[%dma_wait3A_361] : memref<128xi32, #tpu.memory_space<vmem>> -> memref<64xi32, #tpu.memory_space<vmem>>
    %dma_wait3A_363 = arith.constant 0 : i32
    %dma_wait3A_364 = arith.constant 0 : i32
    %dma_wait3A_365 = tpu.memref_slice %arg2[%dma_wait3A_363, %dma_wait3A_364] : memref<100000x128xf32, #tpu.memory_space<hbm>> -> memref<100000x128xf32, #tpu.memory_space<hbm>>
    %dma_wait3A_366 = tpu.memref_slice %arg7[%dma_wait3A_353] : memref<10x!tpu.dma_semaphore, #tpu.memory_space<semaphore_mem>> -> memref<1x!tpu.dma_semaphore, #tpu.memory_space<semaphore_mem>>
    %dma_wait3A_367 = tpu.memref_squeeze %dma_wait3A_366 : memref<1x!tpu.dma_semaphore, #tpu.memory_space<semaphore_mem>> -> memref<!tpu.dma_semaphore, #tpu.memory_space<semaphore_mem>>
    tpu.wait_indirect_dma semaphore(%dma_wait3A_367 : memref<!tpu.dma_semaphore, #tpu.memory_space<semaphore_mem>>) src(%dma_wait3A_365 : memref<100000x128xf32, #tpu.memory_space<hbm>>) dst(%dma_wait3A_357 : memref<64x128xf32, #tpu.memory_space<vmem>>)
    %add3A_368 = arith.constant 0 : i32
    %add3A_369 = arith.addi %mul3A_2, %add3A_368 : i32
    %dma_start3A_370 = arith.constant 4 : i32
    %dma_start3A_371 = arith.constant 47 : i32
    %dma_start3A_372 = arith.constant 4 : i32
    %dma_start3A_373 = arith.constant 0 : i32
    %dma_start3A_374 = arith.constant 0 : i32
    %dma_start3A_375 = tpu.memref_slice %arg6[%dma_start3A_370, %dma_start3A_373, %dma_start3A_374] : memref<10x64x128xf32, #tpu.memory_space<vmem>> -> memref<1x64x128xf32, #tpu.memory_space<vmem>>
    %dma_start3A_376 = tpu.memref_squeeze %dma_start3A_375 : memref<1x64x128xf32, #tpu.memory_space<vmem>> -> memref<64x128xf32, #tpu.memory_space<vmem>>
    %dma_start3A_377 = arith.constant 0 : i32
    %dma_start3A_378 = arith.constant 0 : i32
    %dma_start3A_379 = tpu.memref_slice %arg4[%dma_start3A_371, %dma_start3A_377, %dma_start3A_378] : memref<50x4096x128xf32, #tpu.memory_space<hbm>> -> memref<1x4096x128xf32, #tpu.memory_space<hbm>>
    %dma_start3A_380 = tpu.memref_squeeze %dma_start3A_379 : memref<1x4096x128xf32, #tpu.memory_space<hbm>> -> memref<4096x128xf32, #tpu.memory_space<hbm>>
    %dma_start3A_381 = arith.constant 0 : i32
    %dma_start3A_382 = tpu.memref_slice %dma_start3A_380[%add3A_369, %dma_start3A_381] : memref<4096x128xf32, #tpu.memory_space<hbm>> -> memref<64x128xf32, #tpu.memory_space<hbm>>
    %dma_start3A_383 = tpu.memref_slice %arg8[%dma_start3A_372] : memref<10x!tpu.dma_semaphore, #tpu.memory_space<semaphore_mem>> -> memref<1x!tpu.dma_semaphore, #tpu.memory_space<semaphore_mem>>
    %dma_start3A_384 = tpu.memref_squeeze %dma_start3A_383 : memref<1x!tpu.dma_semaphore, #tpu.memory_space<semaphore_mem>> -> memref<!tpu.dma_semaphore, #tpu.memory_space<semaphore_mem>>
    %dma_start3A_385 = arith.constant 0 : i32
    %dma_start3A_386 = arith.constant 0 : i32
    %dma_start3A_387 = tpu.memref_slice %arg4[%dma_start3A_371, %dma_start3A_385, %dma_start3A_386] : memref<50x4096x128xf32, #tpu.memory_space<hbm>> -> memref<1x4096x128xf32, #tpu.memory_space<hbm>>
    %dma_start3A_388 = tpu.memref_squeeze %dma_start3A_387 : memref<1x4096x128xf32, #tpu.memory_space<hbm>> -> memref<4096x128xf32, #tpu.memory_space<hbm>>
    %dma_start3A_389 = arith.constant 0 : i32
    %dma_start3A_390 = tpu.memref_slice %dma_start3A_388[%add3A_369, %dma_start3A_389] : memref<4096x128xf32, #tpu.memory_space<hbm>> -> memref<64x128xf32, #tpu.memory_space<hbm>>
    %dma_start3A_391 = arith.constant 0 : i32
    %dma_start3A_392 = arith.constant 0 : i32
    %dma_start3A_393 = tpu.memref_slice %arg6[%dma_start3A_370, %dma_start3A_391, %dma_start3A_392] : memref<10x64x128xf32, #tpu.memory_space<vmem>> -> memref<1x64x128xf32, #tpu.memory_space<vmem>>
    %dma_start3A_394 = tpu.memref_squeeze %dma_start3A_393 : memref<1x64x128xf32, #tpu.memory_space<vmem>> -> memref<64x128xf32, #tpu.memory_space<vmem>>
    tpu.enqueue_dma source(%dma_start3A_394 : memref<64x128xf32, #tpu.memory_space<vmem>>) target(%dma_start3A_390 : memref<64x128xf32, #tpu.memory_space<hbm>>) target_semaphore(%dma_start3A_384 : memref<!tpu.dma_semaphore, #tpu.memory_space<semaphore_mem>>)
    %dma_wait3A_395 = arith.constant 0 : i32
    %dma_wait3A_396 = arith.constant 5 : i32
    %dma_wait3A_397 = arith.constant 5 : i32
    %dma_wait3A_398 = arith.constant 0 : i32
    %dma_wait3A_399 = arith.constant 0 : i32
    %dma_wait3A_400 = tpu.memref_slice %arg6[%dma_wait3A_396, %dma_wait3A_398, %dma_wait3A_399] : memref<10x64x128xf32, #tpu.memory_space<vmem>> -> memref<1x64x128xf32, #tpu.memory_space<vmem>>
    %dma_wait3A_401 = tpu.memref_squeeze %dma_wait3A_400 : memref<1x64x128xf32, #tpu.memory_space<vmem>> -> memref<64x128xf32, #tpu.memory_space<vmem>>
    %dma_wait3A_402 = arith.constant 0 : i32
    %dma_wait3A_403 = tpu.memref_slice %arg5[%dma_wait3A_395, %dma_wait3A_402] : memref<50x128xi32, #tpu.memory_space<vmem>> -> memref<1x128xi32, #tpu.memory_space<vmem>>
    %dma_wait3A_404 = tpu.memref_squeeze %dma_wait3A_403 : memref<1x128xi32, #tpu.memory_space<vmem>> -> memref<128xi32, #tpu.memory_space<vmem>>
    %dma_wait3A_405 = arith.constant 0 : i32
    %dma_wait3A_406 = tpu.memref_slice %dma_wait3A_404[%dma_wait3A_405] : memref<128xi32, #tpu.memory_space<vmem>> -> memref<64xi32, #tpu.memory_space<vmem>>
    %dma_wait3A_407 = arith.constant 0 : i32
    %dma_wait3A_408 = arith.constant 0 : i32
    %dma_wait3A_409 = tpu.memref_slice %arg2[%dma_wait3A_407, %dma_wait3A_408] : memref<100000x128xf32, #tpu.memory_space<hbm>> -> memref<100000x128xf32, #tpu.memory_space<hbm>>
    %dma_wait3A_410 = tpu.memref_slice %arg7[%dma_wait3A_397] : memref<10x!tpu.dma_semaphore, #tpu.memory_space<semaphore_mem>> -> memref<1x!tpu.dma_semaphore, #tpu.memory_space<semaphore_mem>>
    %dma_wait3A_411 = tpu.memref_squeeze %dma_wait3A_410 : memref<1x!tpu.dma_semaphore, #tpu.memory_space<semaphore_mem>> -> memref<!tpu.dma_semaphore, #tpu.memory_space<semaphore_mem>>
    tpu.wait_indirect_dma semaphore(%dma_wait3A_411 : memref<!tpu.dma_semaphore, #tpu.memory_space<semaphore_mem>>) src(%dma_wait3A_409 : memref<100000x128xf32, #tpu.memory_space<hbm>>) dst(%dma_wait3A_401 : memref<64x128xf32, #tpu.memory_space<vmem>>)
    %add3A_412 = arith.constant 64 : i32
    %add3A_413 = arith.addi %mul3A_2, %add3A_412 : i32
    %dma_start3A_414 = arith.constant 5 : i32
    %dma_start3A_415 = arith.constant 47 : i32
    %dma_start3A_416 = arith.constant 5 : i32
    %dma_start3A_417 = arith.constant 0 : i32
    %dma_start3A_418 = arith.constant 0 : i32
    %dma_start3A_419 = tpu.memref_slice %arg6[%dma_start3A_414, %dma_start3A_417, %dma_start3A_418] : memref<10x64x128xf32, #tpu.memory_space<vmem>> -> memref<1x64x128xf32, #tpu.memory_space<vmem>>
    %dma_start3A_420 = tpu.memref_squeeze %dma_start3A_419 : memref<1x64x128xf32, #tpu.memory_space<vmem>> -> memref<64x128xf32, #tpu.memory_space<vmem>>
    %dma_start3A_421 = arith.constant 0 : i32
    %dma_start3A_422 = arith.constant 0 : i32
    %dma_start3A_423 = tpu.memref_slice %arg4[%dma_start3A_415, %dma_start3A_421, %dma_start3A_422] : memref<50x4096x128xf32, #tpu.memory_space<hbm>> -> memref<1x4096x128xf32, #tpu.memory_space<hbm>>
    %dma_start3A_424 = tpu.memref_squeeze %dma_start3A_423 : memref<1x4096x128xf32, #tpu.memory_space<hbm>> -> memref<4096x128xf32, #tpu.memory_space<hbm>>
    %dma_start3A_425 = arith.constant 0 : i32
    %dma_start3A_426 = tpu.memref_slice %dma_start3A_424[%add3A_413, %dma_start3A_425] : memref<4096x128xf32, #tpu.memory_space<hbm>> -> memref<64x128xf32, #tpu.memory_space<hbm>>
    %dma_start3A_427 = tpu.memref_slice %arg8[%dma_start3A_416] : memref<10x!tpu.dma_semaphore, #tpu.memory_space<semaphore_mem>> -> memref<1x!tpu.dma_semaphore, #tpu.memory_space<semaphore_mem>>
    %dma_start3A_428 = tpu.memref_squeeze %dma_start3A_427 : memref<1x!tpu.dma_semaphore, #tpu.memory_space<semaphore_mem>> -> memref<!tpu.dma_semaphore, #tpu.memory_space<semaphore_mem>>
    %dma_start3A_429 = arith.constant 0 : i32
    %dma_start3A_430 = arith.constant 0 : i32
    %dma_start3A_431 = tpu.memref_slice %arg4[%dma_start3A_415, %dma_start3A_429, %dma_start3A_430] : memref<50x4096x128xf32, #tpu.memory_space<hbm>> -> memref<1x4096x128xf32, #tpu.memory_space<hbm>>
    %dma_start3A_432 = tpu.memref_squeeze %dma_start3A_431 : memref<1x4096x128xf32, #tpu.memory_space<hbm>> -> memref<4096x128xf32, #tpu.memory_space<hbm>>
    %dma_start3A_433 = arith.constant 0 : i32
    %dma_start3A_434 = tpu.memref_slice %dma_start3A_432[%add3A_413, %dma_start3A_433] : memref<4096x128xf32, #tpu.memory_space<hbm>> -> memref<64x128xf32, #tpu.memory_space<hbm>>
    %dma_start3A_435 = arith.constant 0 : i32
    %dma_start3A_436 = arith.constant 0 : i32
    %dma_start3A_437 = tpu.memref_slice %arg6[%dma_start3A_414, %dma_start3A_435, %dma_start3A_436] : memref<10x64x128xf32, #tpu.memory_space<vmem>> -> memref<1x64x128xf32, #tpu.memory_space<vmem>>
    %dma_start3A_438 = tpu.memref_squeeze %dma_start3A_437 : memref<1x64x128xf32, #tpu.memory_space<vmem>> -> memref<64x128xf32, #tpu.memory_space<vmem>>
    tpu.enqueue_dma source(%dma_start3A_438 : memref<64x128xf32, #tpu.memory_space<vmem>>) target(%dma_start3A_434 : memref<64x128xf32, #tpu.memory_space<hbm>>) target_semaphore(%dma_start3A_428 : memref<!tpu.dma_semaphore, #tpu.memory_space<semaphore_mem>>)
    %dma_wait3A_439 = arith.constant 0 : i32
    %dma_wait3A_440 = arith.constant 6 : i32
    %dma_wait3A_441 = arith.constant 6 : i32
    %dma_wait3A_442 = arith.constant 0 : i32
    %dma_wait3A_443 = arith.constant 0 : i32
    %dma_wait3A_444 = tpu.memref_slice %arg6[%dma_wait3A_440, %dma_wait3A_442, %dma_wait3A_443] : memref<10x64x128xf32, #tpu.memory_space<vmem>> -> memref<1x64x128xf32, #tpu.memory_space<vmem>>
    %dma_wait3A_445 = tpu.memref_squeeze %dma_wait3A_444 : memref<1x64x128xf32, #tpu.memory_space<vmem>> -> memref<64x128xf32, #tpu.memory_space<vmem>>
    %dma_wait3A_446 = arith.constant 0 : i32
    %dma_wait3A_447 = tpu.memref_slice %arg5[%dma_wait3A_439, %dma_wait3A_446] : memref<50x128xi32, #tpu.memory_space<vmem>> -> memref<1x128xi32, #tpu.memory_space<vmem>>
    %dma_wait3A_448 = tpu.memref_squeeze %dma_wait3A_447 : memref<1x128xi32, #tpu.memory_space<vmem>> -> memref<128xi32, #tpu.memory_space<vmem>>
    %dma_wait3A_449 = arith.constant 0 : i32
    %dma_wait3A_450 = tpu.memref_slice %dma_wait3A_448[%dma_wait3A_449] : memref<128xi32, #tpu.memory_space<vmem>> -> memref<64xi32, #tpu.memory_space<vmem>>
    %dma_wait3A_451 = arith.constant 0 : i32
    %dma_wait3A_452 = arith.constant 0 : i32
    %dma_wait3A_453 = tpu.memref_slice %arg2[%dma_wait3A_451, %dma_wait3A_452] : memref<100000x128xf32, #tpu.memory_space<hbm>> -> memref<100000x128xf32, #tpu.memory_space<hbm>>
    %dma_wait3A_454 = tpu.memref_slice %arg7[%dma_wait3A_441] : memref<10x!tpu.dma_semaphore, #tpu.memory_space<semaphore_mem>> -> memref<1x!tpu.dma_semaphore, #tpu.memory_space<semaphore_mem>>
    %dma_wait3A_455 = tpu.memref_squeeze %dma_wait3A_454 : memref<1x!tpu.dma_semaphore, #tpu.memory_space<semaphore_mem>> -> memref<!tpu.dma_semaphore, #tpu.memory_space<semaphore_mem>>
    tpu.wait_indirect_dma semaphore(%dma_wait3A_455 : memref<!tpu.dma_semaphore, #tpu.memory_space<semaphore_mem>>) src(%dma_wait3A_453 : memref<100000x128xf32, #tpu.memory_space<hbm>>) dst(%dma_wait3A_445 : memref<64x128xf32, #tpu.memory_space<vmem>>)
    %add3A_456 = arith.constant 0 : i32
    %add3A_457 = arith.addi %mul3A_2, %add3A_456 : i32
    %dma_start3A_458 = arith.constant 6 : i32
    %dma_start3A_459 = arith.constant 48 : i32
    %dma_start3A_460 = arith.constant 6 : i32
    %dma_start3A_461 = arith.constant 0 : i32
    %dma_start3A_462 = arith.constant 0 : i32
    %dma_start3A_463 = tpu.memref_slice %arg6[%dma_start3A_458, %dma_start3A_461, %dma_start3A_462] : memref<10x64x128xf32, #tpu.memory_space<vmem>> -> memref<1x64x128xf32, #tpu.memory_space<vmem>>
    %dma_start3A_464 = tpu.memref_squeeze %dma_start3A_463 : memref<1x64x128xf32, #tpu.memory_space<vmem>> -> memref<64x128xf32, #tpu.memory_space<vmem>>
    %dma_start3A_465 = arith.constant 0 : i32
    %dma_start3A_466 = arith.constant 0 : i32
    %dma_start3A_467 = tpu.memref_slice %arg4[%dma_start3A_459, %dma_start3A_465, %dma_start3A_466] : memref<50x4096x128xf32, #tpu.memory_space<hbm>> -> memref<1x4096x128xf32, #tpu.memory_space<hbm>>
    %dma_start3A_468 = tpu.memref_squeeze %dma_start3A_467 : memref<1x4096x128xf32, #tpu.memory_space<hbm>> -> memref<4096x128xf32, #tpu.memory_space<hbm>>
    %dma_start3A_469 = arith.constant 0 : i32
    %dma_start3A_470 = tpu.memref_slice %dma_start3A_468[%add3A_457, %dma_start3A_469] : memref<4096x128xf32, #tpu.memory_space<hbm>> -> memref<64x128xf32, #tpu.memory_space<hbm>>
    %dma_start3A_471 = tpu.memref_slice %arg8[%dma_start3A_460] : memref<10x!tpu.dma_semaphore, #tpu.memory_space<semaphore_mem>> -> memref<1x!tpu.dma_semaphore, #tpu.memory_space<semaphore_mem>>
    %dma_start3A_472 = tpu.memref_squeeze %dma_start3A_471 : memref<1x!tpu.dma_semaphore, #tpu.memory_space<semaphore_mem>> -> memref<!tpu.dma_semaphore, #tpu.memory_space<semaphore_mem>>
    %dma_start3A_473 = arith.constant 0 : i32
    %dma_start3A_474 = arith.constant 0 : i32
    %dma_start3A_475 = tpu.memref_slice %arg4[%dma_start3A_459, %dma_start3A_473, %dma_start3A_474] : memref<50x4096x128xf32, #tpu.memory_space<hbm>> -> memref<1x4096x128xf32, #tpu.memory_space<hbm>>
    %dma_start3A_476 = tpu.memref_squeeze %dma_start3A_475 : memref<1x4096x128xf32, #tpu.memory_space<hbm>> -> memref<4096x128xf32, #tpu.memory_space<hbm>>
    %dma_start3A_477 = arith.constant 0 : i32
    %dma_start3A_478 = tpu.memref_slice %dma_start3A_476[%add3A_457, %dma_start3A_477] : memref<4096x128xf32, #tpu.memory_space<hbm>> -> memref<64x128xf32, #tpu.memory_space<hbm>>
    %dma_start3A_479 = arith.constant 0 : i32
    %dma_start3A_480 = arith.constant 0 : i32
    %dma_start3A_481 = tpu.memref_slice %arg6[%dma_start3A_458, %dma_start3A_479, %dma_start3A_480] : memref<10x64x128xf32, #tpu.memory_space<vmem>> -> memref<1x64x128xf32, #tpu.memory_space<vmem>>
    %dma_start3A_482 = tpu.memref_squeeze %dma_start3A_481 : memref<1x64x128xf32, #tpu.memory_space<vmem>> -> memref<64x128xf32, #tpu.memory_space<vmem>>
    tpu.enqueue_dma source(%dma_start3A_482 : memref<64x128xf32, #tpu.memory_space<vmem>>) target(%dma_start3A_478 : memref<64x128xf32, #tpu.memory_space<hbm>>) target_semaphore(%dma_start3A_472 : memref<!tpu.dma_semaphore, #tpu.memory_space<semaphore_mem>>)
    %dma_wait3A_483 = arith.constant 0 : i32
    %dma_wait3A_484 = arith.constant 7 : i32
    %dma_wait3A_485 = arith.constant 7 : i32
    %dma_wait3A_486 = arith.constant 0 : i32
    %dma_wait3A_487 = arith.constant 0 : i32
    %dma_wait3A_488 = tpu.memref_slice %arg6[%dma_wait3A_484, %dma_wait3A_486, %dma_wait3A_487] : memref<10x64x128xf32, #tpu.memory_space<vmem>> -> memref<1x64x128xf32, #tpu.memory_space<vmem>>
    %dma_wait3A_489 = tpu.memref_squeeze %dma_wait3A_488 : memref<1x64x128xf32, #tpu.memory_space<vmem>> -> memref<64x128xf32, #tpu.memory_space<vmem>>
    %dma_wait3A_490 = arith.constant 0 : i32
    %dma_wait3A_491 = tpu.memref_slice %arg5[%dma_wait3A_483, %dma_wait3A_490] : memref<50x128xi32, #tpu.memory_space<vmem>> -> memref<1x128xi32, #tpu.memory_space<vmem>>
    %dma_wait3A_492 = tpu.memref_squeeze %dma_wait3A_491 : memref<1x128xi32, #tpu.memory_space<vmem>> -> memref<128xi32, #tpu.memory_space<vmem>>
    %dma_wait3A_493 = arith.constant 0 : i32
    %dma_wait3A_494 = tpu.memref_slice %dma_wait3A_492[%dma_wait3A_493] : memref<128xi32, #tpu.memory_space<vmem>> -> memref<64xi32, #tpu.memory_space<vmem>>
    %dma_wait3A_495 = arith.constant 0 : i32
    %dma_wait3A_496 = arith.constant 0 : i32
    %dma_wait3A_497 = tpu.memref_slice %arg2[%dma_wait3A_495, %dma_wait3A_496] : memref<100000x128xf32, #tpu.memory_space<hbm>> -> memref<100000x128xf32, #tpu.memory_space<hbm>>
    %dma_wait3A_498 = tpu.memref_slice %arg7[%dma_wait3A_485] : memref<10x!tpu.dma_semaphore, #tpu.memory_space<semaphore_mem>> -> memref<1x!tpu.dma_semaphore, #tpu.memory_space<semaphore_mem>>
    %dma_wait3A_499 = tpu.memref_squeeze %dma_wait3A_498 : memref<1x!tpu.dma_semaphore, #tpu.memory_space<semaphore_mem>> -> memref<!tpu.dma_semaphore, #tpu.memory_space<semaphore_mem>>
    tpu.wait_indirect_dma semaphore(%dma_wait3A_499 : memref<!tpu.dma_semaphore, #tpu.memory_space<semaphore_mem>>) src(%dma_wait3A_497 : memref<100000x128xf32, #tpu.memory_space<hbm>>) dst(%dma_wait3A_489 : memref<64x128xf32, #tpu.memory_space<vmem>>)
    %add3A_500 = arith.constant 64 : i32
    %add3A_501 = arith.addi %mul3A_2, %add3A_500 : i32
    %dma_start3A_502 = arith.constant 7 : i32
    %dma_start3A_503 = arith.constant 48 : i32
    %dma_start3A_504 = arith.constant 7 : i32
    %dma_start3A_505 = arith.constant 0 : i32
    %dma_start3A_506 = arith.constant 0 : i32
    %dma_start3A_507 = tpu.memref_slice %arg6[%dma_start3A_502, %dma_start3A_505, %dma_start3A_506] : memref<10x64x128xf32, #tpu.memory_space<vmem>> -> memref<1x64x128xf32, #tpu.memory_space<vmem>>
    %dma_start3A_508 = tpu.memref_squeeze %dma_start3A_507 : memref<1x64x128xf32, #tpu.memory_space<vmem>> -> memref<64x128xf32, #tpu.memory_space<vmem>>
    %dma_start3A_509 = arith.constant 0 : i32
    %dma_start3A_510 = arith.constant 0 : i32
    %dma_start3A_511 = tpu.memref_slice %arg4[%dma_start3A_503, %dma_start3A_509, %dma_start3A_510] : memref<50x4096x128xf32, #tpu.memory_space<hbm>> -> memref<1x4096x128xf32, #tpu.memory_space<hbm>>
    %dma_start3A_512 = tpu.memref_squeeze %dma_start3A_511 : memref<1x4096x128xf32, #tpu.memory_space<hbm>> -> memref<4096x128xf32, #tpu.memory_space<hbm>>
    %dma_start3A_513 = arith.constant 0 : i32
    %dma_start3A_514 = tpu.memref_slice %dma_start3A_512[%add3A_501, %dma_start3A_513] : memref<4096x128xf32, #tpu.memory_space<hbm>> -> memref<64x128xf32, #tpu.memory_space<hbm>>
    %dma_start3A_515 = tpu.memref_slice %arg8[%dma_start3A_504] : memref<10x!tpu.dma_semaphore, #tpu.memory_space<semaphore_mem>> -> memref<1x!tpu.dma_semaphore, #tpu.memory_space<semaphore_mem>>
    %dma_start3A_516 = tpu.memref_squeeze %dma_start3A_515 : memref<1x!tpu.dma_semaphore, #tpu.memory_space<semaphore_mem>> -> memref<!tpu.dma_semaphore, #tpu.memory_space<semaphore_mem>>
    %dma_start3A_517 = arith.constant 0 : i32
    %dma_start3A_518 = arith.constant 0 : i32
    %dma_start3A_519 = tpu.memref_slice %arg4[%dma_start3A_503, %dma_start3A_517, %dma_start3A_518] : memref<50x4096x128xf32, #tpu.memory_space<hbm>> -> memref<1x4096x128xf32, #tpu.memory_space<hbm>>
    %dma_start3A_520 = tpu.memref_squeeze %dma_start3A_519 : memref<1x4096x128xf32, #tpu.memory_space<hbm>> -> memref<4096x128xf32, #tpu.memory_space<hbm>>
    %dma_start3A_521 = arith.constant 0 : i32
    %dma_start3A_522 = tpu.memref_slice %dma_start3A_520[%add3A_501, %dma_start3A_521] : memref<4096x128xf32, #tpu.memory_space<hbm>> -> memref<64x128xf32, #tpu.memory_space<hbm>>
    %dma_start3A_523 = arith.constant 0 : i32
    %dma_start3A_524 = arith.constant 0 : i32
    %dma_start3A_525 = tpu.memref_slice %arg6[%dma_start3A_502, %dma_start3A_523, %dma_start3A_524] : memref<10x64x128xf32, #tpu.memory_space<vmem>> -> memref<1x64x128xf32, #tpu.memory_space<vmem>>
    %dma_start3A_526 = tpu.memref_squeeze %dma_start3A_525 : memref<1x64x128xf32, #tpu.memory_space<vmem>> -> memref<64x128xf32, #tpu.memory_space<vmem>>
    tpu.enqueue_dma source(%dma_start3A_526 : memref<64x128xf32, #tpu.memory_space<vmem>>) target(%dma_start3A_522 : memref<64x128xf32, #tpu.memory_space<hbm>>) target_semaphore(%dma_start3A_516 : memref<!tpu.dma_semaphore, #tpu.memory_space<semaphore_mem>>)
    %dma_wait3A_527 = arith.constant 0 : i32
    %dma_wait3A_528 = arith.constant 8 : i32
    %dma_wait3A_529 = arith.constant 8 : i32
    %dma_wait3A_530 = arith.constant 0 : i32
    %dma_wait3A_531 = arith.constant 0 : i32
    %dma_wait3A_532 = tpu.memref_slice %arg6[%dma_wait3A_528, %dma_wait3A_530, %dma_wait3A_531] : memref<10x64x128xf32, #tpu.memory_space<vmem>> -> memref<1x64x128xf32, #tpu.memory_space<vmem>>
    %dma_wait3A_533 = tpu.memref_squeeze %dma_wait3A_532 : memref<1x64x128xf32, #tpu.memory_space<vmem>> -> memref<64x128xf32, #tpu.memory_space<vmem>>
    %dma_wait3A_534 = arith.constant 0 : i32
    %dma_wait3A_535 = tpu.memref_slice %arg5[%dma_wait3A_527, %dma_wait3A_534] : memref<50x128xi32, #tpu.memory_space<vmem>> -> memref<1x128xi32, #tpu.memory_space<vmem>>
    %dma_wait3A_536 = tpu.memref_squeeze %dma_wait3A_535 : memref<1x128xi32, #tpu.memory_space<vmem>> -> memref<128xi32, #tpu.memory_space<vmem>>
    %dma_wait3A_537 = arith.constant 0 : i32
    %dma_wait3A_538 = tpu.memref_slice %dma_wait3A_536[%dma_wait3A_537] : memref<128xi32, #tpu.memory_space<vmem>> -> memref<64xi32, #tpu.memory_space<vmem>>
    %dma_wait3A_539 = arith.constant 0 : i32
    %dma_wait3A_540 = arith.constant 0 : i32
    %dma_wait3A_541 = tpu.memref_slice %arg2[%dma_wait3A_539, %dma_wait3A_540] : memref<100000x128xf32, #tpu.memory_space<hbm>> -> memref<100000x128xf32, #tpu.memory_space<hbm>>
    %dma_wait3A_542 = tpu.memref_slice %arg7[%dma_wait3A_529] : memref<10x!tpu.dma_semaphore, #tpu.memory_space<semaphore_mem>> -> memref<1x!tpu.dma_semaphore, #tpu.memory_space<semaphore_mem>>
    %dma_wait3A_543 = tpu.memref_squeeze %dma_wait3A_542 : memref<1x!tpu.dma_semaphore, #tpu.memory_space<semaphore_mem>> -> memref<!tpu.dma_semaphore, #tpu.memory_space<semaphore_mem>>
    tpu.wait_indirect_dma semaphore(%dma_wait3A_543 : memref<!tpu.dma_semaphore, #tpu.memory_space<semaphore_mem>>) src(%dma_wait3A_541 : memref<100000x128xf32, #tpu.memory_space<hbm>>) dst(%dma_wait3A_533 : memref<64x128xf32, #tpu.memory_space<vmem>>)
    %add3A_544 = arith.constant 0 : i32
    %add3A_545 = arith.addi %mul3A_2, %add3A_544 : i32
    %dma_start3A_546 = arith.constant 8 : i32
    %dma_start3A_547 = arith.constant 49 : i32
    %dma_start3A_548 = arith.constant 8 : i32
    %dma_start3A_549 = arith.constant 0 : i32
    %dma_start3A_550 = arith.constant 0 : i32
    %dma_start3A_551 = tpu.memref_slice %arg6[%dma_start3A_546, %dma_start3A_549, %dma_start3A_550] : memref<10x64x128xf32, #tpu.memory_space<vmem>> -> memref<1x64x128xf32, #tpu.memory_space<vmem>>
    %dma_start3A_552 = tpu.memref_squeeze %dma_start3A_551 : memref<1x64x128xf32, #tpu.memory_space<vmem>> -> memref<64x128xf32, #tpu.memory_space<vmem>>
    %dma_start3A_553 = arith.constant 0 : i32
    %dma_start3A_554 = arith.constant 0 : i32
    %dma_start3A_555 = tpu.memref_slice %arg4[%dma_start3A_547, %dma_start3A_553, %dma_start3A_554] : memref<50x4096x128xf32, #tpu.memory_space<hbm>> -> memref<1x4096x128xf32, #tpu.memory_space<hbm>>
    %dma_start3A_556 = tpu.memref_squeeze %dma_start3A_555 : memref<1x4096x128xf32, #tpu.memory_space<hbm>> -> memref<4096x128xf32, #tpu.memory_space<hbm>>
    %dma_start3A_557 = arith.constant 0 : i32
    %dma_start3A_558 = tpu.memref_slice %dma_start3A_556[%add3A_545, %dma_start3A_557] : memref<4096x128xf32, #tpu.memory_space<hbm>> -> memref<64x128xf32, #tpu.memory_space<hbm>>
    %dma_start3A_559 = tpu.memref_slice %arg8[%dma_start3A_548] : memref<10x!tpu.dma_semaphore, #tpu.memory_space<semaphore_mem>> -> memref<1x!tpu.dma_semaphore, #tpu.memory_space<semaphore_mem>>
    %dma_start3A_560 = tpu.memref_squeeze %dma_start3A_559 : memref<1x!tpu.dma_semaphore, #tpu.memory_space<semaphore_mem>> -> memref<!tpu.dma_semaphore, #tpu.memory_space<semaphore_mem>>
    %dma_start3A_561 = arith.constant 0 : i32
    %dma_start3A_562 = arith.constant 0 : i32
    %dma_start3A_563 = tpu.memref_slice %arg4[%dma_start3A_547, %dma_start3A_561, %dma_start3A_562] : memref<50x4096x128xf32, #tpu.memory_space<hbm>> -> memref<1x4096x128xf32, #tpu.memory_space<hbm>>
    %dma_start3A_564 = tpu.memref_squeeze %dma_start3A_563 : memref<1x4096x128xf32, #tpu.memory_space<hbm>> -> memref<4096x128xf32, #tpu.memory_space<hbm>>
    %dma_start3A_565 = arith.constant 0 : i32
    %dma_start3A_566 = tpu.memref_slice %dma_start3A_564[%add3A_545, %dma_start3A_565] : memref<4096x128xf32, #tpu.memory_space<hbm>> -> memref<64x128xf32, #tpu.memory_space<hbm>>
    %dma_start3A_567 = arith.constant 0 : i32
    %dma_start3A_568 = arith.constant 0 : i32
    %dma_start3A_569 = tpu.memref_slice %arg6[%dma_start3A_546, %dma_start3A_567, %dma_start3A_568] : memref<10x64x128xf32, #tpu.memory_space<vmem>> -> memref<1x64x128xf32, #tpu.memory_space<vmem>>
    %dma_start3A_570 = tpu.memref_squeeze %dma_start3A_569 : memref<1x64x128xf32, #tpu.memory_space<vmem>> -> memref<64x128xf32, #tpu.memory_space<vmem>>
    tpu.enqueue_dma source(%dma_start3A_570 : memref<64x128xf32, #tpu.memory_space<vmem>>) target(%dma_start3A_566 : memref<64x128xf32, #tpu.memory_space<hbm>>) target_semaphore(%dma_start3A_560 : memref<!tpu.dma_semaphore, #tpu.memory_space<semaphore_mem>>)
    %dma_wait3A_571 = arith.constant 0 : i32
    %dma_wait3A_572 = arith.constant 9 : i32
    %dma_wait3A_573 = arith.constant 9 : i32
    %dma_wait3A_574 = arith.constant 0 : i32
    %dma_wait3A_575 = arith.constant 0 : i32
    %dma_wait3A_576 = tpu.memref_slice %arg6[%dma_wait3A_572, %dma_wait3A_574, %dma_wait3A_575] : memref<10x64x128xf32, #tpu.memory_space<vmem>> -> memref<1x64x128xf32, #tpu.memory_space<vmem>>
    %dma_wait3A_577 = tpu.memref_squeeze %dma_wait3A_576 : memref<1x64x128xf32, #tpu.memory_space<vmem>> -> memref<64x128xf32, #tpu.memory_space<vmem>>
    %dma_wait3A_578 = arith.constant 0 : i32
    %dma_wait3A_579 = tpu.memref_slice %arg5[%dma_wait3A_571, %dma_wait3A_578] : memref<50x128xi32, #tpu.memory_space<vmem>> -> memref<1x128xi32, #tpu.memory_space<vmem>>
    %dma_wait3A_580 = tpu.memref_squeeze %dma_wait3A_579 : memref<1x128xi32, #tpu.memory_space<vmem>> -> memref<128xi32, #tpu.memory_space<vmem>>
    %dma_wait3A_581 = arith.constant 0 : i32
    %dma_wait3A_582 = tpu.memref_slice %dma_wait3A_580[%dma_wait3A_581] : memref<128xi32, #tpu.memory_space<vmem>> -> memref<64xi32, #tpu.memory_space<vmem>>
    %dma_wait3A_583 = arith.constant 0 : i32
    %dma_wait3A_584 = arith.constant 0 : i32
    %dma_wait3A_585 = tpu.memref_slice %arg2[%dma_wait3A_583, %dma_wait3A_584] : memref<100000x128xf32, #tpu.memory_space<hbm>> -> memref<100000x128xf32, #tpu.memory_space<hbm>>
    %dma_wait3A_586 = tpu.memref_slice %arg7[%dma_wait3A_573] : memref<10x!tpu.dma_semaphore, #tpu.memory_space<semaphore_mem>> -> memref<1x!tpu.dma_semaphore, #tpu.memory_space<semaphore_mem>>
    %dma_wait3A_587 = tpu.memref_squeeze %dma_wait3A_586 : memref<1x!tpu.dma_semaphore, #tpu.memory_space<semaphore_mem>> -> memref<!tpu.dma_semaphore, #tpu.memory_space<semaphore_mem>>
    tpu.wait_indirect_dma semaphore(%dma_wait3A_587 : memref<!tpu.dma_semaphore, #tpu.memory_space<semaphore_mem>>) src(%dma_wait3A_585 : memref<100000x128xf32, #tpu.memory_space<hbm>>) dst(%dma_wait3A_577 : memref<64x128xf32, #tpu.memory_space<vmem>>)
    %add3A_588 = arith.constant 64 : i32
    %add3A_589 = arith.addi %mul3A_2, %add3A_588 : i32
    %dma_start3A_590 = arith.constant 9 : i32
    %dma_start3A_591 = arith.constant 49 : i32
    %dma_start3A_592 = arith.constant 9 : i32
    %dma_start3A_593 = arith.constant 0 : i32
    %dma_start3A_594 = arith.constant 0 : i32
    %dma_start3A_595 = tpu.memref_slice %arg6[%dma_start3A_590, %dma_start3A_593, %dma_start3A_594] : memref<10x64x128xf32, #tpu.memory_space<vmem>> -> memref<1x64x128xf32, #tpu.memory_space<vmem>>
    %dma_start3A_596 = tpu.memref_squeeze %dma_start3A_595 : memref<1x64x128xf32, #tpu.memory_space<vmem>> -> memref<64x128xf32, #tpu.memory_space<vmem>>
    %dma_start3A_597 = arith.constant 0 : i32
    %dma_start3A_598 = arith.constant 0 : i32
    %dma_start3A_599 = tpu.memref_slice %arg4[%dma_start3A_591, %dma_start3A_597, %dma_start3A_598] : memref<50x4096x128xf32, #tpu.memory_space<hbm>> -> memref<1x4096x128xf32, #tpu.memory_space<hbm>>
    %dma_start3A_600 = tpu.memref_squeeze %dma_start3A_599 : memref<1x4096x128xf32, #tpu.memory_space<hbm>> -> memref<4096x128xf32, #tpu.memory_space<hbm>>
    %dma_start3A_601 = arith.constant 0 : i32
    %dma_start3A_602 = tpu.memref_slice %dma_start3A_600[%add3A_589, %dma_start3A_601] : memref<4096x128xf32, #tpu.memory_space<hbm>> -> memref<64x128xf32, #tpu.memory_space<hbm>>
    %dma_start3A_603 = tpu.memref_slice %arg8[%dma_start3A_592] : memref<10x!tpu.dma_semaphore, #tpu.memory_space<semaphore_mem>> -> memref<1x!tpu.dma_semaphore, #tpu.memory_space<semaphore_mem>>
    %dma_start3A_604 = tpu.memref_squeeze %dma_start3A_603 : memref<1x!tpu.dma_semaphore, #tpu.memory_space<semaphore_mem>> -> memref<!tpu.dma_semaphore, #tpu.memory_space<semaphore_mem>>
    %dma_start3A_605 = arith.constant 0 : i32
    %dma_start3A_606 = arith.constant 0 : i32
    %dma_start3A_607 = tpu.memref_slice %arg4[%dma_start3A_591, %dma_start3A_605, %dma_start3A_606] : memref<50x4096x128xf32, #tpu.memory_space<hbm>> -> memref<1x4096x128xf32, #tpu.memory_space<hbm>>
    %dma_start3A_608 = tpu.memref_squeeze %dma_start3A_607 : memref<1x4096x128xf32, #tpu.memory_space<hbm>> -> memref<4096x128xf32, #tpu.memory_space<hbm>>
    %dma_start3A_609 = arith.constant 0 : i32
    %dma_start3A_610 = tpu.memref_slice %dma_start3A_608[%add3A_589, %dma_start3A_609] : memref<4096x128xf32, #tpu.memory_space<hbm>> -> memref<64x128xf32, #tpu.memory_space<hbm>>
    %dma_start3A_611 = arith.constant 0 : i32
    %dma_start3A_612 = arith.constant 0 : i32
    %dma_start3A_613 = tpu.memref_slice %arg6[%dma_start3A_590, %dma_start3A_611, %dma_start3A_612] : memref<10x64x128xf32, #tpu.memory_space<vmem>> -> memref<1x64x128xf32, #tpu.memory_space<vmem>>
    %dma_start3A_614 = tpu.memref_squeeze %dma_start3A_613 : memref<1x64x128xf32, #tpu.memory_space<vmem>> -> memref<64x128xf32, #tpu.memory_space<vmem>>
    tpu.enqueue_dma source(%dma_start3A_614 : memref<64x128xf32, #tpu.memory_space<vmem>>) target(%dma_start3A_610 : memref<64x128xf32, #tpu.memory_space<hbm>>) target_semaphore(%dma_start3A_604 : memref<!tpu.dma_semaphore, #tpu.memory_space<semaphore_mem>>)
    %dma_wait3A_615 = arith.constant 0 : i32
    %dma_wait3A_616 = arith.constant 0 : i32
    %dma_wait3A_617 = arith.constant 0 : i32
    %dma_wait3A_618 = arith.constant 0 : i32
    %dma_wait3A_619 = arith.constant 0 : i32
    %dma_wait3A_620 = tpu.memref_slice %arg6[%dma_wait3A_615, %dma_wait3A_618, %dma_wait3A_619] : memref<10x64x128xf32, #tpu.memory_space<vmem>> -> memref<1x64x128xf32, #tpu.memory_space<vmem>>
    %dma_wait3A_621 = tpu.memref_squeeze %dma_wait3A_620 : memref<1x64x128xf32, #tpu.memory_space<vmem>> -> memref<64x128xf32, #tpu.memory_space<vmem>>
    %dma_wait3A_622 = arith.constant 0 : i32
    %dma_wait3A_623 = arith.constant 0 : i32
    %dma_wait3A_624 = tpu.memref_slice %arg4[%dma_wait3A_616, %dma_wait3A_622, %dma_wait3A_623] : memref<50x4096x128xf32, #tpu.memory_space<hbm>> -> memref<1x4096x128xf32, #tpu.memory_space<hbm>>
    %dma_wait3A_625 = tpu.memref_squeeze %dma_wait3A_624 : memref<1x4096x128xf32, #tpu.memory_space<hbm>> -> memref<4096x128xf32, #tpu.memory_space<hbm>>
    %dma_wait3A_626 = arith.constant 0 : i32
    %dma_wait3A_627 = tpu.memref_slice %dma_wait3A_625[%mul3A_2, %dma_wait3A_626] : memref<4096x128xf32, #tpu.memory_space<hbm>> -> memref<64x128xf32, #tpu.memory_space<hbm>>
    %dma_wait3A_628 = tpu.memref_slice %arg8[%dma_wait3A_617] : memref<10x!tpu.dma_semaphore, #tpu.memory_space<semaphore_mem>> -> memref<1x!tpu.dma_semaphore, #tpu.memory_space<semaphore_mem>>
    %dma_wait3A_629 = tpu.memref_squeeze %dma_wait3A_628 : memref<1x!tpu.dma_semaphore, #tpu.memory_space<semaphore_mem>> -> memref<!tpu.dma_semaphore, #tpu.memory_space<semaphore_mem>>
    %dma_wait3A_630 = arith.constant 0 : i32
    %dma_wait3A_631 = arith.constant 0 : i32
    %dma_wait3A_632 = tpu.memref_slice %arg4[%dma_wait3A_616, %dma_wait3A_630, %dma_wait3A_631] : memref<50x4096x128xf32, #tpu.memory_space<hbm>> -> memref<1x4096x128xf32, #tpu.memory_space<hbm>>
    %dma_wait3A_633 = tpu.memref_squeeze %dma_wait3A_632 : memref<1x4096x128xf32, #tpu.memory_space<hbm>> -> memref<4096x128xf32, #tpu.memory_space<hbm>>
    %dma_wait3A_634 = arith.constant 0 : i32
    %dma_wait3A_635 = tpu.memref_slice %dma_wait3A_633[%mul3A_2, %dma_wait3A_634] : memref<4096x128xf32, #tpu.memory_space<hbm>> -> memref<64x128xf32, #tpu.memory_space<hbm>>
    %dma_wait3A_636 = arith.constant 0 : i32
    %dma_wait3A_637 = arith.constant 0 : i32
    %dma_wait3A_638 = tpu.memref_slice %arg6[%dma_wait3A_615, %dma_wait3A_636, %dma_wait3A_637] : memref<10x64x128xf32, #tpu.memory_space<vmem>> -> memref<1x64x128xf32, #tpu.memory_space<vmem>>
    %dma_wait3A_639 = tpu.memref_squeeze %dma_wait3A_638 : memref<1x64x128xf32, #tpu.memory_space<vmem>> -> memref<64x128xf32, #tpu.memory_space<vmem>>
    tpu.wait_dma2 semaphore(%dma_wait3A_629 : memref<!tpu.dma_semaphore, #tpu.memory_space<semaphore_mem>>) src(%dma_wait3A_639 : memref<64x128xf32, #tpu.memory_space<vmem>>) dst(%dma_wait3A_635 : memref<64x128xf32, #tpu.memory_space<hbm>>)
    %dma_wait3A_640 = arith.constant 1 : i32
    %dma_wait3A_641 = arith.constant 0 : i32
    %dma_wait3A_642 = arith.constant 1 : i32
    %dma_wait3A_643 = arith.constant 0 : i32
    %dma_wait3A_644 = arith.constant 0 : i32
    %dma_wait3A_645 = tpu.memref_slice %arg6[%dma_wait3A_640, %dma_wait3A_643, %dma_wait3A_644] : memref<10x64x128xf32, #tpu.memory_space<vmem>> -> memref<1x64x128xf32, #tpu.memory_space<vmem>>
    %dma_wait3A_646 = tpu.memref_squeeze %dma_wait3A_645 : memref<1x64x128xf32, #tpu.memory_space<vmem>> -> memref<64x128xf32, #tpu.memory_space<vmem>>
    %dma_wait3A_647 = arith.constant 0 : i32
    %dma_wait3A_648 = arith.constant 0 : i32
    %dma_wait3A_649 = tpu.memref_slice %arg4[%dma_wait3A_641, %dma_wait3A_647, %dma_wait3A_648] : memref<50x4096x128xf32, #tpu.memory_space<hbm>> -> memref<1x4096x128xf32, #tpu.memory_space<hbm>>
    %dma_wait3A_650 = tpu.memref_squeeze %dma_wait3A_649 : memref<1x4096x128xf32, #tpu.memory_space<hbm>> -> memref<4096x128xf32, #tpu.memory_space<hbm>>
    %dma_wait3A_651 = arith.constant 0 : i32
    %dma_wait3A_652 = tpu.memref_slice %dma_wait3A_650[%mul3A_2, %dma_wait3A_651] : memref<4096x128xf32, #tpu.memory_space<hbm>> -> memref<64x128xf32, #tpu.memory_space<hbm>>
    %dma_wait3A_653 = tpu.memref_slice %arg8[%dma_wait3A_642] : memref<10x!tpu.dma_semaphore, #tpu.memory_space<semaphore_mem>> -> memref<1x!tpu.dma_semaphore, #tpu.memory_space<semaphore_mem>>
    %dma_wait3A_654 = tpu.memref_squeeze %dma_wait3A_653 : memref<1x!tpu.dma_semaphore, #tpu.memory_space<semaphore_mem>> -> memref<!tpu.dma_semaphore, #tpu.memory_space<semaphore_mem>>
    %dma_wait3A_655 = arith.constant 0 : i32
    %dma_wait3A_656 = arith.constant 0 : i32
    %dma_wait3A_657 = tpu.memref_slice %arg4[%dma_wait3A_641, %dma_wait3A_655, %dma_wait3A_656] : memref<50x4096x128xf32, #tpu.memory_space<hbm>> -> memref<1x4096x128xf32, #tpu.memory_space<hbm>>
    %dma_wait3A_658 = tpu.memref_squeeze %dma_wait3A_657 : memref<1x4096x128xf32, #tpu.memory_space<hbm>> -> memref<4096x128xf32, #tpu.memory_space<hbm>>
    %dma_wait3A_659 = arith.constant 0 : i32
    %dma_wait3A_660 = tpu.memref_slice %dma_wait3A_658[%mul3A_2, %dma_wait3A_659] : memref<4096x128xf32, #tpu.memory_space<hbm>> -> memref<64x128xf32, #tpu.memory_space<hbm>>
    %dma_wait3A_661 = arith.constant 0 : i32
    %dma_wait3A_662 = arith.constant 0 : i32
    %dma_wait3A_663 = tpu.memref_slice %arg6[%dma_wait3A_640, %dma_wait3A_661, %dma_wait3A_662] : memref<10x64x128xf32, #tpu.memory_space<vmem>> -> memref<1x64x128xf32, #tpu.memory_space<vmem>>
    %dma_wait3A_664 = tpu.memref_squeeze %dma_wait3A_663 : memref<1x64x128xf32, #tpu.memory_space<vmem>> -> memref<64x128xf32, #tpu.memory_space<vmem>>
    tpu.wait_dma2 semaphore(%dma_wait3A_654 : memref<!tpu.dma_semaphore, #tpu.memory_space<semaphore_mem>>) src(%dma_wait3A_664 : memref<64x128xf32, #tpu.memory_space<vmem>>) dst(%dma_wait3A_660 : memref<64x128xf32, #tpu.memory_space<hbm>>)
    %dma_wait3A_665 = arith.constant 2 : i32
    %dma_wait3A_666 = arith.constant 0 : i32
    %dma_wait3A_667 = arith.constant 2 : i32
    %dma_wait3A_668 = arith.constant 0 : i32
    %dma_wait3A_669 = arith.constant 0 : i32
    %dma_wait3A_670 = tpu.memref_slice %arg6[%dma_wait3A_665, %dma_wait3A_668, %dma_wait3A_669] : memref<10x64x128xf32, #tpu.memory_space<vmem>> -> memref<1x64x128xf32, #tpu.memory_space<vmem>>
    %dma_wait3A_671 = tpu.memref_squeeze %dma_wait3A_670 : memref<1x64x128xf32, #tpu.memory_space<vmem>> -> memref<64x128xf32, #tpu.memory_space<vmem>>
    %dma_wait3A_672 = arith.constant 0 : i32
    %dma_wait3A_673 = arith.constant 0 : i32
    %dma_wait3A_674 = tpu.memref_slice %arg4[%dma_wait3A_666, %dma_wait3A_672, %dma_wait3A_673] : memref<50x4096x128xf32, #tpu.memory_space<hbm>> -> memref<1x4096x128xf32, #tpu.memory_space<hbm>>
    %dma_wait3A_675 = tpu.memref_squeeze %dma_wait3A_674 : memref<1x4096x128xf32, #tpu.memory_space<hbm>> -> memref<4096x128xf32, #tpu.memory_space<hbm>>
    %dma_wait3A_676 = arith.constant 0 : i32
    %dma_wait3A_677 = tpu.memref_slice %dma_wait3A_675[%mul3A_2, %dma_wait3A_676] : memref<4096x128xf32, #tpu.memory_space<hbm>> -> memref<64x128xf32, #tpu.memory_space<hbm>>
    %dma_wait3A_678 = tpu.memref_slice %arg8[%dma_wait3A_667] : memref<10x!tpu.dma_semaphore, #tpu.memory_space<semaphore_mem>> -> memref<1x!tpu.dma_semaphore, #tpu.memory_space<semaphore_mem>>
    %dma_wait3A_679 = tpu.memref_squeeze %dma_wait3A_678 : memref<1x!tpu.dma_semaphore, #tpu.memory_space<semaphore_mem>> -> memref<!tpu.dma_semaphore, #tpu.memory_space<semaphore_mem>>
    %dma_wait3A_680 = arith.constant 0 : i32
    %dma_wait3A_681 = arith.constant 0 : i32
    %dma_wait3A_682 = tpu.memref_slice %arg4[%dma_wait3A_666, %dma_wait3A_680, %dma_wait3A_681] : memref<50x4096x128xf32, #tpu.memory_space<hbm>> -> memref<1x4096x128xf32, #tpu.memory_space<hbm>>
    %dma_wait3A_683 = tpu.memref_squeeze %dma_wait3A_682 : memref<1x4096x128xf32, #tpu.memory_space<hbm>> -> memref<4096x128xf32, #tpu.memory_space<hbm>>
    %dma_wait3A_684 = arith.constant 0 : i32
    %dma_wait3A_685 = tpu.memref_slice %dma_wait3A_683[%mul3A_2, %dma_wait3A_684] : memref<4096x128xf32, #tpu.memory_space<hbm>> -> memref<64x128xf32, #tpu.memory_space<hbm>>
    %dma_wait3A_686 = arith.constant 0 : i32
    %dma_wait3A_687 = arith.constant 0 : i32
    %dma_wait3A_688 = tpu.memref_slice %arg6[%dma_wait3A_665, %dma_wait3A_686, %dma_wait3A_687] : memref<10x64x128xf32, #tpu.memory_space<vmem>> -> memref<1x64x128xf32, #tpu.memory_space<vmem>>
    %dma_wait3A_689 = tpu.memref_squeeze %dma_wait3A_688 : memref<1x64x128xf32, #tpu.memory_space<vmem>> -> memref<64x128xf32, #tpu.memory_space<vmem>>
    tpu.wait_dma2 semaphore(%dma_wait3A_679 : memref<!tpu.dma_semaphore, #tpu.memory_space<semaphore_mem>>) src(%dma_wait3A_689 : memref<64x128xf32, #tpu.memory_space<vmem>>) dst(%dma_wait3A_685 : memref<64x128xf32, #tpu.memory_space<hbm>>)
    %dma_wait3A_690 = arith.constant 3 : i32
    %dma_wait3A_691 = arith.constant 0 : i32
    %dma_wait3A_692 = arith.constant 3 : i32
    %dma_wait3A_693 = arith.constant 0 : i32
    %dma_wait3A_694 = arith.constant 0 : i32
    %dma_wait3A_695 = tpu.memref_slice %arg6[%dma_wait3A_690, %dma_wait3A_693, %dma_wait3A_694] : memref<10x64x128xf32, #tpu.memory_space<vmem>> -> memref<1x64x128xf32, #tpu.memory_space<vmem>>
    %dma_wait3A_696 = tpu.memref_squeeze %dma_wait3A_695 : memref<1x64x128xf32, #tpu.memory_space<vmem>> -> memref<64x128xf32, #tpu.memory_space<vmem>>
    %dma_wait3A_697 = arith.constant 0 : i32
    %dma_wait3A_698 = arith.constant 0 : i32
    %dma_wait3A_699 = tpu.memref_slice %arg4[%dma_wait3A_691, %dma_wait3A_697, %dma_wait3A_698] : memref<50x4096x128xf32, #tpu.memory_space<hbm>> -> memref<1x4096x128xf32, #tpu.memory_space<hbm>>
    %dma_wait3A_700 = tpu.memref_squeeze %dma_wait3A_699 : memref<1x4096x128xf32, #tpu.memory_space<hbm>> -> memref<4096x128xf32, #tpu.memory_space<hbm>>
    %dma_wait3A_701 = arith.constant 0 : i32
    %dma_wait3A_702 = tpu.memref_slice %dma_wait3A_700[%mul3A_2, %dma_wait3A_701] : memref<4096x128xf32, #tpu.memory_space<hbm>> -> memref<64x128xf32, #tpu.memory_space<hbm>>
    %dma_wait3A_703 = tpu.memref_slice %arg8[%dma_wait3A_692] : memref<10x!tpu.dma_semaphore, #tpu.memory_space<semaphore_mem>> -> memref<1x!tpu.dma_semaphore, #tpu.memory_space<semaphore_mem>>
    %dma_wait3A_704 = tpu.memref_squeeze %dma_wait3A_703 : memref<1x!tpu.dma_semaphore, #tpu.memory_space<semaphore_mem>> -> memref<!tpu.dma_semaphore, #tpu.memory_space<semaphore_mem>>
    %dma_wait3A_705 = arith.constant 0 : i32
    %dma_wait3A_706 = arith.constant 0 : i32
    %dma_wait3A_707 = tpu.memref_slice %arg4[%dma_wait3A_691, %dma_wait3A_705, %dma_wait3A_706] : memref<50x4096x128xf32, #tpu.memory_space<hbm>> -> memref<1x4096x128xf32, #tpu.memory_space<hbm>>
    %dma_wait3A_708 = tpu.memref_squeeze %dma_wait3A_707 : memref<1x4096x128xf32, #tpu.memory_space<hbm>> -> memref<4096x128xf32, #tpu.memory_space<hbm>>
    %dma_wait3A_709 = arith.constant 0 : i32
    %dma_wait3A_710 = tpu.memref_slice %dma_wait3A_708[%mul3A_2, %dma_wait3A_709] : memref<4096x128xf32, #tpu.memory_space<hbm>> -> memref<64x128xf32, #tpu.memory_space<hbm>>
    %dma_wait3A_711 = arith.constant 0 : i32
    %dma_wait3A_712 = arith.constant 0 : i32
    %dma_wait3A_713 = tpu.memref_slice %arg6[%dma_wait3A_690, %dma_wait3A_711, %dma_wait3A_712] : memref<10x64x128xf32, #tpu.memory_space<vmem>> -> memref<1x64x128xf32, #tpu.memory_space<vmem>>
    %dma_wait3A_714 = tpu.memref_squeeze %dma_wait3A_713 : memref<1x64x128xf32, #tpu.memory_space<vmem>> -> memref<64x128xf32, #tpu.memory_space<vmem>>
    tpu.wait_dma2 semaphore(%dma_wait3A_704 : memref<!tpu.dma_semaphore, #tpu.memory_space<semaphore_mem>>) src(%dma_wait3A_714 : memref<64x128xf32, #tpu.memory_space<vmem>>) dst(%dma_wait3A_710 : memref<64x128xf32, #tpu.memory_space<hbm>>)
    %dma_wait3A_715 = arith.constant 4 : i32
    %dma_wait3A_716 = arith.constant 0 : i32
    %dma_wait3A_717 = arith.constant 4 : i32
    %dma_wait3A_718 = arith.constant 0 : i32
    %dma_wait3A_719 = arith.constant 0 : i32
    %dma_wait3A_720 = tpu.memref_slice %arg6[%dma_wait3A_715, %dma_wait3A_718, %dma_wait3A_719] : memref<10x64x128xf32, #tpu.memory_space<vmem>> -> memref<1x64x128xf32, #tpu.memory_space<vmem>>
    %dma_wait3A_721 = tpu.memref_squeeze %dma_wait3A_720 : memref<1x64x128xf32, #tpu.memory_space<vmem>> -> memref<64x128xf32, #tpu.memory_space<vmem>>
    %dma_wait3A_722 = arith.constant 0 : i32
    %dma_wait3A_723 = arith.constant 0 : i32
    %dma_wait3A_724 = tpu.memref_slice %arg4[%dma_wait3A_716, %dma_wait3A_722, %dma_wait3A_723] : memref<50x4096x128xf32, #tpu.memory_space<hbm>> -> memref<1x4096x128xf32, #tpu.memory_space<hbm>>
    %dma_wait3A_725 = tpu.memref_squeeze %dma_wait3A_724 : memref<1x4096x128xf32, #tpu.memory_space<hbm>> -> memref<4096x128xf32, #tpu.memory_space<hbm>>
    %dma_wait3A_726 = arith.constant 0 : i32
    %dma_wait3A_727 = tpu.memref_slice %dma_wait3A_725[%mul3A_2, %dma_wait3A_726] : memref<4096x128xf32, #tpu.memory_space<hbm>> -> memref<64x128xf32, #tpu.memory_space<hbm>>
    %dma_wait3A_728 = tpu.memref_slice %arg8[%dma_wait3A_717] : memref<10x!tpu.dma_semaphore, #tpu.memory_space<semaphore_mem>> -> memref<1x!tpu.dma_semaphore, #tpu.memory_space<semaphore_mem>>
    %dma_wait3A_729 = tpu.memref_squeeze %dma_wait3A_728 : memref<1x!tpu.dma_semaphore, #tpu.memory_space<semaphore_mem>> -> memref<!tpu.dma_semaphore, #tpu.memory_space<semaphore_mem>>
    %dma_wait3A_730 = arith.constant 0 : i32
    %dma_wait3A_731 = arith.constant 0 : i32
    %dma_wait3A_732 = tpu.memref_slice %arg4[%dma_wait3A_716, %dma_wait3A_730, %dma_wait3A_731] : memref<50x4096x128xf32, #tpu.memory_space<hbm>> -> memref<1x4096x128xf32, #tpu.memory_space<hbm>>
    %dma_wait3A_733 = tpu.memref_squeeze %dma_wait3A_732 : memref<1x4096x128xf32, #tpu.memory_space<hbm>> -> memref<4096x128xf32, #tpu.memory_space<hbm>>
    %dma_wait3A_734 = arith.constant 0 : i32
    %dma_wait3A_735 = tpu.memref_slice %dma_wait3A_733[%mul3A_2, %dma_wait3A_734] : memref<4096x128xf32, #tpu.memory_space<hbm>> -> memref<64x128xf32, #tpu.memory_space<hbm>>
    %dma_wait3A_736 = arith.constant 0 : i32
    %dma_wait3A_737 = arith.constant 0 : i32
    %dma_wait3A_738 = tpu.memref_slice %arg6[%dma_wait3A_715, %dma_wait3A_736, %dma_wait3A_737] : memref<10x64x128xf32, #tpu.memory_space<vmem>> -> memref<1x64x128xf32, #tpu.memory_space<vmem>>
    %dma_wait3A_739 = tpu.memref_squeeze %dma_wait3A_738 : memref<1x64x128xf32, #tpu.memory_space<vmem>> -> memref<64x128xf32, #tpu.memory_space<vmem>>
    tpu.wait_dma2 semaphore(%dma_wait3A_729 : memref<!tpu.dma_semaphore, #tpu.memory_space<semaphore_mem>>) src(%dma_wait3A_739 : memref<64x128xf32, #tpu.memory_space<vmem>>) dst(%dma_wait3A_735 : memref<64x128xf32, #tpu.memory_space<hbm>>)
    %dma_wait3A_740 = arith.constant 5 : i32
    %dma_wait3A_741 = arith.constant 0 : i32
    %dma_wait3A_742 = arith.constant 5 : i32
    %dma_wait3A_743 = arith.constant 0 : i32
    %dma_wait3A_744 = arith.constant 0 : i32
    %dma_wait3A_745 = tpu.memref_slice %arg6[%dma_wait3A_740, %dma_wait3A_743, %dma_wait3A_744] : memref<10x64x128xf32, #tpu.memory_space<vmem>> -> memref<1x64x128xf32, #tpu.memory_space<vmem>>
    %dma_wait3A_746 = tpu.memref_squeeze %dma_wait3A_745 : memref<1x64x128xf32, #tpu.memory_space<vmem>> -> memref<64x128xf32, #tpu.memory_space<vmem>>
    %dma_wait3A_747 = arith.constant 0 : i32
    %dma_wait3A_748 = arith.constant 0 : i32
    %dma_wait3A_749 = tpu.memref_slice %arg4[%dma_wait3A_741, %dma_wait3A_747, %dma_wait3A_748] : memref<50x4096x128xf32, #tpu.memory_space<hbm>> -> memref<1x4096x128xf32, #tpu.memory_space<hbm>>
    %dma_wait3A_750 = tpu.memref_squeeze %dma_wait3A_749 : memref<1x4096x128xf32, #tpu.memory_space<hbm>> -> memref<4096x128xf32, #tpu.memory_space<hbm>>
    %dma_wait3A_751 = arith.constant 0 : i32
    %dma_wait3A_752 = tpu.memref_slice %dma_wait3A_750[%mul3A_2, %dma_wait3A_751] : memref<4096x128xf32, #tpu.memory_space<hbm>> -> memref<64x128xf32, #tpu.memory_space<hbm>>
    %dma_wait3A_753 = tpu.memref_slice %arg8[%dma_wait3A_742] : memref<10x!tpu.dma_semaphore, #tpu.memory_space<semaphore_mem>> -> memref<1x!tpu.dma_semaphore, #tpu.memory_space<semaphore_mem>>
    %dma_wait3A_754 = tpu.memref_squeeze %dma_wait3A_753 : memref<1x!tpu.dma_semaphore, #tpu.memory_space<semaphore_mem>> -> memref<!tpu.dma_semaphore, #tpu.memory_space<semaphore_mem>>
    %dma_wait3A_755 = arith.constant 0 : i32
    %dma_wait3A_756 = arith.constant 0 : i32
    %dma_wait3A_757 = tpu.memref_slice %arg4[%dma_wait3A_741, %dma_wait3A_755, %dma_wait3A_756] : memref<50x4096x128xf32, #tpu.memory_space<hbm>> -> memref<1x4096x128xf32, #tpu.memory_space<hbm>>
    %dma_wait3A_758 = tpu.memref_squeeze %dma_wait3A_757 : memref<1x4096x128xf32, #tpu.memory_space<hbm>> -> memref<4096x128xf32, #tpu.memory_space<hbm>>
    %dma_wait3A_759 = arith.constant 0 : i32
    %dma_wait3A_760 = tpu.memref_slice %dma_wait3A_758[%mul3A_2, %dma_wait3A_759] : memref<4096x128xf32, #tpu.memory_space<hbm>> -> memref<64x128xf32, #tpu.memory_space<hbm>>
    %dma_wait3A_761 = arith.constant 0 : i32
    %dma_wait3A_762 = arith.constant 0 : i32
    %dma_wait3A_763 = tpu.memref_slice %arg6[%dma_wait3A_740, %dma_wait3A_761, %dma_wait3A_762] : memref<10x64x128xf32, #tpu.memory_space<vmem>> -> memref<1x64x128xf32, #tpu.memory_space<vmem>>
    %dma_wait3A_764 = tpu.memref_squeeze %dma_wait3A_763 : memref<1x64x128xf32, #tpu.memory_space<vmem>> -> memref<64x128xf32, #tpu.memory_space<vmem>>
    tpu.wait_dma2 semaphore(%dma_wait3A_754 : memref<!tpu.dma_semaphore, #tpu.memory_space<semaphore_mem>>) src(%dma_wait3A_764 : memref<64x128xf32, #tpu.memory_space<vmem>>) dst(%dma_wait3A_760 : memref<64x128xf32, #tpu.memory_space<hbm>>)
    %dma_wait3A_765 = arith.constant 6 : i32
    %dma_wait3A_766 = arith.constant 0 : i32
    %dma_wait3A_767 = arith.constant 6 : i32
    %dma_wait3A_768 = arith.constant 0 : i32
    %dma_wait3A_769 = arith.constant 0 : i32
    %dma_wait3A_770 = tpu.memref_slice %arg6[%dma_wait3A_765, %dma_wait3A_768, %dma_wait3A_769] : memref<10x64x128xf32, #tpu.memory_space<vmem>> -> memref<1x64x128xf32, #tpu.memory_space<vmem>>
    %dma_wait3A_771 = tpu.memref_squeeze %dma_wait3A_770 : memref<1x64x128xf32, #tpu.memory_space<vmem>> -> memref<64x128xf32, #tpu.memory_space<vmem>>
    %dma_wait3A_772 = arith.constant 0 : i32
    %dma_wait3A_773 = arith.constant 0 : i32
    %dma_wait3A_774 = tpu.memref_slice %arg4[%dma_wait3A_766, %dma_wait3A_772, %dma_wait3A_773] : memref<50x4096x128xf32, #tpu.memory_space<hbm>> -> memref<1x4096x128xf32, #tpu.memory_space<hbm>>
    %dma_wait3A_775 = tpu.memref_squeeze %dma_wait3A_774 : memref<1x4096x128xf32, #tpu.memory_space<hbm>> -> memref<4096x128xf32, #tpu.memory_space<hbm>>
    %dma_wait3A_776 = arith.constant 0 : i32
    %dma_wait3A_777 = tpu.memref_slice %dma_wait3A_775[%mul3A_2, %dma_wait3A_776] : memref<4096x128xf32, #tpu.memory_space<hbm>> -> memref<64x128xf32, #tpu.memory_space<hbm>>
    %dma_wait3A_778 = tpu.memref_slice %arg8[%dma_wait3A_767] : memref<10x!tpu.dma_semaphore, #tpu.memory_space<semaphore_mem>> -> memref<1x!tpu.dma_semaphore, #tpu.memory_space<semaphore_mem>>
    %dma_wait3A_779 = tpu.memref_squeeze %dma_wait3A_778 : memref<1x!tpu.dma_semaphore, #tpu.memory_space<semaphore_mem>> -> memref<!tpu.dma_semaphore, #tpu.memory_space<semaphore_mem>>
    %dma_wait3A_780 = arith.constant 0 : i32
    %dma_wait3A_781 = arith.constant 0 : i32
    %dma_wait3A_782 = tpu.memref_slice %arg4[%dma_wait3A_766, %dma_wait3A_780, %dma_wait3A_781] : memref<50x4096x128xf32, #tpu.memory_space<hbm>> -> memref<1x4096x128xf32, #tpu.memory_space<hbm>>
    %dma_wait3A_783 = tpu.memref_squeeze %dma_wait3A_782 : memref<1x4096x128xf32, #tpu.memory_space<hbm>> -> memref<4096x128xf32, #tpu.memory_space<hbm>>
    %dma_wait3A_784 = arith.constant 0 : i32
    %dma_wait3A_785 = tpu.memref_slice %dma_wait3A_783[%mul3A_2, %dma_wait3A_784] : memref<4096x128xf32, #tpu.memory_space<hbm>> -> memref<64x128xf32, #tpu.memory_space<hbm>>
    %dma_wait3A_786 = arith.constant 0 : i32
    %dma_wait3A_787 = arith.constant 0 : i32
    %dma_wait3A_788 = tpu.memref_slice %arg6[%dma_wait3A_765, %dma_wait3A_786, %dma_wait3A_787] : memref<10x64x128xf32, #tpu.memory_space<vmem>> -> memref<1x64x128xf32, #tpu.memory_space<vmem>>
    %dma_wait3A_789 = tpu.memref_squeeze %dma_wait3A_788 : memref<1x64x128xf32, #tpu.memory_space<vmem>> -> memref<64x128xf32, #tpu.memory_space<vmem>>
    tpu.wait_dma2 semaphore(%dma_wait3A_779 : memref<!tpu.dma_semaphore, #tpu.memory_space<semaphore_mem>>) src(%dma_wait3A_789 : memref<64x128xf32, #tpu.memory_space<vmem>>) dst(%dma_wait3A_785 : memref<64x128xf32, #tpu.memory_space<hbm>>)
    %dma_wait3A_790 = arith.constant 7 : i32
    %dma_wait3A_791 = arith.constant 0 : i32
    %dma_wait3A_792 = arith.constant 7 : i32
    %dma_wait3A_793 = arith.constant 0 : i32
    %dma_wait3A_794 = arith.constant 0 : i32
    %dma_wait3A_795 = tpu.memref_slice %arg6[%dma_wait3A_790, %dma_wait3A_793, %dma_wait3A_794] : memref<10x64x128xf32, #tpu.memory_space<vmem>> -> memref<1x64x128xf32, #tpu.memory_space<vmem>>
    %dma_wait3A_796 = tpu.memref_squeeze %dma_wait3A_795 : memref<1x64x128xf32, #tpu.memory_space<vmem>> -> memref<64x128xf32, #tpu.memory_space<vmem>>
    %dma_wait3A_797 = arith.constant 0 : i32
    %dma_wait3A_798 = arith.constant 0 : i32
    %dma_wait3A_799 = tpu.memref_slice %arg4[%dma_wait3A_791, %dma_wait3A_797, %dma_wait3A_798] : memref<50x4096x128xf32, #tpu.memory_space<hbm>> -> memref<1x4096x128xf32, #tpu.memory_space<hbm>>
    %dma_wait3A_800 = tpu.memref_squeeze %dma_wait3A_799 : memref<1x4096x128xf32, #tpu.memory_space<hbm>> -> memref<4096x128xf32, #tpu.memory_space<hbm>>
    %dma_wait3A_801 = arith.constant 0 : i32
    %dma_wait3A_802 = tpu.memref_slice %dma_wait3A_800[%mul3A_2, %dma_wait3A_801] : memref<4096x128xf32, #tpu.memory_space<hbm>> -> memref<64x128xf32, #tpu.memory_space<hbm>>
    %dma_wait3A_803 = tpu.memref_slice %arg8[%dma_wait3A_792] : memref<10x!tpu.dma_semaphore, #tpu.memory_space<semaphore_mem>> -> memref<1x!tpu.dma_semaphore, #tpu.memory_space<semaphore_mem>>
    %dma_wait3A_804 = tpu.memref_squeeze %dma_wait3A_803 : memref<1x!tpu.dma_semaphore, #tpu.memory_space<semaphore_mem>> -> memref<!tpu.dma_semaphore, #tpu.memory_space<semaphore_mem>>
    %dma_wait3A_805 = arith.constant 0 : i32
    %dma_wait3A_806 = arith.constant 0 : i32
    %dma_wait3A_807 = tpu.memref_slice %arg4[%dma_wait3A_791, %dma_wait3A_805, %dma_wait3A_806] : memref<50x4096x128xf32, #tpu.memory_space<hbm>> -> memref<1x4096x128xf32, #tpu.memory_space<hbm>>
    %dma_wait3A_808 = tpu.memref_squeeze %dma_wait3A_807 : memref<1x4096x128xf32, #tpu.memory_space<hbm>> -> memref<4096x128xf32, #tpu.memory_space<hbm>>
    %dma_wait3A_809 = arith.constant 0 : i32
    %dma_wait3A_810 = tpu.memref_slice %dma_wait3A_808[%mul3A_2, %dma_wait3A_809] : memref<4096x128xf32, #tpu.memory_space<hbm>> -> memref<64x128xf32, #tpu.memory_space<hbm>>
    %dma_wait3A_811 = arith.constant 0 : i32
    %dma_wait3A_812 = arith.constant 0 : i32
    %dma_wait3A_813 = tpu.memref_slice %arg6[%dma_wait3A_790, %dma_wait3A_811, %dma_wait3A_812] : memref<10x64x128xf32, #tpu.memory_space<vmem>> -> memref<1x64x128xf32, #tpu.memory_space<vmem>>
    %dma_wait3A_814 = tpu.memref_squeeze %dma_wait3A_813 : memref<1x64x128xf32, #tpu.memory_space<vmem>> -> memref<64x128xf32, #tpu.memory_space<vmem>>
    tpu.wait_dma2 semaphore(%dma_wait3A_804 : memref<!tpu.dma_semaphore, #tpu.memory_space<semaphore_mem>>) src(%dma_wait3A_814 : memref<64x128xf32, #tpu.memory_space<vmem>>) dst(%dma_wait3A_810 : memref<64x128xf32, #tpu.memory_space<hbm>>)
    %dma_wait3A_815 = arith.constant 8 : i32
    %dma_wait3A_816 = arith.constant 0 : i32
    %dma_wait3A_817 = arith.constant 8 : i32
    %dma_wait3A_818 = arith.constant 0 : i32
    %dma_wait3A_819 = arith.constant 0 : i32
    %dma_wait3A_820 = tpu.memref_slice %arg6[%dma_wait3A_815, %dma_wait3A_818, %dma_wait3A_819] : memref<10x64x128xf32, #tpu.memory_space<vmem>> -> memref<1x64x128xf32, #tpu.memory_space<vmem>>
    %dma_wait3A_821 = tpu.memref_squeeze %dma_wait3A_820 : memref<1x64x128xf32, #tpu.memory_space<vmem>> -> memref<64x128xf32, #tpu.memory_space<vmem>>
    %dma_wait3A_822 = arith.constant 0 : i32
    %dma_wait3A_823 = arith.constant 0 : i32
    %dma_wait3A_824 = tpu.memref_slice %arg4[%dma_wait3A_816, %dma_wait3A_822, %dma_wait3A_823] : memref<50x4096x128xf32, #tpu.memory_space<hbm>> -> memref<1x4096x128xf32, #tpu.memory_space<hbm>>
    %dma_wait3A_825 = tpu.memref_squeeze %dma_wait3A_824 : memref<1x4096x128xf32, #tpu.memory_space<hbm>> -> memref<4096x128xf32, #tpu.memory_space<hbm>>
    %dma_wait3A_826 = arith.constant 0 : i32
    %dma_wait3A_827 = tpu.memref_slice %dma_wait3A_825[%mul3A_2, %dma_wait3A_826] : memref<4096x128xf32, #tpu.memory_space<hbm>> -> memref<64x128xf32, #tpu.memory_space<hbm>>
    %dma_wait3A_828 = tpu.memref_slice %arg8[%dma_wait3A_817] : memref<10x!tpu.dma_semaphore, #tpu.memory_space<semaphore_mem>> -> memref<1x!tpu.dma_semaphore, #tpu.memory_space<semaphore_mem>>
    %dma_wait3A_829 = tpu.memref_squeeze %dma_wait3A_828 : memref<1x!tpu.dma_semaphore, #tpu.memory_space<semaphore_mem>> -> memref<!tpu.dma_semaphore, #tpu.memory_space<semaphore_mem>>
    %dma_wait3A_830 = arith.constant 0 : i32
    %dma_wait3A_831 = arith.constant 0 : i32
    %dma_wait3A_832 = tpu.memref_slice %arg4[%dma_wait3A_816, %dma_wait3A_830, %dma_wait3A_831] : memref<50x4096x128xf32, #tpu.memory_space<hbm>> -> memref<1x4096x128xf32, #tpu.memory_space<hbm>>
    %dma_wait3A_833 = tpu.memref_squeeze %dma_wait3A_832 : memref<1x4096x128xf32, #tpu.memory_space<hbm>> -> memref<4096x128xf32, #tpu.memory_space<hbm>>
    %dma_wait3A_834 = arith.constant 0 : i32
    %dma_wait3A_835 = tpu.memref_slice %dma_wait3A_833[%mul3A_2, %dma_wait3A_834] : memref<4096x128xf32, #tpu.memory_space<hbm>> -> memref<64x128xf32, #tpu.memory_space<hbm>>
    %dma_wait3A_836 = arith.constant 0 : i32
    %dma_wait3A_837 = arith.constant 0 : i32
    %dma_wait3A_838 = tpu.memref_slice %arg6[%dma_wait3A_815, %dma_wait3A_836, %dma_wait3A_837] : memref<10x64x128xf32, #tpu.memory_space<vmem>> -> memref<1x64x128xf32, #tpu.memory_space<vmem>>
    %dma_wait3A_839 = tpu.memref_squeeze %dma_wait3A_838 : memref<1x64x128xf32, #tpu.memory_space<vmem>> -> memref<64x128xf32, #tpu.memory_space<vmem>>
    tpu.wait_dma2 semaphore(%dma_wait3A_829 : memref<!tpu.dma_semaphore, #tpu.memory_space<semaphore_mem>>) src(%dma_wait3A_839 : memref<64x128xf32, #tpu.memory_space<vmem>>) dst(%dma_wait3A_835 : memref<64x128xf32, #tpu.memory_space<hbm>>)
    %dma_wait3A_840 = arith.constant 9 : i32
    %dma_wait3A_841 = arith.constant 0 : i32
    %dma_wait3A_842 = arith.constant 9 : i32
    %dma_wait3A_843 = arith.constant 0 : i32
    %dma_wait3A_844 = arith.constant 0 : i32
    %dma_wait3A_845 = tpu.memref_slice %arg6[%dma_wait3A_840, %dma_wait3A_843, %dma_wait3A_844] : memref<10x64x128xf32, #tpu.memory_space<vmem>> -> memref<1x64x128xf32, #tpu.memory_space<vmem>>
    %dma_wait3A_846 = tpu.memref_squeeze %dma_wait3A_845 : memref<1x64x128xf32, #tpu.memory_space<vmem>> -> memref<64x128xf32, #tpu.memory_space<vmem>>
    %dma_wait3A_847 = arith.constant 0 : i32
    %dma_wait3A_848 = arith.constant 0 : i32
    %dma_wait3A_849 = tpu.memref_slice %arg4[%dma_wait3A_841, %dma_wait3A_847, %dma_wait3A_848] : memref<50x4096x128xf32, #tpu.memory_space<hbm>> -> memref<1x4096x128xf32, #tpu.memory_space<hbm>>
    %dma_wait3A_850 = tpu.memref_squeeze %dma_wait3A_849 : memref<1x4096x128xf32, #tpu.memory_space<hbm>> -> memref<4096x128xf32, #tpu.memory_space<hbm>>
    %dma_wait3A_851 = arith.constant 0 : i32
    %dma_wait3A_852 = tpu.memref_slice %dma_wait3A_850[%mul3A_2, %dma_wait3A_851] : memref<4096x128xf32, #tpu.memory_space<hbm>> -> memref<64x128xf32, #tpu.memory_space<hbm>>
    %dma_wait3A_853 = tpu.memref_slice %arg8[%dma_wait3A_842] : memref<10x!tpu.dma_semaphore, #tpu.memory_space<semaphore_mem>> -> memref<1x!tpu.dma_semaphore, #tpu.memory_space<semaphore_mem>>
    %dma_wait3A_854 = tpu.memref_squeeze %dma_wait3A_853 : memref<1x!tpu.dma_semaphore, #tpu.memory_space<semaphore_mem>> -> memref<!tpu.dma_semaphore, #tpu.memory_space<semaphore_mem>>
    %dma_wait3A_855 = arith.constant 0 : i32
    %dma_wait3A_856 = arith.constant 0 : i32
    %dma_wait3A_857 = tpu.memref_slice %arg4[%dma_wait3A_841, %dma_wait3A_855, %dma_wait3A_856] : memref<50x4096x128xf32, #tpu.memory_space<hbm>> -> memref<1x4096x128xf32, #tpu.memory_space<hbm>>
    %dma_wait3A_858 = tpu.memref_squeeze %dma_wait3A_857 : memref<1x4096x128xf32, #tpu.memory_space<hbm>> -> memref<4096x128xf32, #tpu.memory_space<hbm>>
    %dma_wait3A_859 = arith.constant 0 : i32
    %dma_wait3A_860 = tpu.memref_slice %dma_wait3A_858[%mul3A_2, %dma_wait3A_859] : memref<4096x128xf32, #tpu.memory_space<hbm>> -> memref<64x128xf32, #tpu.memory_space<hbm>>
    %dma_wait3A_861 = arith.constant 0 : i32
    %dma_wait3A_862 = arith.constant 0 : i32
    %dma_wait3A_863 = tpu.memref_slice %arg6[%dma_wait3A_840, %dma_wait3A_861, %dma_wait3A_862] : memref<10x64x128xf32, #tpu.memory_space<vmem>> -> memref<1x64x128xf32, #tpu.memory_space<vmem>>
    %dma_wait3A_864 = tpu.memref_squeeze %dma_wait3A_863 : memref<1x64x128xf32, #tpu.memory_space<vmem>> -> memref<64x128xf32, #tpu.memory_space<vmem>>
    tpu.wait_dma2 semaphore(%dma_wait3A_854 : memref<!tpu.dma_semaphore, #tpu.memory_space<semaphore_mem>>) src(%dma_wait3A_864 : memref<64x128xf32, #tpu.memory_space<vmem>>) dst(%dma_wait3A_860 : memref<64x128xf32, #tpu.memory_space<hbm>>)
    return
  }
}

</mosaic_0001>

<sc_bundles>
// kernel: _lookup.3.cloned.1.call-start
scs
__scs_entry_jumppad:
0x0: {  	(pc) =	sbr.rel $0x88, $3  }
0x1: {  	(tag) =	ssettag $0x0;
	lr =	simm.s32 $0x1  }
0x2: {  	[smem:$0x3F9F] =	sst lr;
	_ =	strace $0xD0000000  }
0x3: {  	_ = 	snop  }
0x4: {  	_ = 	snop  }
0x5: {  	_ = 	snop  }
0x6: {  	_ = 	snop  }
0x7: {  	_ = 	snop  }
__scs_overlays_trampoline_lowered:
0x8: {  	[smem:$0x3FAE] =	sst s0  }
0x9: {  	[smem:$0x3FAF] =	sst s1  }
0xa: {  	[smem:$0x3FB0] =	sst s2  }
0xb: {  	[smem:$0x3FB1] =	sst s3  }
0xc: {  	[smem:$0x3FB2] =	sst s4  }
0xd: {  	[smem:$0x3FB3] =	sst s5  }
0xe: {  	[smem:$0x3FB4] =	sst s6  }
0xf: {  	[smem:$0x3FB5] =	sst s7  }
0x10: {  	[smem:$0x3FB6] =	sst s8  }
0x11: {  	[smem:$0x3FB7] =	sst s9;
	s0 =	simm.s32 @!p0 $0x0  }
0x12: {  	s1 =	sld [smem:$0x3F9D];
	s0 =	simm.s32 @p0 $0x1  }
0x13: {  	[smem:$0x3FB8] =	sst s0;
	s0 =	simm.s32 @!p1 $0x0  }
0x14: {  	s2 =	sld [smem:$0x3F9C];
	s0 =	simm.s32 @p1 $0x1  }
0x15: {  	[smem:$0x3FB9] =	sst s0;
	s0 =	simm.s32 @!p2 $0x0  }
0x16: {  	s3 =	sld [smem:$0x3FDB];
	s0 =	simm.s32 @p2 $0x1  }
0x17: {  	s4 =	simm.s32 $0x1BF5;
	[smem:$0x3FBB] =	sst s0  }
0x18: {  	s0 =	sld [smem:$0x3F9E];
	_ =	swait.ge [sflag:s4], $0x0  }
0x19: {  	s7 =	sld [smem:$0x3F9F]  }
0x1a: {  	s8 =	sadd.s32 $0xFFFFE003, lr  }
0x1b: {  	s9 =	sadd.s32 $0xFFFFFEF7, lr;
	s5 =	simm.s32 $0xFFFFFFFF;
	p2 =	slt.u32 s8, $0xFFFFF086  }
0x1c: {  	p1 =	slt.u32 s9, $0xF7A;
	s5 =	simm.s32 @!p2 $0x0  }
0x1d: {  	s5 =	simm.s32 @p1 $0x1;
	p0 =	seq.s32 s7, s2  }
0x1e: {  	s7 =	smul.u32 @!p0 $0xF7A, s2;
	p2 =	seq.s32 @!p0 s5, $0x0  }
0x1f: {  	s9 =	smul.u32 $0xF7A, s1;
	s8 =	simm.s32 @!p0 $0x1BF5;
	p2 =	por !p2, p0  }
0x20: {  	[sflag:s8] =	ssyncset.s32 @!p0 $0xFFFFF086;
	s6 =	sadd.s32 @!p0 s3, s7;
	s7 =	simm.s32 @!p0 $0x108  }
0x21: {  	s3 =	sadd.s32 s3, s9;
	s6 =	sadd.s32 @!p0 $0x88, s6;
	s7 =	simm.s32 @p2 $0x1082  }
0x22: {  	[simem:s7], [sflag:s8] =	dma.local @!p0 [hbm:s6], $0xF7A  }
0x23: {  	s9 =	sor.u32 $0xD0000000, s2;
	s6 =	simm.s32 $0x108;
	_ =	swait.ge @!p0 [sflag:s8], $0x0  }
0x24: {  	s3 =	sadd.s32 $0x88, s3;
	s6 =	simm.s32 @!p1 $0x1082;
	[sflag:s4] =	ssyncset.s32 $0xFFFFF086  }
0x25: {  	[simem:s6], [sflag:s4] =	dma.local [hbm:s3], $0xF7A  }
0x26: {  	[smem:$0x3F9F] =	sst s1;
	(tag) =	ssettag s2;
	_ =	strace s9  }
0x27: {  	s1 =	sld [smem:$0x3FAF]  }
0x28: {  	s2 =	sld [smem:$0x3FB0]  }
0x29: {  	s4 =	sld [smem:$0x3FB2]  }
0x2a: {  	p0 =	seq.s32 s5, $0x0;
	s5 =	sld [smem:$0x3FB3]  }
0x2b: {  	s6 =	sld [smem:$0x3FB4]  }
0x2c: {  	s7 =	sld [smem:$0x3FB5]  }
0x2d: {  	s3 =	simm.s32 $0x108;
	s8 =	sld [smem:$0x3FB6]  }
0x2e: {  	s3 =	simm.s32 @!p0 $0x1082;
	s9 =	sld [smem:$0x3FB7]  }
0x2f: {  	lr =	sadd.s32 s0, s3;
	s0 =	sld [smem:$0x3FAE]  }
0x30: {  	s3 =	sld [smem:$0x3FB1]  }
0x31: {  	[smem:$0x3FBA] =	sst s10  }
0x32: {  	s10 =	sld [smem:$0x3FB8];
	_ =	sdelay $0x3  }
0x33: {  	p0 =	seq.s32 s10, $0x1;
	s10 =	sld [smem:$0x3FBA];
	_ =	sdelay $0x3  }
0x34: {  	[smem:$0x3FBA] =	sst s10  }
0x35: {  	s10 =	sld [smem:$0x3FB9];
	_ =	sdelay $0x3  }
0x36: {  	p1 =	seq.s32 s10, $0x1;
	s10 =	sld [smem:$0x3FBA];
	_ =	sdelay $0x3  }
0x37: {  	[smem:$0x3FBA] =	sst s10  }
0x38: {  	s10 =	sld [smem:$0x3FBB]  }
0x39: {  	_ = 	snop;
	(pc) =	sbr.ind lr, $3  }
0x3a: {  	_ = 	snop  }
0x3b: {  	_ = 	snop  }
0x3c: {  	p2 =	seq.s32 s10, $0x1;
	s10 =	sld [smem:$0x3FBA]  }
0x3d: {  	_ =	shalt  }
0x3e: {  	_ =	shalt  }
0x3f: {  	_ =	shalt  }
0x40: {  	_ =	shalt  }
0x41: {  	_ =	shalt  }
0x42: {  	_ =	shalt  }
0x43: {  	_ =	shalt  }
0x44: {  	_ =	shalt  }
0x45: {  	_ =	shalt  }
0x46: {  	_ =	shalt  }
0x47: {  	_ =	shalt  }
0x48: {  	_ =	shalt  }
0x49: {  	_ =	shalt  }
0x4a: {  	_ =	shalt  }
0x4b: {  	_ =	shalt  }
0x4c: {  	_ =	shalt  }
0x4d: {  	_ =	shalt  }
0x4e: {  	_ =	shalt  }
0x4f: {  	_ =	shalt  }
0x50: {  	_ =	shalt  }
0x51: {  	_ =	shalt  }
0x52: {  	_ =	shalt  }
0x53: {  	_ =	shalt  }
0x54: {  	_ =	shalt  }
0x55: {  	_ =	shalt  }
0x56: {  	_ =	shalt  }
0x57: {  	_ =	shalt  }
0x58: {  	_ =	shalt  }
0x59: {  	_ =	shalt  }
0x5a: {  	_ =	shalt  }
0x5b: {  	_ =	shalt  }
0x5c: {  	_ =	shalt  }
0x5d: {  	_ =	shalt  }
0x5e: {  	_ =	shalt  }
0x5f: {  	_ =	shalt  }
0x60: {  	_ =	shalt  }
0x61: {  	_ =	shalt  }
0x62: {  	_ =	shalt  }
0x63: {  	_ =	shalt  }
0x64: {  	_ =	shalt  }
0x65: {  	_ =	shalt  }
0x66: {  	_ =	shalt  }
0x67: {  	_ =	shalt  }
0x68: {  	_ =	shalt  }
0x69: {  	_ =	shalt  }
0x6a: {  	_ =	shalt  }
0x6b: {  	_ =	shalt  }
0x6c: {  	_ =	shalt  }
0x6d: {  	_ =	shalt  }
0x6e: {  	_ =	shalt  }
0x6f: {  	_ =	shalt  }
0x70: {  	_ =	shalt  }
0x71: {  	_ =	shalt  }
0x72: {  	_ =	shalt  }
0x73: {  	_ =	shalt  }
0x74: {  	_ =	shalt  }
0x75: {  	_ =	shalt  }
0x76: {  	_ =	shalt  }
0x77: {  	_ =	shalt  }
0x78: {  	_ =	shalt  }
0x79: {  	_ =	shalt  }
0x7a: {  	_ =	shalt  }
0x7b: {  	_ =	shalt  }
0x7c: {  	_ =	shalt  }
0x7d: {  	_ =	shalt  }
0x7e: {  	_ =	shalt  }
0x7f: {  	_ =	shalt  }
0x80: {  	_ =	shalt  }
0x81: {  	_ =	shalt  }
0x82: {  	_ =	shalt  }
0x83: {  	_ =	shalt  }
0x84: {  	_ =	shalt  }
0x85: {  	_ =	shalt  }
0x86: {  	_ =	shalt  }
0x87: {  	_ =	shalt  }
.Lfunc_end0:
.L_simem_size_0:
called_computation_lowered:
.L_overlay_start_0:
0x88: {  	s2 =	sld [smem:$0x3FD9]  }
0x89: {  	s3 =	sld [smem:$0x3FFE];
	_ =	sdelay $0x1  }
0x8a: {  	s1 =	srdreg.scid  }
0x8b: {  	s0 =	sand.u32 $0x1, s1  }
0x8c: {  	s17 =	sshll.u32 s0, $0xA;
	s2 =	sadd.s32 s3, s2  }
0x8d: {  	s2 =	sadd.s32 s2, s17  }
0x8e: {  	[smem:$0x3FC6] =	sst s2  }
0x8f: {  	_ = 	snop  }
0x90: {  	s2 =	sld [smem:$0x3FC8]  }
0x91: {  	s18 =	sld [smem:$0x3FD0];
	(tm) =	ssettm $0x1  }
0x92: {  	s4 =	sld [smem:$0x3FFB];
	_ =	sdelay $0x3  }
0x93: {  	_ =	strace s4  }
0x94: {  	s4 =	sld [smem:$0x3FFC];
	_ =	sdelay $0x3  }
0x95: {  	_ =	strace s4  }
0x96: {  	s4 =	sld [smem:$0x3FFD];
	_ =	sdelay $0x3  }
0x97: {  	_ =	strace s4  }
0x98: {  	_ =	strace $0x8FFFFFFF  }
0x99: {  	s19 =	sld [smem:$0x3FDB];
	_ =	sdelay $0x1  }
0x9a: {  	s5 =	simm.s32 $_scs_section_size  }
0x9b: {  	s6 =	simm.s32 $_size__tile_overlayer_lowered;
	s7 =	simm.s32 $_tile_overlayer_lowered  }
0x9c: {  	s22 =	simm.s32 $0x1BFF;
	s21 =	sshll.u32 s7, $0x1;
	s4 =	sadd.s32 s5, s19  }
0x9d: {  	s8 =	simm.s32 $0x0;
	s20 =	sshll.u32 s6, $0x1;
	s6 =	sadd.s32 s21, s4  }
0x9e: {  	[timem:s8], [sflag:s22] =	dma.local [hbm:s6], s20  }
0x9f: {  	_ =	swait.ge [sflag:s22], s20  }
0xa0: {  	s5 =	ssub.s32 $0x0, s20;
	[sflag:s22] =	ssyncset.done $0x0  }
0xa1: {  	[sflag:s22] =	ssyncadd.s32 s5;
	_ =	sdelay $0x1  }
0xa2: {  	s23 =	simm.s32 $0x1B8B  }
0xa3: {  	_ =	swait.ge [sflag:s23], $0x1  }
0xa4: {  	[sflag:s23] =	ssyncset.done $0x0  }
0xa5: {  	s25 =	simm.s32 $0x1B8E;
	s24 =	sld [smem:$0x3FFE];
	[sflag:s23] =	ssyncadd.s32 $0xFFFFFFFF  }
0xa6: {  	s26 =	simm.s32 $execute0_lowered;
	[smem:$0x3FD2] =	sst s25  }
0xa7: {  	s6 =	sshll.u32 s26, $0x1;
	_ =	strace $0x80000046;
	[dreg:$0x1] =	wrdreg $0xFFFFFFFF  }
0xa8: {  	s28 =	simm.s32 $_size_execute0_lowered;
	s4 =	sadd.s32 s4, s6;
	[dreg:$0x0] =	wrdreg $0x0  }
0xa9: {  	s6 =	sshll.u32 s28, $0x1;
	[dreg:$0x2] =	wrdreg s4  }
0xaa: {  	[dreg:$0x3] =	wrdreg s6  }
0xab: {  	[dreg:$0x4] =	wrdreg $0xC0  }
0xac: {  	_ =	task [dreg:s8], $0x5FFFF  }
0xad: {  	[dreg:$0x1] =	wrdreg $0xFFFFFFFF  }
0xae: {  	[dreg:$0x0] =	wrdreg $0x60  }
0xaf: {  	[dreg:$0x2] =	wrdreg s2  }
0xb0: {  	[dreg:$0x3] =	wrdreg s24  }
0xb1: {  	[dreg:$0x4] =	wrdreg s18  }
0xb2: {  	[dreg:$0x5] =	wrdreg $0x9  }
0xb3: {  	_ =	task.clear_ibuf [dreg:s8], $0x6FFFF;
	_ =	strace $0x90000046  }
0xb4: {  	s29 =	simm.s32 $0x9;
	_ =	strace $0x80000048  }
0xb5: {  	_ =	swait.ge [sflag:s29], $0x1  }
0xb6: {  	[sflag:s29] =	ssyncadd.s32 $0xFFFFFFFF  }
0xb7: {  	_ =	strace $0x90000048  }
0xb8: {  	_ =	sfence  }
0xb9: {  	s30 =	sld [smem:$0x0];
	_ =	sdelay $0x2  }
0xba: {  	s31 =	sshll.u32 s1, $0xD;
	s1 =	sshrl.u32 s1, $0x2  }
0xbb: {  	s3 =	sand.u32 $0x4000, s31;
	s1 =	sadd.s32 s1, s30  }
0xbc: {  	s0 =	sor.u32 s3, s0;
	s1 =	sshll.u32 s1, $0x11  }
0xbd: {  	s0 =	sor.u32 s1, s0  }
0xbe: {  	s0 =	sadd.s32 $0x8F2B, s0  }
0xbf: {  	[sflag:s0] =	ssyncadd.remote.s32 $0x1  }
0xc0: {  	_ =	sfence.sel $0xFFFF  }
0xc1: {  	[dreg:$0x0] =	wrdreg $0xFFFFFFFF;
	(pc) =	sbr.abs _section_cstart, $3  }
0xc2: {  	[dreg:$0x1] =	wrdreg $0xFFFFFFFF  }
0xc3: {  	_ =	task.clear_ibuf [dreg:s8], $0x2FFFF;
	_ =	strace $0x9FFFFFFF  }
0xc4: {  	(tm) =	ssettm $0x7FFFFFFF  }
0xc5: {  	_ =	shalt  }
tec
execute0_lowered:
.L_overlay_start_1:
0x0: {  	(tag) =	ssettag $0x1  }
0x1: {  	s1 =	rddreg [dreg:$0x0]  }
0x2: {  	s0 =	rddreg [dreg:$0x1];
	s2 =	srdreg.scid  }
0x3: {  	s3 =	stileid.u32;
	s5 =	rddreg [dreg:$0x2];
	s15 =	simm.s32 $0x40  }
0x4: {  	s14 =	simm.s32 $0xA;
	s7 =	simm.s32 $0xB;
	s8 =	simm.s32 $0xC  }
0x5: {  	s9 =	simm.s32 $0xD;
	s10 =	simm.s32 $0xE;
	s11 =	simm.s32 $0xF  }
0x6: {  	s13 =	simm.s32 $0x10;
	s16 =	simm.s32 $0x11;
	s17 =	simm.s32 $0x12  }
0x7: {  	s19 =	simm.s32 $0x13;
	s21 =	simm.s32 $0x14;
	s12 =	simm.s32 $0x13C00  }
0x8: {  	s2 =	sand.u32 $0x1, s2;
	s4 =	sshll.u32 s3, $0x1;
	s3 =	simm.s32 $0x0  }
0x9: {  	s24 =	sadd.s32 $0x2D0000, s5;
	s25 =	sadd.s32 $0x2E0000, s5;
	[smem:$0x7FF] =	sst s3  }
0xa: {  	s26 =	sadd.s32 $0x2F0000, s5;
	_ =	strace $0x80000047;
	[dreg:$0x5] =	wrdreg s24  }
0xb: {  	s28 =	sadd.s32 $0x300000, s5;
	s29 =	sadd.s32 $0x310000, s5;
	[dreg:$0x6] =	wrdreg s25  }
0xc: {  	s4 =	sor.u32 s2, s4;
	s2 =	ssub.s32 $0x2, s2;
	[dreg:$0x7] =	wrdreg s26  }
0xd: {  	s6 =	smul.u32 $0x380, s4;
	s23 =	sshrl.u32 s2, $0x1;
	[dreg:$0x8] =	wrdreg s28  }
0xe: {  	s31 =	sadd.s32 $0x40000, s5;
	[dreg:$0x9] =	wrdreg s29;
	s2 =	ssub.s32 s2, s23  }
0xf: {  	[dreg:$0xb] =	wrdreg s31;
	s0 =	sadd.s32 s6, s0;
	s30 =	smax.u32 s2, $0x1  }
0x10: {  	s4 =	sshll.u32 s4, $0xB;
	s0 =	sadd.s32 $0x400, s0;
	[dreg:$0xa] =	wrdreg s30  }
0x11: {  	s6 =	sor.u32 $0x400, s4;
	[dreg:$0x4] =	wrdreg s0;
	s0 =	simm.s32 $0x0  }
.LBB2_1:
0x12: {  	[dreg:$0xc] =	wrdreg s0  }
0x13: {  	s2 =	rddreg [dreg:$0x4];
	s24 =	simm.s32 $0x15  }
0x14: {  	[tilespmem:s3], [sflag:$0x15] =	stream.linear.gather [hbm4b:s2+s3], $0x1900, $0x38;
	[tilespmem:$0x15C00] =	vst v63  }
0x15: {  	_ =	swait.ge [sflag:s24], $0x1900  }
0x16: {  	[sflag:s24] =	ssyncset.done $0x0  }
0x17: {  	s18 =	simm.s32 $0x1C00;
	[sflag:s24] =	ssyncadd.s32 $0xFFFFE700  }
0x18: {  	[tilespmem:s18], [sflag:$0x1] =	stream.indirect.gather [hbm4b:s1+s15], $0x80, s3, s15, $0xb8;
	[tilespmem:$0x15C00] =	vst v63  }
0x19: {  	s20 =	simm.s32 $0x3C00  }
0x1a: {  	[tilespmem:s20], [sflag:$0x2] =	stream.indirect.gather [hbm4b:s1+s15], $0x80, s15, s15, $0xb8;
	[tilespmem:$0x15C00] =	vst v63  }
0x1b: {  	s25 =	simm.s32 $0x80;
	s22 =	simm.s32 $0x5C00  }
0x1c: {  	[tilespmem:s22], [sflag:$0x3] =	stream.indirect.gather [hbm4b:s1+s15], $0x80, s25, s15, $0xb8;
	[tilespmem:$0x15C00] =	vst v63  }
0x1d: {  	s26 =	simm.s32 $0xC0;
	s24 =	simm.s32 $0x7C00  }
0x1e: {  	[tilespmem:s24], [sflag:$0x4] =	stream.indirect.gather [hbm4b:s1+s15], $0x80, s26, s15, $0xb8;
	[tilespmem:$0x15C00] =	vst v63  }
0x1f: {  	s29 =	simm.s32 $0x100;
	s26 =	simm.s32 $0x9C00  }
0x20: {  	[tilespmem:s26], [sflag:$0x5] =	stream.indirect.gather [hbm4b:s1+s15], $0x80, s29, s15, $0xb8;
	[tilespmem:$0x15C00] =	vst v63  }
0x21: {  	s30 =	simm.s32 $0x140;
	s28 =	simm.s32 $0xBC00  }
0x22: {  	[tilespmem:s28], [sflag:$0x6] =	stream.indirect.gather [hbm4b:s1+s15], $0x80, s30, s15, $0xb8;
	[tilespmem:$0x15C00] =	vst v63  }
0x23: {  	s31 =	simm.s32 $0x180;
	s29 =	simm.s32 $0xDC00  }
0x24: {  	[tilespmem:s29], [sflag:$0x7] =	stream.indirect.gather [hbm4b:s1+s15], $0x80, s31, s15, $0xb8;
	[tilespmem:$0x15C00] =	vst v63  }
0x25: {  	s0 =	simm.s32 $0x1C0;
	s30 =	simm.s32 $0xFC00  }
0x26: {  	[tilespmem:s30], [sflag:$0x8] =	stream.indirect.gather [hbm4b:s1+s15], $0x80, s0, s15, $0xb8;
	[tilespmem:$0x15C00] =	vst v63  }
0x27: {  	s5 =	simm.s32 $0x200;
	s31 =	simm.s32 $0x11C00  }
0x28: {  	[tilespmem:s31], [sflag:$0x9] =	stream.indirect.gather [hbm4b:s1+s15], $0x80, s5, s15, $0xb8;
	[tilespmem:$0x15C00] =	vst v63  }
0x29: {  	s23 =	simm.s32 $0x240;
	s25 =	simm.s32 $0x1;
	s5 =	simm.s32 $0x13C00  }
0x2a: {  	[tilespmem:s5], [sflag:$0xA] =	stream.indirect.gather [hbm4b:s1+s15], $0x80, s23, s15, $0xb8;
	[tilespmem:$0x15C00] =	vst v63  }
0x2b: {  	_ =	swait.ge [sflag:s25], $0x2000  }
0x2c: {  	s2 =	rddreg [dreg:$0xb]  }
0x2d: {  	[sflag:s25] =	ssyncset.done $0x0;
	s23 =	sadd.s32 $0xFFFC0000, s2  }
0x2e: {  	[sflag:s25] =	ssyncadd.s32 $0xFFFFE000;
	s25 =	sadd.s32 s4, s23  }
0x2f: {  	[hbm4b:s25+s3] =	stream.linear.scatter [tilespmem:s18], [sflag:$0xB], $0x2000, $0x38;
	[tilespmem:$0x15C00] =	vst v63  }
0x30: {  	s25 =	simm.s32 $0x2  }
0x31: {  	_ =	swait.ge [sflag:s25], $0x2000  }
0x32: {  	[sflag:s25] =	ssyncset.done $0x0  }
0x33: {  	s23 =	sadd.s32 s6, s23;
	[sflag:s25] =	ssyncadd.s32 $0xFFFFE000;
	s25 =	simm.s32 $0x3  }
0x34: {  	[hbm4b:s23+s3] =	stream.linear.scatter [tilespmem:s20], [sflag:$0xC], $0x2000, $0x38;
	[tilespmem:$0x15C00] =	vst v63  }
0x35: {  	_ =	swait.ge [sflag:s25], $0x2000  }
0x36: {  	s23 =	sadd.s32 $0xFFFD0000, s2;
	[sflag:s25] =	ssyncset.done $0x0  }
0x37: {  	s0 =	sadd.s32 s4, s23;
	[sflag:s25] =	ssyncadd.s32 $0xFFFFE000;
	s25 =	simm.s32 $0x4  }
0x38: {  	[hbm4b:s0+s3] =	stream.linear.scatter [tilespmem:s22], [sflag:$0xD], $0x2000, $0x38;
	[tilespmem:$0x15C00] =	vst v63  }
0x39: {  	_ =	swait.ge [sflag:s25], $0x2000  }
0x3a: {  	[sflag:s25] =	ssyncset.done $0x0  }
0x3b: {  	s23 =	sadd.s32 s6, s23;
	[sflag:s25] =	ssyncadd.s32 $0xFFFFE000;
	s25 =	simm.s32 $0x5  }
0x3c: {  	[hbm4b:s23+s3] =	stream.linear.scatter [tilespmem:s24], [sflag:$0xE], $0x2000, $0x38;
	[tilespmem:$0x15C00] =	vst v63  }
0x3d: {  	_ =	swait.ge [sflag:s25], $0x2000  }
0x3e: {  	s23 =	sadd.s32 $0xFFFE0000, s2;
	[sflag:s25] =	ssyncset.done $0x0  }
0x3f: {  	s0 =	sadd.s32 s4, s23;
	[sflag:s25] =	ssyncadd.s32 $0xFFFFE000;
	s25 =	simm.s32 $0x6  }
0x40: {  	[hbm4b:s0+s3] =	stream.linear.scatter [tilespmem:s26], [sflag:$0xF], $0x2000, $0x38;
	[tilespmem:$0x15C00] =	vst v63  }
0x41: {  	_ =	swait.ge [sflag:s25], $0x2000  }
0x42: {  	[sflag:s25] =	ssyncset.done $0x0  }
0x43: {  	s23 =	sadd.s32 s6, s23;
	[sflag:s25] =	ssyncadd.s32 $0xFFFFE000;
	s25 =	simm.s32 $0x7  }
0x44: {  	[hbm4b:s23+s3] =	stream.linear.scatter [tilespmem:s28], [sflag:$0x10], $0x2000, $0x38;
	[tilespmem:$0x15C00] =	vst v63  }
0x45: {  	_ =	swait.ge [sflag:s25], $0x2000  }
0x46: {  	s23 =	sadd.s32 $0xFFFF0000, s2;
	[sflag:s25] =	ssyncset.done $0x0  }
0x47: {  	s0 =	sadd.s32 s4, s23;
	[sflag:s25] =	ssyncadd.s32 $0xFFFFE000;
	s25 =	simm.s32 $0x8  }
0x48: {  	[hbm4b:s0+s3] =	stream.linear.scatter [tilespmem:s29], [sflag:$0x11], $0x2000, $0x38;
	[tilespmem:$0x15C00] =	vst v63  }
0x49: {  	_ =	swait.ge [sflag:s25], $0x2000  }
0x4a: {  	[sflag:s25] =	ssyncset.done $0x0  }
0x4b: {  	s23 =	sadd.s32 s6, s23;
	[sflag:s25] =	ssyncadd.s32 $0xFFFFE000  }
0x4c: {  	[hbm4b:s23+s3] =	stream.linear.scatter [tilespmem:s30], [sflag:$0x12], $0x2000, $0x38;
	[tilespmem:$0x15C00] =	vst v63  }
0x4d: {  	s23 =	simm.s32 $0x9  }
0x4e: {  	_ =	swait.ge [sflag:s23], $0x2000  }
0x4f: {  	[sflag:s23] =	ssyncset.done $0x0  }
0x50: {  	s25 =	sadd.s32 s4, s2;
	[sflag:s23] =	ssyncadd.s32 $0xFFFFE000  }
0x51: {  	[hbm4b:s25+s3] =	stream.linear.scatter [tilespmem:s31], [sflag:$0x13], $0x2000, $0x38;
	[tilespmem:$0x15C00] =	vst v63  }
0x52: {  	_ =	swait.ge [sflag:s14], $0x2000  }
0x53: {  	[sflag:s14] =	ssyncset.done $0x0  }
0x54: {  	s0 =	sadd.s32 s6, s2;
	[sflag:s14] =	ssyncadd.s32 $0xFFFFE000  }
0x55: {  	[hbm4b:s0+s3] =	stream.linear.scatter [tilespmem:s5], [sflag:$0x14], $0x2000, $0x38;
	[tilespmem:$0x15C00] =	vst v63  }
0x56: {  	_ =	swait.ge [sflag:s7], $0x2000  }
0x57: {  	[sflag:s7] =	ssyncset.done $0x0  }
0x58: {  	s5 =	simm.s32 $0x280;
	[sflag:s7] =	ssyncadd.s32 $0xFFFFE000  }
0x59: {  	[tilespmem:s18], [sflag:$0x1] =	stream.indirect.gather [hbm4b:s1+s15], $0x80, s5, s15, $0xb8;
	[tilespmem:$0x15C00] =	vst v63  }
0x5a: {  	_ =	swait.ge [sflag:s8], $0x2000  }
0x5b: {  	[sflag:s8] =	ssyncset.done $0x0  }
0x5c: {  	s18 =	simm.s32 $0x2C0;
	[sflag:s8] =	ssyncadd.s32 $0xFFFFE000  }
0x5d: {  	[tilespmem:s20], [sflag:$0x2] =	stream.indirect.gather [hbm4b:s1+s15], $0x80, s18, s15, $0xb8;
	[tilespmem:$0x15C00] =	vst v63  }
0x5e: {  	_ =	swait.ge [sflag:s9], $0x2000  }
0x5f: {  	[sflag:s9] =	ssyncset.done $0x0  }
0x60: {  	s20 =	simm.s32 $0x300;
	[sflag:s9] =	ssyncadd.s32 $0xFFFFE000  }
0x61: {  	[tilespmem:s22], [sflag:$0x3] =	stream.indirect.gather [hbm4b:s1+s15], $0x80, s20, s15, $0xb8;
	[tilespmem:$0x15C00] =	vst v63  }
0x62: {  	_ =	swait.ge [sflag:s10], $0x2000  }
0x63: {  	[sflag:s10] =	ssyncset.done $0x0  }
0x64: {  	s22 =	simm.s32 $0x340;
	[sflag:s10] =	ssyncadd.s32 $0xFFFFE000  }
0x65: {  	[tilespmem:s24], [sflag:$0x4] =	stream.indirect.gather [hbm4b:s1+s15], $0x80, s22, s15, $0xb8;
	[tilespmem:$0x15C00] =	vst v63  }
0x66: {  	_ =	swait.ge [sflag:s11], $0x2000  }
0x67: {  	[sflag:s11] =	ssyncset.done $0x0  }
0x68: {  	s24 =	simm.s32 $0x380;
	[sflag:s11] =	ssyncadd.s32 $0xFFFFE000  }
0x69: {  	[tilespmem:s26], [sflag:$0x5] =	stream.indirect.gather [hbm4b:s1+s15], $0x80, s24, s15, $0xb8;
	[tilespmem:$0x15C00] =	vst v63  }
0x6a: {  	_ =	swait.ge [sflag:s13], $0x2000  }
0x6b: {  	[sflag:s13] =	ssyncset.done $0x0  }
0x6c: {  	s25 =	simm.s32 $0x3C0;
	[sflag:s13] =	ssyncadd.s32 $0xFFFFE000  }
0x6d: {  	[tilespmem:s28], [sflag:$0x6] =	stream.indirect.gather [hbm4b:s1+s15], $0x80, s25, s15, $0xb8;
	[tilespmem:$0x15C00] =	vst v63  }
0x6e: {  	_ =	swait.ge [sflag:s16], $0x2000  }
0x6f: {  	[sflag:s16] =	ssyncset.done $0x0  }
0x70: {  	s26 =	simm.s32 $0x400;
	[sflag:s16] =	ssyncadd.s32 $0xFFFFE000  }
0x71: {  	[tilespmem:s29], [sflag:$0x7] =	stream.indirect.gather [hbm4b:s1+s15], $0x80, s26, s15, $0xb8;
	[tilespmem:$0x15C00] =	vst v63  }
0x72: {  	_ =	swait.ge [sflag:s17], $0x2000  }
0x73: {  	[sflag:s17] =	ssyncset.done $0x0  }
0x74: {  	s29 =	simm.s32 $0x440;
	[sflag:s17] =	ssyncadd.s32 $0xFFFFE000  }
0x75: {  	[tilespmem:s30], [sflag:$0x8] =	stream.indirect.gather [hbm4b:s1+s15], $0x80, s29, s15, $0xb8;
	[tilespmem:$0x15C00] =	vst v63  }
0x76: {  	_ =	swait.ge [sflag:s19], $0x2000  }
0x77: {  	[sflag:s19] =	ssyncset.done $0x0  }
0x78: {  	s30 =	simm.s32 $0x480;
	[sflag:s19] =	ssyncadd.s32 $0xFFFFE000  }
0x79: {  	[tilespmem:s31], [sflag:$0x9] =	stream.indirect.gather [hbm4b:s1+s15], $0x80, s30, s15, $0xb8;
	[tilespmem:$0x15C00] =	vst v63  }
0x7a: {  	_ =	swait.ge [sflag:s21], $0x2000  }
0x7b: {  	s23 =	simm.s32 $0xA00;
	[sflag:s21] =	ssyncset.done $0x0  }
0x7c: {  	s28 =	simm.s32 $0x4C0;
	s25 =	sadd.s32 $0x50000, s2;
	[sflag:s21] =	ssyncadd.s32 $0xFFFFE000  }
.LBB2_2:
0x7d: {  	[tilespmem:s12], [sflag:$0xA] =	stream.indirect.gather [hbm4b:s1+s15], $0x80, s28, s15, $0xb8;
	[tilespmem:$0x15C00] =	vst v63  }
0x7e: {  	s28 =	smov.u32 s23;
	s0 =	simm.s32 $0x1  }
0x7f: {  	p0 =	sne.s32 s23, $0x5000;
	s23 =	sadd.s32 $0xA00, s23;
	_ =	swait.ge [sflag:s0], $0x2000  }
0x80: {  	s30 =	sadd.s32 $0xFFFC0000, s25;
	s18 =	simm.s32 $0x1C00;
	[sflag:s0] =	ssyncset.done $0x0  }
0x81: {  	s2 =	sadd.s32 s4, s30;
	[sflag:s0] =	ssyncadd.s32 $0xFFFFE000;
	s0 =	simm.s32 $0x2  }
0x82: {  	[hbm4b:s2+s3] =	stream.linear.scatter [tilespmem:s18], [sflag:$0xB], $0x2000, $0x38;
	[tilespmem:$0x15C00] =	vst v63  }
0x83: {  	_ =	swait.ge [sflag:s0], $0x2000  }
0x84: {  	s20 =	simm.s32 $0x3C00;
	[sflag:s0] =	ssyncset.done $0x0  }
0x85: {  	s2 =	sadd.s32 s6, s30;
	[sflag:s0] =	ssyncadd.s32 $0xFFFFE000;
	s0 =	simm.s32 $0x3  }
0x86: {  	[hbm4b:s2+s3] =	stream.linear.scatter [tilespmem:s20], [sflag:$0xC], $0x2000, $0x38;
	[tilespmem:$0x15C00] =	vst v63  }
0x87: {  	_ =	swait.ge [sflag:s0], $0x2000  }
0x88: {  	s22 =	simm.s32 $0x5C00;
	s2 =	sadd.s32 $0xFFFD0000, s25;
	[sflag:s0] =	ssyncset.done $0x0  }
0x89: {  	s30 =	sadd.s32 s4, s2;
	[sflag:s0] =	ssyncadd.s32 $0xFFFFE000;
	s0 =	simm.s32 $0x4  }
0x8a: {  	[hbm4b:s30+s3] =	stream.linear.scatter [tilespmem:s22], [sflag:$0xD], $0x2000, $0x38;
	[tilespmem:$0x15C00] =	vst v63  }
0x8b: {  	_ =	swait.ge [sflag:s0], $0x2000  }
0x8c: {  	s24 =	simm.s32 $0x7C00;
	[sflag:s0] =	ssyncset.done $0x0  }
0x8d: {  	s2 =	sadd.s32 s6, s2;
	[sflag:s0] =	ssyncadd.s32 $0xFFFFE000;
	s0 =	simm.s32 $0x5  }
0x8e: {  	[hbm4b:s2+s3] =	stream.linear.scatter [tilespmem:s24], [sflag:$0xE], $0x2000, $0x38;
	[tilespmem:$0x15C00] =	vst v63  }
0x8f: {  	_ =	swait.ge [sflag:s0], $0x2000  }
0x90: {  	s26 =	simm.s32 $0x9C00;
	s2 =	sadd.s32 $0xFFFE0000, s25;
	[sflag:s0] =	ssyncset.done $0x0  }
0x91: {  	s30 =	sadd.s32 s4, s2;
	[sflag:s0] =	ssyncadd.s32 $0xFFFFE000;
	s0 =	simm.s32 $0x6  }
0x92: {  	[hbm4b:s30+s3] =	stream.linear.scatter [tilespmem:s26], [sflag:$0xF], $0x2000, $0x38;
	[tilespmem:$0x15C00] =	vst v63  }
0x93: {  	_ =	swait.ge [sflag:s0], $0x2000  }
0x94: {  	s29 =	simm.s32 $0xBC00;
	[sflag:s0] =	ssyncset.done $0x0  }
0x95: {  	s2 =	sadd.s32 s6, s2;
	[sflag:s0] =	ssyncadd.s32 $0xFFFFE000;
	s0 =	simm.s32 $0x7  }
0x96: {  	[hbm4b:s2+s3] =	stream.linear.scatter [tilespmem:s29], [sflag:$0x10], $0x2000, $0x38;
	[tilespmem:$0x15C00] =	vst v63  }
0x97: {  	_ =	swait.ge [sflag:s0], $0x2000  }
0x98: {  	s31 =	simm.s32 $0xDC00;
	s2 =	sadd.s32 $0xFFFF0000, s25;
	[sflag:s0] =	ssyncset.done $0x0  }
0x99: {  	s30 =	sadd.s32 s4, s2;
	[sflag:s0] =	ssyncadd.s32 $0xFFFFE000;
	s0 =	simm.s32 $0x8  }
0x9a: {  	[hbm4b:s30+s3] =	stream.linear.scatter [tilespmem:s31], [sflag:$0x11], $0x2000, $0x38;
	[tilespmem:$0x15C00] =	vst v63  }
0x9b: {  	_ =	swait.ge [sflag:s0], $0x2000  }
0x9c: {  	[sflag:s0] =	ssyncset.done $0x0  }
0x9d: {  	s2 =	sadd.s32 s6, s2;
	[sflag:s0] =	ssyncadd.s32 $0xFFFFE000;
	s0 =	simm.s32 $0xFC00  }
0x9e: {  	[hbm4b:s2+s3] =	stream.linear.scatter [tilespmem:s0], [sflag:$0x12], $0x2000, $0x38;
	[tilespmem:$0x15C00] =	vst v63  }
0x9f: {  	s2 =	simm.s32 $0x9  }
0xa0: {  	_ =	swait.ge [sflag:s2], $0x2000  }
0xa1: {  	[sflag:s2] =	ssyncset.done $0x0  }
0xa2: {  	s5 =	simm.s32 $0x11C00;
	[sflag:s2] =	ssyncadd.s32 $0xFFFFE000;
	s2 =	sadd.s32 s4, s25  }
0xa3: {  	[hbm4b:s2+s3] =	stream.linear.scatter [tilespmem:s5], [sflag:$0x13], $0x2000, $0x38;
	[tilespmem:$0x15C00] =	vst v63  }
0xa4: {  	_ =	swait.ge [sflag:s14], $0x2000  }
0xa5: {  	[sflag:s14] =	ssyncset.done $0x0  }
0xa6: {  	s2 =	sadd.s32 s6, s25;
	[sflag:s14] =	ssyncadd.s32 $0xFFFFE000  }
0xa7: {  	[hbm4b:s2+s3] =	stream.linear.scatter [tilespmem:s12], [sflag:$0x14], $0x2000, $0x38;
	[tilespmem:$0x15C00] =	vst v63  }
0xa8: {  	_ =	swait.ge [sflag:s7], $0x2000  }
0xa9: {  	s28 =	sshra.s32 s28, $0x2;
	[sflag:s7] =	ssyncset.done $0x0  }
0xaa: {  	s30 =	simm.s32 $0x1C00;
	s2 =	sadd.s32 $0x280, s28;
	[sflag:s7] =	ssyncadd.s32 $0xFFFFE000  }
0xab: {  	[tilespmem:s18], [sflag:$0x1] =	stream.indirect.gather [hbm4b:s1+s15], $0x80, s2, s15, $0xb8;
	[tilespmem:$0x15C00] =	vst v63  }
0xac: {  	_ =	swait.ge [sflag:s8], $0x2000  }
0xad: {  	[sflag:s8] =	ssyncset.done $0x0  }
0xae: {  	s2 =	sadd.s32 $0x2C0, s28;
	s18 =	simm.s32 $0x3C00;
	[sflag:s8] =	ssyncadd.s32 $0xFFFFE000  }
0xaf: {  	[tilespmem:s20], [sflag:$0x2] =	stream.indirect.gather [hbm4b:s1+s15], $0x80, s2, s15, $0xb8;
	[tilespmem:$0x15C00] =	vst v63  }
0xb0: {  	_ =	swait.ge [sflag:s9], $0x2000  }
0xb1: {  	[sflag:s9] =	ssyncset.done $0x0  }
0xb2: {  	s2 =	sadd.s32 $0x300, s28;
	s20 =	simm.s32 $0x5C00;
	[sflag:s9] =	ssyncadd.s32 $0xFFFFE000  }
0xb3: {  	[tilespmem:s22], [sflag:$0x3] =	stream.indirect.gather [hbm4b:s1+s15], $0x80, s2, s15, $0xb8;
	[tilespmem:$0x15C00] =	vst v63  }
0xb4: {  	_ =	swait.ge [sflag:s10], $0x2000  }
0xb5: {  	[sflag:s10] =	ssyncset.done $0x0  }
0xb6: {  	s2 =	sadd.s32 $0x340, s28;
	s22 =	simm.s32 $0x7C00;
	[sflag:s10] =	ssyncadd.s32 $0xFFFFE000  }
0xb7: {  	[tilespmem:s24], [sflag:$0x4] =	stream.indirect.gather [hbm4b:s1+s15], $0x80, s2, s15, $0xb8;
	[tilespmem:$0x15C00] =	vst v63  }
0xb8: {  	_ =	swait.ge [sflag:s11], $0x2000  }
0xb9: {  	[sflag:s11] =	ssyncset.done $0x0  }
0xba: {  	s2 =	sadd.s32 $0x380, s28;
	s24 =	simm.s32 $0x9C00;
	[sflag:s11] =	ssyncadd.s32 $0xFFFFE000  }
0xbb: {  	[tilespmem:s26], [sflag:$0x5] =	stream.indirect.gather [hbm4b:s1+s15], $0x80, s2, s15, $0xb8;
	[tilespmem:$0x15C00] =	vst v63  }
0xbc: {  	_ =	swait.ge [sflag:s13], $0x2000  }
0xbd: {  	[sflag:s13] =	ssyncset.done $0x0  }
0xbe: {  	s2 =	sadd.s32 $0x3C0, s28;
	s26 =	simm.s32 $0xBC00;
	[sflag:s13] =	ssyncadd.s32 $0xFFFFE000  }
0xbf: {  	[tilespmem:s29], [sflag:$0x6] =	stream.indirect.gather [hbm4b:s1+s15], $0x80, s2, s15, $0xb8;
	[tilespmem:$0x15C00] =	vst v63  }
0xc0: {  	_ =	swait.ge [sflag:s16], $0x2000  }
0xc1: {  	[sflag:s16] =	ssyncset.done $0x0  }
0xc2: {  	s2 =	sadd.s32 $0x400, s28;
	s29 =	simm.s32 $0xDC00;
	[sflag:s16] =	ssyncadd.s32 $0xFFFFE000  }
0xc3: {  	[tilespmem:s31], [sflag:$0x7] =	stream.indirect.gather [hbm4b:s1+s15], $0x80, s2, s15, $0xb8;
	[tilespmem:$0x15C00] =	vst v63  }
0xc4: {  	_ =	swait.ge [sflag:s17], $0x2000  }
0xc5: {  	[sflag:s17] =	ssyncset.done $0x0  }
0xc6: {  	s2 =	sadd.s32 $0x440, s28;
	s31 =	simm.s32 $0xFC00;
	[sflag:s17] =	ssyncadd.s32 $0xFFFFE000  }
0xc7: {  	[tilespmem:s0], [sflag:$0x8] =	stream.indirect.gather [hbm4b:s1+s15], $0x80, s2, s15, $0xb8;
	[tilespmem:$0x15C00] =	vst v63  }
0xc8: {  	_ =	swait.ge [sflag:s19], $0x2000  }
0xc9: {  	s2 =	sadd.s32 $0x480, s28;
	[sflag:s19] =	ssyncset.done $0x0  }
.Ltmp0:
0xca: {  	s0 =	simm.s32 $0x11C00;
	[sflag:s19] =	ssyncadd.s32 $0xFFFFE000;
	(pc) =	sbr.rel @p0 .LBB2_2-.Ltmp0, $4  }
0xcb: {  	[tilespmem:s5], [sflag:$0x9] =	stream.indirect.gather [hbm4b:s1+s15], $0x80, s2, s15, $0xb8;
	[tilespmem:$0x15C00] =	vst v63  }
0xcc: {  	_ =	swait.ge [sflag:s21], $0x2000  }
0xcd: {  	[sflag:s21] =	ssyncset.done $0x0  }
0xce: {  	s25 =	sadd.s32 $0x50000, s25;
	s28 =	sadd.s32 $0x4C0, s28;
	[sflag:s21] =	ssyncadd.s32 $0xFFFFE000  }
0xcf: {  	s5 =	simm.s32 $0x13C00;
	s2 =	simm.s32 $0x1  }
0xd0: {  	[tilespmem:s5], [sflag:$0xA] =	stream.indirect.gather [hbm4b:s1+s15], $0x80, s28, s15, $0xb8;
	[tilespmem:$0x15C00] =	vst v63  }
0xd1: {  	_ =	swait.ge [sflag:s2], $0x2000  }
0xd2: {  	[sflag:s2] =	ssyncset.done $0x0;
	s23 =	rddreg [dreg:$0x5]  }
0xd3: {  	s25 =	simm.s32 $0x2;
	[sflag:s2] =	ssyncadd.s32 $0xFFFFE000;
	s28 =	sadd.s32 s4, s23  }
0xd4: {  	[hbm4b:s28+s3] =	stream.linear.scatter [tilespmem:s30], [sflag:$0xB], $0x2000, $0x38;
	[tilespmem:$0x15C00] =	vst v63  }
0xd5: {  	_ =	swait.ge [sflag:s25], $0x2000  }
0xd6: {  	[sflag:s25] =	ssyncset.done $0x0  }
0xd7: {  	s28 =	sadd.s32 s6, s23;
	s30 =	simm.s32 $0x3;
	[sflag:s25] =	ssyncadd.s32 $0xFFFFE000  }
0xd8: {  	[hbm4b:s28+s3] =	stream.linear.scatter [tilespmem:s18], [sflag:$0xC], $0x2000, $0x38;
	[tilespmem:$0x15C00] =	vst v63  }
0xd9: {  	_ =	swait.ge [sflag:s30], $0x2000  }
0xda: {  	[sflag:s30] =	ssyncset.done $0x0;
	s18 =	rddreg [dreg:$0x6]  }
0xdb: {  	s28 =	simm.s32 $0x4;
	[sflag:s30] =	ssyncadd.s32 $0xFFFFE000;
	s25 =	sadd.s32 s4, s18  }
0xdc: {  	[hbm4b:s25+s3] =	stream.linear.scatter [tilespmem:s20], [sflag:$0xD], $0x2000, $0x38;
	[tilespmem:$0x15C00] =	vst v63  }
0xdd: {  	_ =	swait.ge [sflag:s28], $0x2000  }
0xde: {  	[sflag:s28] =	ssyncset.done $0x0  }
0xdf: {  	s30 =	sadd.s32 s6, s18;
	s18 =	simm.s32 $0x5;
	[sflag:s28] =	ssyncadd.s32 $0xFFFFE000  }
0xe0: {  	[hbm4b:s30+s3] =	stream.linear.scatter [tilespmem:s22], [sflag:$0xE], $0x2000, $0x38;
	[tilespmem:$0x15C00] =	vst v63  }
0xe1: {  	_ =	swait.ge [sflag:s18], $0x2000  }
0xe2: {  	[sflag:s18] =	ssyncset.done $0x0;
	s20 =	rddreg [dreg:$0x7]  }
0xe3: {  	s25 =	simm.s32 $0x6;
	[sflag:s18] =	ssyncadd.s32 $0xFFFFE000;
	s22 =	sadd.s32 s4, s20  }
0xe4: {  	[hbm4b:s22+s3] =	stream.linear.scatter [tilespmem:s24], [sflag:$0xF], $0x2000, $0x38;
	[tilespmem:$0x15C00] =	vst v63  }
0xe5: {  	_ =	swait.ge [sflag:s25], $0x2000  }
0xe6: {  	[sflag:s25] =	ssyncset.done $0x0  }
0xe7: {  	s30 =	simm.s32 $0x7;
	s28 =	sadd.s32 s6, s20;
	[sflag:s25] =	ssyncadd.s32 $0xFFFFE000  }
0xe8: {  	[hbm4b:s28+s3] =	stream.linear.scatter [tilespmem:s26], [sflag:$0x10], $0x2000, $0x38;
	[tilespmem:$0x15C00] =	vst v63  }
0xe9: {  	_ =	swait.ge [sflag:s30], $0x2000  }
0xea: {  	[sflag:s30] =	ssyncset.done $0x0;
	s18 =	rddreg [dreg:$0x8]  }
0xeb: {  	s22 =	simm.s32 $0x8;
	[sflag:s30] =	ssyncadd.s32 $0xFFFFE000;
	s20 =	sadd.s32 s4, s18  }
0xec: {  	[hbm4b:s20+s3] =	stream.linear.scatter [tilespmem:s29], [sflag:$0x11], $0x2000, $0x38;
	[tilespmem:$0x15C00] =	vst v63  }
0xed: {  	_ =	swait.ge [sflag:s22], $0x2000  }
0xee: {  	[sflag:s22] =	ssyncset.done $0x0  }
0xef: {  	s25 =	simm.s32 $0x9;
	s24 =	sadd.s32 s6, s18;
	[sflag:s22] =	ssyncadd.s32 $0xFFFFE000  }
0xf0: {  	[hbm4b:s24+s3] =	stream.linear.scatter [tilespmem:s31], [sflag:$0x12], $0x2000, $0x38;
	[tilespmem:$0x15C00] =	vst v63  }
0xf1: {  	_ =	swait.ge [sflag:s25], $0x2000  }
0xf2: {  	[sflag:s25] =	ssyncset.done $0x0;
	s26 =	rddreg [dreg:$0x9]  }
0xf3: {  	[sflag:s25] =	ssyncadd.s32 $0xFFFFE000;
	s28 =	sadd.s32 s4, s26  }
0xf4: {  	[hbm4b:s28+s3] =	stream.linear.scatter [tilespmem:s0], [sflag:$0x13], $0x2000, $0x38;
	[tilespmem:$0x15C00] =	vst v63  }
0xf5: {  	_ =	swait.ge [sflag:s14], $0x2000  }
0xf6: {  	[sflag:s14] =	ssyncset.done $0x0  }
0xf7: {  	s29 =	sadd.s32 s6, s26;
	[sflag:s14] =	ssyncadd.s32 $0xFFFFE000  }
0xf8: {  	[hbm4b:s29+s3] =	stream.linear.scatter [tilespmem:s5], [sflag:$0x14], $0x2000, $0x38;
	[tilespmem:$0x15C00] =	vst v63  }
0xf9: {  	_ =	swait.ge [sflag:s7], $0x2000  }
0xfa: {  	[sflag:s7] =	ssyncset.done $0x0  }
0xfb: {  	[sflag:s7] =	ssyncadd.s32 $0xFFFFE000  }
0xfc: {  	_ =	swait.ge [sflag:s8], $0x2000  }
0xfd: {  	[sflag:s8] =	ssyncset.done $0x0  }
0xfe: {  	[sflag:s8] =	ssyncadd.s32 $0xFFFFE000  }
0xff: {  	_ =	swait.ge [sflag:s9], $0x2000  }
0x100: {  	[sflag:s9] =	ssyncset.done $0x0  }
0x101: {  	[sflag:s9] =	ssyncadd.s32 $0xFFFFE000  }
0x102: {  	_ =	swait.ge [sflag:s10], $0x2000  }
0x103: {  	[sflag:s10] =	ssyncset.done $0x0  }
0x104: {  	[sflag:s10] =	ssyncadd.s32 $0xFFFFE000  }
0x105: {  	_ =	swait.ge [sflag:s11], $0x2000  }
0x106: {  	[sflag:s11] =	ssyncset.done $0x0  }
0x107: {  	[sflag:s11] =	ssyncadd.s32 $0xFFFFE000  }
0x108: {  	_ =	swait.ge [sflag:s13], $0x2000  }
0x109: {  	[sflag:s13] =	ssyncset.done $0x0  }
0x10a: {  	[sflag:s13] =	ssyncadd.s32 $0xFFFFE000  }
0x10b: {  	_ =	swait.ge [sflag:s16], $0x2000  }
0x10c: {  	[sflag:s16] =	ssyncset.done $0x0  }
0x10d: {  	[sflag:s16] =	ssyncadd.s32 $0xFFFFE000  }
0x10e: {  	_ =	swait.ge [sflag:s17], $0x2000  }
0x10f: {  	[sflag:s17] =	ssyncset.done $0x0  }
0x110: {  	[sflag:s17] =	ssyncadd.s32 $0xFFFFE000  }
0x111: {  	_ =	swait.ge [sflag:s19], $0x2000  }
0x112: {  	[sflag:s19] =	ssyncset.done $0x0  }
0x113: {  	[sflag:s19] =	ssyncadd.s32 $0xFFFFE000  }
0x114: {  	_ =	swait.ge [sflag:s21], $0x2000  }
0x115: {  	s30 =	rddreg [dreg:$0xc]  }
0x116: {  	s31 =	rddreg [dreg:$0xa];
	s0 =	sadd.s32 $0x1, s30  }
0x117: {  	p0 =	sne.s32 s0, s31  }
.Ltmp1:
0x118: {  	_ = 	snop;
	(pc) =	sbr.rel @p0 .LBB2_1-.Ltmp1, $3  }
0x119: {  	_ =	sdelay $0x1  }
0x11a: {  	[sflag:s21] =	ssyncset.done $0x0  }
0x11b: {  	[sflag:s21] =	ssyncadd.s32 $0xFFFFE000  }
0x11c: {  	_ =	sfence.sel $0x180000  }
0x11d: {  	[bflag:$0x0] =	sbarrier.arrive $0xFFFF  }
0x11e: {  	_ =	strace $0x90000047  }
0x11f: {  	s0 =	stileid.u32;
	[bflag:$0x2] =	sbarrier.arrive $0xFFFF  }
0x120: {  	p0 =	sne.s32 s0, $0x0;
	s0 =	rddreg [dreg:$0x3]  }
0x121: {  	s0 =	sadd.s32 @!p0 $0x100000, s0  }
0x122: {  	[sflag:s0] =	ssyncadd.tile.s32 @!p0 $0x1;
	_ =	shalt  }
.Lfunc_end2:
_tile_overlayer_lowered:
.L_overlay_start_2:
0x123: {  	(tag) =	ssettag $0x2  }
0x124: {  	s0 =	rddreg [dreg:$0x0];
	s2 =	stileid.u32  }
0x125: {  	s1 =	rddreg [dreg:$0x1];
	p0 =	sne.s32 s2, $0x0  }
0x126: {  	s3 =	rddreg [dreg:$0x2];
	[bflag:$0x3] =	sbarrier.arrive $0xFFFF;
	s2 =	simm.s32 @!p0 $0x1C15  }
0x127: {  	[timem:s3], [sflag:s2] =	dma.local @!p0 [hbm:s0], s1  }
0x128: {  	s0 =	simm.s32 @!p0 $0x15  }
0x129: {  	_ =	swait.ge @!p0 [sflag:s0], s1  }
0x12a: {  	s1 =	ssub.s32 @!p0 $0x0, s1;
	[sflag:s0] =	ssyncset.done @!p0 $0x0  }
0x12b: {  	[sflag:s0] =	ssyncadd.s32 @!p0 s1  }
0x12c: {  	[bflag:$0x3] =	sbarrier.arrive $0xFFFF  }
0x12d: {  	_ =	shalt  }

</sc_bundles>
